<compile_context>
chip_gen: v7x
topology: tpu7x:2x2x1
jax: 0.10.2.dev20260603
libtpu: 0.0.44.dev20260713+nightly
codegen_flags: <defaults>
</compile_context>

<pallas_src>
import jax
import jax.numpy as jnp
from jax import lax
from jax.experimental import pallas as pl
from jax.experimental.pallas import tpu as pltpu, tpu_sc as plsc

N = 10000
E = 320000
D = 128
H = 8
DH = 16
SCALE = -0.25

NC = 2
NS = 16
NW = NC * NS
C = 64
NCHUNKS = E // C
NPAD = 10240
ROWS_PER_SUB = NPAD // NS



def _proj_body(x_ref, s_ref, wq_ref, bq_ref, wk_ref, bk_ref, wv_ref, bv_ref,
               q_ref, kv_ref):
    x = x_ref[...]
    xs = x + s_ref[...]
    dn = (((1,), (1,)), ((), ()))
    q = lax.dot_general(xs, wq_ref[...], dn, precision=lax.Precision.HIGHEST,
                        preferred_element_type=jnp.float32)
    k = lax.dot_general(xs, wk_ref[...], dn, precision=lax.Precision.HIGHEST,
                        preferred_element_type=jnp.float32)
    v = lax.dot_general(x, wv_ref[...], dn, precision=lax.Precision.HIGHEST,
                        preferred_element_type=jnp.float32)
    q_ref[...] = (q + bq_ref[...]) * SCALE
    kv_ref[:, :D] = k + bk_ref[...]
    kv_ref[:, D:] = v + bv_ref[...]


def _proj(in_feats, struc_feats, Wq, bq, Wk, bk, Wv, bv):
    BN = 1000
    grid = (N // BN,)
    row_spec = pl.BlockSpec((BN, D), lambda i: (i, 0))
    w_spec = pl.BlockSpec((D, D), lambda i: (0, 0))
    b_spec = pl.BlockSpec((1, D), lambda i: (0, 0))
    return pl.pallas_call(
        _proj_body,
        grid=grid,
        in_specs=[row_spec, row_spec, w_spec, b_spec, w_spec, b_spec,
                  w_spec, b_spec],
        out_specs=[row_spec, pl.BlockSpec((BN, 2 * D), lambda i: (i, 0))],
        out_shape=[jax.ShapeDtypeStruct((N, D), jnp.float32),
                   jax.ShapeDtypeStruct((N, 2 * D), jnp.float32)],
    )(in_feats, struc_feats, Wq, bq.reshape(1, D), Wk, bk.reshape(1, D),
      Wv, bv.reshape(1, D))



def _edge_body(q_hbm, kv_hbm, eidx_hbm, out_hbm,
               gi2, sidx, didx, qg, kvg, msg, agg, sem_q, sem_kv):
    cid = lax.axis_index("c")
    sid = lax.axis_index("s")
    wid = sid * NC + cid

    def zrow(i, _):
        for j in range(D // 16):
            msg[i, pl.ds(j * 16, 16)] = jnp.zeros((16,), jnp.float32)
        return 0
    lax.fori_loop(0, C, zrow, 0)
    for t in range(ROWS_PER_SUB // C):
        pltpu.sync_copy(msg,
                        agg.at[pl.ds(sid * ROWS_PER_SUB + t * C, C)])
    plsc.subcore_barrier()

    rem = NCHUNKS - (NCHUNKS // NW) * NW
    trips = jnp.where(wid < rem, NCHUNKS // NW + 1, NCHUNKS // NW)

    def chunk(t, _):
        g = wid + NW * t
        pltpu.sync_copy(eidx_hbm.at[pl.ds(g * 2 * C, 2 * C)], gi2)
        for j in range(C // 16):
            sidx[pl.ds(j * 16, 16)] = gi2[pl.ds(j * 16, 16)]
            didx[pl.ds(j * 16, 16)] = gi2[pl.ds(C + j * 16, 16)]
        cp_q = pltpu.async_copy(q_hbm.at[sidx], qg, sem_q)
        cp_kv = pltpu.async_copy(kv_hbm.at[didx], kvg, sem_kv)
        cp_q.wait()
        cp_kv.wait()

        @plsc.parallel_loop(0, C, step=1, unroll=4)
        def edge(e):
            for h in range(H):
                qv = qg[e, pl.ds(h * DH, DH)]
                kv = kvg[e, pl.ds(h * DH, DH)]
                vv = kvg[e, pl.ds(D + h * DH, DH)]
                s = jnp.sum(qv * kv)
                den = 1.0 + jnp.exp(jnp.full((16,), s, jnp.float32))
                msg[e, pl.ds(h * DH, DH)] = vv / den

        pltpu.sync_copy(msg, agg.at[sidx], add=True)
        return 0
    lax.fori_loop(0, trips, chunk, 0)

    plsc.subcore_barrier()
    pltpu.sync_copy(agg.at[pl.ds(sid * ROWS_PER_SUB, ROWS_PER_SUB)],
                    out_hbm.at[cid, pl.ds(sid * ROWS_PER_SUB, ROWS_PER_SUB)])


def _edge_sc(q, kv, eidx):
    mesh = plsc.VectorSubcoreMesh(core_axis_name="c", subcore_axis_name="s")
    kern = pl.kernel(
        _edge_body,
        out_type=jax.ShapeDtypeStruct((NC, NPAD, D), jnp.float32),
        mesh=mesh,
        compiler_params=pltpu.CompilerParams(needs_layout_passes=False),
        scratch_types=[
            pltpu.VMEM((2 * C,), jnp.int32),
            pltpu.VMEM((C,), jnp.int32),
            pltpu.VMEM((C,), jnp.int32),
            pltpu.VMEM((C, D), jnp.float32),
            pltpu.VMEM((C, 2 * D), jnp.float32),
            pltpu.VMEM((C, D), jnp.float32),
            pltpu.VMEM_SHARED((NPAD, D), jnp.float32),
            pltpu.SemaphoreType.DMA,
            pltpu.SemaphoreType.DMA,
        ],
    )
    return kern(q, kv, eidx)



def _final_body(x_ref, p_ref, wo_ref, o_ref):
    s = p_ref[0] + p_ref[1]
    dn = (((1,), (1,)), ((), ()))
    o_ref[...] = x_ref[...] + lax.dot_general(
        s, wo_ref[...], dn, precision=lax.Precision.HIGHEST,
        preferred_element_type=jnp.float32)


def _final(in_feats, partials, Wo):
    BN = 1000
    grid = (N // BN,)
    row_spec = pl.BlockSpec((BN, D), lambda i: (i, 0))
    return pl.pallas_call(
        _final_body,
        grid=grid,
        in_specs=[row_spec,
                  pl.BlockSpec((NC, BN, D), lambda i: (0, i, 0)),
                  pl.BlockSpec((D, D), lambda i: (0, 0))],
        out_specs=row_spec,
        out_shape=jax.ShapeDtypeStruct((N, D), jnp.float32),
    )(in_feats, partials, Wo)


def kernel(in_feats, edge_ids, struc_feats, Wq, bq, Wk, bk, Wv, bv, Wo):
    q, kv = _proj(in_feats, struc_feats, Wq, bq, Wk, bk, Wv, bv)
    eidx = jnp.transpose(edge_ids.reshape(2, NCHUNKS, C),
                         (1, 0, 2)).reshape(-1)
    partials = _edge_sc(q, kv, eidx)
    return _final(in_feats, partials, Wo)

# --- scband reference (transcript-rebuilt; emitter-appended) ---
"""Pipeline reference for scband-graph-attn-68496138436782 (READ-ONLY COPY).

The authoritative reference and input builder live on the scoring server;
editing this copy changes nothing except your own understanding.
"""

import jax, jax.numpy as jnp
import numpy as np
import math

N = 10000
E = 320000
D = 128
H = 8


def _xavier(key, fan_out, fan_in):
    limit = math.sqrt(6.0 / (fan_in + fan_out))
    return jax.random.uniform(key, (fan_out, fan_in), minval=-limit, maxval=limit, dtype=jnp.float32)


def setup_inputs(seed: int = 0) -> dict:
    key = jax.random.key(seed)
    ks = jax.random.split(key, 8)
    in_feats = jax.random.normal(ks[0], (N, D), dtype=jnp.float32)
    edge_ids = jax.random.randint(ks[1], (2, E), 0, N, dtype=jnp.int32)
    struc_feats = jax.random.normal(ks[2], (N, D), dtype=jnp.float32)
    Wq = _xavier(ks[3], D, D)
    bq = jnp.zeros((D,), dtype=jnp.float32)
    Wk = _xavier(ks[4], D, D)
    bk = jnp.zeros((D,), dtype=jnp.float32)
    Wv = _xavier(ks[5], D, D)
    bv = jnp.zeros((D,), dtype=jnp.float32)
    Wo = _xavier(ks[6], D, D)
    return {
        'in_feats': in_feats,
        'edge_ids': edge_ids,
        'struc_feats': struc_feats,
        'Wq': Wq, 'bq': bq,
        'Wk': Wk, 'bk': bk,
        'Wv': Wv, 'bv': bv,
        'Wo': Wo,
    }


def reference(in_feats, edge_ids, struc_feats, Wq, bq, Wk, bk, Wv, bv, Wo):
    num_nodes = in_feats.shape[0]
    dh = D // H

    # no norm / no act_fn; struc_size is None and feature sizes match -> direct add
    delta_feats = in_feats
    delta_struc_feats = delta_feats + struc_feats

    qry_feats = delta_struc_feats @ Wq.T + bq
    key_feats = delta_struc_feats @ Wk.T + bk
    val_feats = delta_feats @ Wv.T + bv

    qry_feats = qry_feats / math.sqrt(dh)

    src = edge_ids[0]
    dst = edge_ids[1]

    # node_to_edge with reduction='mul-sum', num_groups=H:
    # per-edge, per-head dot product of query (row node) and key (col node)
    qh = qry_feats.reshape(num_nodes, H, dh)
    kh = key_feats.reshape(num_nodes, H, dh)
    attn_logits = jnp.sum(qh[src] * kh[dst], axis=-1)  # [E, H]
    attn_weights = jax.nn.sigmoid(attn_logits)

    # sparse_dense_mm: out[src] += attn * val[dst], per head
    vh = val_feats.reshape(num_nodes, H, dh)
    messages = attn_weights[:, :, None] * vh[dst]  # [E, H, dh]
    agg = jnp.zeros((num_nodes, H, dh), dtype=val_feats.dtype).at[src].add(messages)
    agg = agg.reshape(num_nodes, D)

    delta_out = agg @ Wo.T  # out_proj has no bias
    out_feats = in_feats + delta_out  # skip connection
    return out_feats

if __name__ == "__main__":
    import jax
    _d = setup_inputs()
    print(jax.jit(kernel)(*tuple(_d.values())))

</pallas_src>

<mosaic_0001>
#map = affine_map<(d0, d1) -> (0, 0)>
#map1 = affine_map<(d0, d1) -> (0)>
#map2 = affine_map<(d0, d1) -> (0, 0, 0)>
module attributes {stable_mosaic.version = 14 : i64} {
  func.func @_edge_body(%arg0: i32, %arg1: i32, %arg2: memref<10000x128xf32, #tpu.memory_space<hbm>>, %arg3: memref<10000x256xf32, #tpu.memory_space<hbm>>, %arg4: memref<640000xi32, #tpu.memory_space<hbm>>, %arg5: memref<2x10240x128xf32, #tpu.memory_space<hbm>>, %arg6: memref<128xi32, #tpu.memory_space<vmem>>, %arg7: memref<64xi32, #tpu.memory_space<vmem>>, %arg8: memref<64xi32, #tpu.memory_space<vmem>>, %arg9: memref<64x128xf32, #tpu.memory_space<vmem>>, %arg10: memref<64x256xf32, #tpu.memory_space<vmem>>, %arg11: memref<64x128xf32, #tpu.memory_space<vmem>>, %arg12: memref<10240x128xf32, #tpu.memory_space<vmem_shared>>, %arg13: memref<!tpu.dma_semaphore, #tpu.memory_space<semaphore_mem>>, %arg14: memref<!tpu.dma_semaphore, #tpu.memory_space<semaphore_mem>>) attributes {dimension_semantics = [#tpu.dimension_semantics<core_parallel>, #tpu.dimension_semantics<subcore_parallel>], iteration_bounds = array<i64: 2, 16>, scalar_prefetch = 0 : i64, scratch_operands = 9 : i64, tpu.core_type = #tpu.core_type<sc_vector_subcore>, window_params = [{transform_indices = #map}, {transform_indices = #map}, {transform_indices = #map1}, {transform_indices = #map2}]} {
    %mul3A = arith.constant 2 : i32
    %mul3A_0 = arith.muli %arg1, %mul3A : i32
    %add3A = arith.addi %mul3A_0, %arg0 : i32
    %scan3A = arith.constant 0 : i32
    %scan3A_1 = arith.constant 0 : i32
    %scan3A_2 = arith.constant 64 : i32
    %scan3A_3 = arith.addi %scan3A_1, %scan3A_2 : i32
    %scan3A_4 = arith.constant 1 : i32
    %scan3A_5 = scf.for %scan3A_65 = %scan3A_1 to %scan3A_3 step %scan3A_4 iter_args(%scan3A_66 = %scan3A) -> (i32)  : i32 {
      %broadcast_in_dim3A = arith.constant 0.000000e+00 : f32
      %broadcast_in_dim3A_67 = vector.broadcast %broadcast_in_dim3A : f32 to vector<16xf32>
      %swap3A = arith.index_cast %scan3A_65 : i32 to index
      %swap3A_68 = arith.constant 0 : index
      %swap3A_69 = tpu.vector_load %arg11[%swap3A, %swap3A_68] {strides = array<i32>} : memref<64x128xf32, #tpu.memory_space<vmem>>, vector<16xf32>,
      tpu.vector_store %arg11[%swap3A, %swap3A_68], %broadcast_in_dim3A_67 {strides = array<i32>} : memref<64x128xf32, #tpu.memory_space<vmem>>, vector<16xf32>,
      %broadcast_in_dim3A_70 = arith.constant 0.000000e+00 : f32
      %broadcast_in_dim3A_71 = vector.broadcast %broadcast_in_dim3A_70 : f32 to vector<16xf32>
      %swap3A_72 = arith.index_cast %scan3A_65 : i32 to index
      %swap3A_73 = arith.constant 16 : index
      %swap3A_74 = tpu.vector_load %arg11[%swap3A_72, %swap3A_73] {strides = array<i32>} : memref<64x128xf32, #tpu.memory_space<vmem>>, vector<16xf32>,
      tpu.vector_store %arg11[%swap3A_72, %swap3A_73], %broadcast_in_dim3A_71 {strides = array<i32>} : memref<64x128xf32, #tpu.memory_space<vmem>>, vector<16xf32>,
      %broadcast_in_dim3A_75 = arith.constant 0.000000e+00 : f32
      %broadcast_in_dim3A_76 = vector.broadcast %broadcast_in_dim3A_75 : f32 to vector<16xf32>
      %swap3A_77 = arith.index_cast %scan3A_65 : i32 to index
      %swap3A_78 = arith.constant 32 : index
      %swap3A_79 = tpu.vector_load %arg11[%swap3A_77, %swap3A_78] {strides = array<i32>} : memref<64x128xf32, #tpu.memory_space<vmem>>, vector<16xf32>,
      tpu.vector_store %arg11[%swap3A_77, %swap3A_78], %broadcast_in_dim3A_76 {strides = array<i32>} : memref<64x128xf32, #tpu.memory_space<vmem>>, vector<16xf32>,
      %broadcast_in_dim3A_80 = arith.constant 0.000000e+00 : f32
      %broadcast_in_dim3A_81 = vector.broadcast %broadcast_in_dim3A_80 : f32 to vector<16xf32>
      %swap3A_82 = arith.index_cast %scan3A_65 : i32 to index
      %swap3A_83 = arith.constant 48 : index
      %swap3A_84 = tpu.vector_load %arg11[%swap3A_82, %swap3A_83] {strides = array<i32>} : memref<64x128xf32, #tpu.memory_space<vmem>>, vector<16xf32>,
      tpu.vector_store %arg11[%swap3A_82, %swap3A_83], %broadcast_in_dim3A_81 {strides = array<i32>} : memref<64x128xf32, #tpu.memory_space<vmem>>, vector<16xf32>,
      %broadcast_in_dim3A_85 = arith.constant 0.000000e+00 : f32
      %broadcast_in_dim3A_86 = vector.broadcast %broadcast_in_dim3A_85 : f32 to vector<16xf32>
      %swap3A_87 = arith.index_cast %scan3A_65 : i32 to index
      %swap3A_88 = arith.constant 64 : index
      %swap3A_89 = tpu.vector_load %arg11[%swap3A_87, %swap3A_88] {strides = array<i32>} : memref<64x128xf32, #tpu.memory_space<vmem>>, vector<16xf32>,
      tpu.vector_store %arg11[%swap3A_87, %swap3A_88], %broadcast_in_dim3A_86 {strides = array<i32>} : memref<64x128xf32, #tpu.memory_space<vmem>>, vector<16xf32>,
      %broadcast_in_dim3A_90 = arith.constant 0.000000e+00 : f32
      %broadcast_in_dim3A_91 = vector.broadcast %broadcast_in_dim3A_90 : f32 to vector<16xf32>
      %swap3A_92 = arith.index_cast %scan3A_65 : i32 to index
      %swap3A_93 = arith.constant 80 : index
      %swap3A_94 = tpu.vector_load %arg11[%swap3A_92, %swap3A_93] {strides = array<i32>} : memref<64x128xf32, #tpu.memory_space<vmem>>, vector<16xf32>,
      tpu.vector_store %arg11[%swap3A_92, %swap3A_93], %broadcast_in_dim3A_91 {strides = array<i32>} : memref<64x128xf32, #tpu.memory_space<vmem>>, vector<16xf32>,
      %broadcast_in_dim3A_95 = arith.constant 0.000000e+00 : f32
      %broadcast_in_dim3A_96 = vector.broadcast %broadcast_in_dim3A_95 : f32 to vector<16xf32>
      %swap3A_97 = arith.index_cast %scan3A_65 : i32 to index
      %swap3A_98 = arith.constant 96 : index
      %swap3A_99 = tpu.vector_load %arg11[%swap3A_97, %swap3A_98] {strides = array<i32>} : memref<64x128xf32, #tpu.memory_space<vmem>>, vector<16xf32>,
      tpu.vector_store %arg11[%swap3A_97, %swap3A_98], %broadcast_in_dim3A_96 {strides = array<i32>} : memref<64x128xf32, #tpu.memory_space<vmem>>, vector<16xf32>,
      %broadcast_in_dim3A_100 = arith.constant 0.000000e+00 : f32
      %broadcast_in_dim3A_101 = vector.broadcast %broadcast_in_dim3A_100 : f32 to vector<16xf32>
      %swap3A_102 = arith.index_cast %scan3A_65 : i32 to index
      %swap3A_103 = arith.constant 112 : index
      %swap3A_104 = tpu.vector_load %arg11[%swap3A_102, %swap3A_103] {strides = array<i32>} : memref<64x128xf32, #tpu.memory_space<vmem>>, vector<16xf32>,
      tpu.vector_store %arg11[%swap3A_102, %swap3A_103], %broadcast_in_dim3A_101 {strides = array<i32>} : memref<64x128xf32, #tpu.memory_space<vmem>>, vector<16xf32>,
      %scan3A_105 = arith.constant 0 : i32
      scf.yield %scan3A_105 : i32
    }
    %scan3A_6 = arith.constant 64 : i32
    %mul3A_7 = arith.constant 640 : i32
    %mul3A_8 = arith.muli %arg1, %mul3A_7 : i32
    %add3A_9 = arith.constant 0 : i32
    %add3A_10 = arith.addi %mul3A_8, %add3A_9 : i32
    "tpu.region"() ({
      %run_scoped3A = tpu.sem_alloc : memref<!tpu.dma_semaphore, #tpu.memory_space<semaphore_mem>>
      %dma_start3A = arith.constant 0 : i32
      %dma_start3A_65 = tpu.memref_slice %arg12[%add3A_10, %dma_start3A] : memref<10240x128xf32, #tpu.memory_space<vmem_shared>> -> memref<64x128xf32, #tpu.memory_space<vmem_shared>>
      %dma_start3A_66 = arith.constant 0 : i32
      %dma_start3A_67 = tpu.memref_slice %arg12[%add3A_10, %dma_start3A_66] : memref<10240x128xf32, #tpu.memory_space<vmem_shared>> -> memref<64x128xf32, #tpu.memory_space<vmem_shared>>
      tpu.enqueue_dma source(%arg11 : memref<64x128xf32, #tpu.memory_space<vmem>>) target(%dma_start3A_67 : memref<64x128xf32, #tpu.memory_space<vmem_shared>>) target_semaphore(%run_scoped3A : memref<!tpu.dma_semaphore, #tpu.memory_space<semaphore_mem>>)
      %dma_wait3A = arith.constant 0 : i32
      %dma_wait3A_68 = tpu.memref_slice %arg12[%add3A_10, %dma_wait3A] : memref<10240x128xf32, #tpu.memory_space<vmem_shared>> -> memref<64x128xf32, #tpu.memory_space<vmem_shared>>
      %dma_wait3A_69 = arith.constant 0 : i32
      %dma_wait3A_70 = tpu.memref_slice %arg12[%add3A_10, %dma_wait3A_69] : memref<10240x128xf32, #tpu.memory_space<vmem_shared>> -> memref<64x128xf32, #tpu.memory_space<vmem_shared>>
      tpu.wait_dma2 semaphore(%run_scoped3A : memref<!tpu.dma_semaphore, #tpu.memory_space<semaphore_mem>>) src(%arg11 : memref<64x128xf32, #tpu.memory_space<vmem>>) dst(%dma_wait3A_70 : memref<64x128xf32, #tpu.memory_space<vmem_shared>>)
      tpu.yield
    }) : () -> ()
    %mul3A_11 = arith.constant 640 : i32
    %mul3A_12 = arith.muli %arg1, %mul3A_11 : i32
    %add3A_13 = arith.constant 64 : i32
    %add3A_14 = arith.addi %mul3A_12, %add3A_13 : i32
    "tpu.region"() ({
      %run_scoped3A = tpu.sem_alloc : memref<!tpu.dma_semaphore, #tpu.memory_space<semaphore_mem>>
      %dma_start3A = arith.constant 0 : i32
      %dma_start3A_65 = tpu.memref_slice %arg12[%add3A_14, %dma_start3A] : memref<10240x128xf32, #tpu.memory_space<vmem_shared>> -> memref<64x128xf32, #tpu.memory_space<vmem_shared>>
      %dma_start3A_66 = arith.constant 0 : i32
      %dma_start3A_67 = tpu.memref_slice %arg12[%add3A_14, %dma_start3A_66] : memref<10240x128xf32, #tpu.memory_space<vmem_shared>> -> memref<64x128xf32, #tpu.memory_space<vmem_shared>>
      tpu.enqueue_dma source(%arg11 : memref<64x128xf32, #tpu.memory_space<vmem>>) target(%dma_start3A_67 : memref<64x128xf32, #tpu.memory_space<vmem_shared>>) target_semaphore(%run_scoped3A : memref<!tpu.dma_semaphore, #tpu.memory_space<semaphore_mem>>)
      %dma_wait3A = arith.constant 0 : i32
      %dma_wait3A_68 = tpu.memref_slice %arg12[%add3A_14, %dma_wait3A] : memref<10240x128xf32, #tpu.memory_space<vmem_shared>> -> memref<64x128xf32, #tpu.memory_space<vmem_shared>>
      %dma_wait3A_69 = arith.constant 0 : i32
      %dma_wait3A_70 = tpu.memref_slice %arg12[%add3A_14, %dma_wait3A_69] : memref<10240x128xf32, #tpu.memory_space<vmem_shared>> -> memref<64x128xf32, #tpu.memory_space<vmem_shared>>
      tpu.wait_dma2 semaphore(%run_scoped3A : memref<!tpu.dma_semaphore, #tpu.memory_space<semaphore_mem>>) src(%arg11 : memref<64x128xf32, #tpu.memory_space<vmem>>) dst(%dma_wait3A_70 : memref<64x128xf32, #tpu.memory_space<vmem_shared>>)
      tpu.yield
    }) : () -> ()
    %mul3A_15 = arith.constant 640 : i32
    %mul3A_16 = arith.muli %arg1, %mul3A_15 : i32
    %add3A_17 = arith.constant 128 : i32
    %add3A_18 = arith.addi %mul3A_16, %add3A_17 : i32
    "tpu.region"() ({
      %run_scoped3A = tpu.sem_alloc : memref<!tpu.dma_semaphore, #tpu.memory_space<semaphore_mem>>
      %dma_start3A = arith.constant 0 : i32
      %dma_start3A_65 = tpu.memref_slice %arg12[%add3A_18, %dma_start3A] : memref<10240x128xf32, #tpu.memory_space<vmem_shared>> -> memref<64x128xf32, #tpu.memory_space<vmem_shared>>
      %dma_start3A_66 = arith.constant 0 : i32
      %dma_start3A_67 = tpu.memref_slice %arg12[%add3A_18, %dma_start3A_66] : memref<10240x128xf32, #tpu.memory_space<vmem_shared>> -> memref<64x128xf32, #tpu.memory_space<vmem_shared>>
      tpu.enqueue_dma source(%arg11 : memref<64x128xf32, #tpu.memory_space<vmem>>) target(%dma_start3A_67 : memref<64x128xf32, #tpu.memory_space<vmem_shared>>) target_semaphore(%run_scoped3A : memref<!tpu.dma_semaphore, #tpu.memory_space<semaphore_mem>>)
      %dma_wait3A = arith.constant 0 : i32
      %dma_wait3A_68 = tpu.memref_slice %arg12[%add3A_18, %dma_wait3A] : memref<10240x128xf32, #tpu.memory_space<vmem_shared>> -> memref<64x128xf32, #tpu.memory_space<vmem_shared>>
      %dma_wait3A_69 = arith.constant 0 : i32
      %dma_wait3A_70 = tpu.memref_slice %arg12[%add3A_18, %dma_wait3A_69] : memref<10240x128xf32, #tpu.memory_space<vmem_shared>> -> memref<64x128xf32, #tpu.memory_space<vmem_shared>>
      tpu.wait_dma2 semaphore(%run_scoped3A : memref<!tpu.dma_semaphore, #tpu.memory_space<semaphore_mem>>) src(%arg11 : memref<64x128xf32, #tpu.memory_space<vmem>>) dst(%dma_wait3A_70 : memref<64x128xf32, #tpu.memory_space<vmem_shared>>)
      tpu.yield
    }) : () -> ()
    %mul3A_19 = arith.constant 640 : i32
    %mul3A_20 = arith.muli %arg1, %mul3A_19 : i32
    %add3A_21 = arith.constant 192 : i32
    %add3A_22 = arith.addi %mul3A_20, %add3A_21 : i32
    "tpu.region"() ({
      %run_scoped3A = tpu.sem_alloc : memref<!tpu.dma_semaphore, #tpu.memory_space<semaphore_mem>>
      %dma_start3A = arith.constant 0 : i32
      %dma_start3A_65 = tpu.memref_slice %arg12[%add3A_22, %dma_start3A] : memref<10240x128xf32, #tpu.memory_space<vmem_shared>> -> memref<64x128xf32, #tpu.memory_space<vmem_shared>>
      %dma_start3A_66 = arith.constant 0 : i32
      %dma_start3A_67 = tpu.memref_slice %arg12[%add3A_22, %dma_start3A_66] : memref<10240x128xf32, #tpu.memory_space<vmem_shared>> -> memref<64x128xf32, #tpu.memory_space<vmem_shared>>
      tpu.enqueue_dma source(%arg11 : memref<64x128xf32, #tpu.memory_space<vmem>>) target(%dma_start3A_67 : memref<64x128xf32, #tpu.memory_space<vmem_shared>>) target_semaphore(%run_scoped3A : memref<!tpu.dma_semaphore, #tpu.memory_space<semaphore_mem>>)
      %dma_wait3A = arith.constant 0 : i32
      %dma_wait3A_68 = tpu.memref_slice %arg12[%add3A_22, %dma_wait3A] : memref<10240x128xf32, #tpu.memory_space<vmem_shared>> -> memref<64x128xf32, #tpu.memory_space<vmem_shared>>
      %dma_wait3A_69 = arith.constant 0 : i32
      %dma_wait3A_70 = tpu.memref_slice %arg12[%add3A_22, %dma_wait3A_69] : memref<10240x128xf32, #tpu.memory_space<vmem_shared>> -> memref<64x128xf32, #tpu.memory_space<vmem_shared>>
      tpu.wait_dma2 semaphore(%run_scoped3A : memref<!tpu.dma_semaphore, #tpu.memory_space<semaphore_mem>>) src(%arg11 : memref<64x128xf32, #tpu.memory_space<vmem>>) dst(%dma_wait3A_70 : memref<64x128xf32, #tpu.memory_space<vmem_shared>>)
      tpu.yield
    }) : () -> ()
    %mul3A_23 = arith.constant 640 : i32
    %mul3A_24 = arith.muli %arg1, %mul3A_23 : i32
    %add3A_25 = arith.constant 256 : i32
    %add3A_26 = arith.addi %mul3A_24, %add3A_25 : i32
    "tpu.region"() ({
      %run_scoped3A = tpu.sem_alloc : memref<!tpu.dma_semaphore, #tpu.memory_space<semaphore_mem>>
      %dma_start3A = arith.constant 0 : i32
      %dma_start3A_65 = tpu.memref_slice %arg12[%add3A_26, %dma_start3A] : memref<10240x128xf32, #tpu.memory_space<vmem_shared>> -> memref<64x128xf32, #tpu.memory_space<vmem_shared>>
      %dma_start3A_66 = arith.constant 0 : i32
      %dma_start3A_67 = tpu.memref_slice %arg12[%add3A_26, %dma_start3A_66] : memref<10240x128xf32, #tpu.memory_space<vmem_shared>> -> memref<64x128xf32, #tpu.memory_space<vmem_shared>>
      tpu.enqueue_dma source(%arg11 : memref<64x128xf32, #tpu.memory_space<vmem>>) target(%dma_start3A_67 : memref<64x128xf32, #tpu.memory_space<vmem_shared>>) target_semaphore(%run_scoped3A : memref<!tpu.dma_semaphore, #tpu.memory_space<semaphore_mem>>)
      %dma_wait3A = arith.constant 0 : i32
      %dma_wait3A_68 = tpu.memref_slice %arg12[%add3A_26, %dma_wait3A] : memref<10240x128xf32, #tpu.memory_space<vmem_shared>> -> memref<64x128xf32, #tpu.memory_space<vmem_shared>>
      %dma_wait3A_69 = arith.constant 0 : i32
      %dma_wait3A_70 = tpu.memref_slice %arg12[%add3A_26, %dma_wait3A_69] : memref<10240x128xf32, #tpu.memory_space<vmem_shared>> -> memref<64x128xf32, #tpu.memory_space<vmem_shared>>
      tpu.wait_dma2 semaphore(%run_scoped3A : memref<!tpu.dma_semaphore, #tpu.memory_space<semaphore_mem>>) src(%arg11 : memref<64x128xf32, #tpu.memory_space<vmem>>) dst(%dma_wait3A_70 : memref<64x128xf32, #tpu.memory_space<vmem_shared>>)
      tpu.yield
    }) : () -> ()
    %mul3A_27 = arith.constant 640 : i32
    %mul3A_28 = arith.muli %arg1, %mul3A_27 : i32
    %add3A_29 = arith.constant 320 : i32
    %add3A_30 = arith.addi %mul3A_28, %add3A_29 : i32
    "tpu.region"() ({
      %run_scoped3A = tpu.sem_alloc : memref<!tpu.dma_semaphore, #tpu.memory_space<semaphore_mem>>
      %dma_start3A = arith.constant 0 : i32
      %dma_start3A_65 = tpu.memref_slice %arg12[%add3A_30, %dma_start3A] : memref<10240x128xf32, #tpu.memory_space<vmem_shared>> -> memref<64x128xf32, #tpu.memory_space<vmem_shared>>
      %dma_start3A_66 = arith.constant 0 : i32
      %dma_start3A_67 = tpu.memref_slice %arg12[%add3A_30, %dma_start3A_66] : memref<10240x128xf32, #tpu.memory_space<vmem_shared>> -> memref<64x128xf32, #tpu.memory_space<vmem_shared>>
      tpu.enqueue_dma source(%arg11 : memref<64x128xf32, #tpu.memory_space<vmem>>) target(%dma_start3A_67 : memref<64x128xf32, #tpu.memory_space<vmem_shared>>) target_semaphore(%run_scoped3A : memref<!tpu.dma_semaphore, #tpu.memory_space<semaphore_mem>>)
      %dma_wait3A = arith.constant 0 : i32
      %dma_wait3A_68 = tpu.memref_slice %arg12[%add3A_30, %dma_wait3A] : memref<10240x128xf32, #tpu.memory_space<vmem_shared>> -> memref<64x128xf32, #tpu.memory_space<vmem_shared>>
      %dma_wait3A_69 = arith.constant 0 : i32
      %dma_wait3A_70 = tpu.memref_slice %arg12[%add3A_30, %dma_wait3A_69] : memref<10240x128xf32, #tpu.memory_space<vmem_shared>> -> memref<64x128xf32, #tpu.memory_space<vmem_shared>>
      tpu.wait_dma2 semaphore(%run_scoped3A : memref<!tpu.dma_semaphore, #tpu.memory_space<semaphore_mem>>) src(%arg11 : memref<64x128xf32, #tpu.memory_space<vmem>>) dst(%dma_wait3A_70 : memref<64x128xf32, #tpu.memory_space<vmem_shared>>)
      tpu.yield
    }) : () -> ()
    %mul3A_31 = arith.constant 640 : i32
    %mul3A_32 = arith.muli %arg1, %mul3A_31 : i32
    %add3A_33 = arith.constant 384 : i32
    %add3A_34 = arith.addi %mul3A_32, %add3A_33 : i32
    "tpu.region"() ({
      %run_scoped3A = tpu.sem_alloc : memref<!tpu.dma_semaphore, #tpu.memory_space<semaphore_mem>>
      %dma_start3A = arith.constant 0 : i32
      %dma_start3A_65 = tpu.memref_slice %arg12[%add3A_34, %dma_start3A] : memref<10240x128xf32, #tpu.memory_space<vmem_shared>> -> memref<64x128xf32, #tpu.memory_space<vmem_shared>>
      %dma_start3A_66 = arith.constant 0 : i32
      %dma_start3A_67 = tpu.memref_slice %arg12[%add3A_34, %dma_start3A_66] : memref<10240x128xf32, #tpu.memory_space<vmem_shared>> -> memref<64x128xf32, #tpu.memory_space<vmem_shared>>
      tpu.enqueue_dma source(%arg11 : memref<64x128xf32, #tpu.memory_space<vmem>>) target(%dma_start3A_67 : memref<64x128xf32, #tpu.memory_space<vmem_shared>>) target_semaphore(%run_scoped3A : memref<!tpu.dma_semaphore, #tpu.memory_space<semaphore_mem>>)
      %dma_wait3A = arith.constant 0 : i32
      %dma_wait3A_68 = tpu.memref_slice %arg12[%add3A_34, %dma_wait3A] : memref<10240x128xf32, #tpu.memory_space<vmem_shared>> -> memref<64x128xf32, #tpu.memory_space<vmem_shared>>
      %dma_wait3A_69 = arith.constant 0 : i32
      %dma_wait3A_70 = tpu.memref_slice %arg12[%add3A_34, %dma_wait3A_69] : memref<10240x128xf32, #tpu.memory_space<vmem_shared>> -> memref<64x128xf32, #tpu.memory_space<vmem_shared>>
      tpu.wait_dma2 semaphore(%run_scoped3A : memref<!tpu.dma_semaphore, #tpu.memory_space<semaphore_mem>>) src(%arg11 : memref<64x128xf32, #tpu.memory_space<vmem>>) dst(%dma_wait3A_70 : memref<64x128xf32, #tpu.memory_space<vmem_shared>>)
      tpu.yield
    }) : () -> ()
    %mul3A_35 = arith.constant 640 : i32
    %mul3A_36 = arith.muli %arg1, %mul3A_35 : i32
    %add3A_37 = arith.constant 448 : i32
    %add3A_38 = arith.addi %mul3A_36, %add3A_37 : i32
    "tpu.region"() ({
      %run_scoped3A = tpu.sem_alloc : memref<!tpu.dma_semaphore, #tpu.memory_space<semaphore_mem>>
      %dma_start3A = arith.constant 0 : i32
      %dma_start3A_65 = tpu.memref_slice %arg12[%add3A_38, %dma_start3A] : memref<10240x128xf32, #tpu.memory_space<vmem_shared>> -> memref<64x128xf32, #tpu.memory_space<vmem_shared>>
      %dma_start3A_66 = arith.constant 0 : i32
      %dma_start3A_67 = tpu.memref_slice %arg12[%add3A_38, %dma_start3A_66] : memref<10240x128xf32, #tpu.memory_space<vmem_shared>> -> memref<64x128xf32, #tpu.memory_space<vmem_shared>>
      tpu.enqueue_dma source(%arg11 : memref<64x128xf32, #tpu.memory_space<vmem>>) target(%dma_start3A_67 : memref<64x128xf32, #tpu.memory_space<vmem_shared>>) target_semaphore(%run_scoped3A : memref<!tpu.dma_semaphore, #tpu.memory_space<semaphore_mem>>)
      %dma_wait3A = arith.constant 0 : i32
      %dma_wait3A_68 = tpu.memref_slice %arg12[%add3A_38, %dma_wait3A] : memref<10240x128xf32, #tpu.memory_space<vmem_shared>> -> memref<64x128xf32, #tpu.memory_space<vmem_shared>>
      %dma_wait3A_69 = arith.constant 0 : i32
      %dma_wait3A_70 = tpu.memref_slice %arg12[%add3A_38, %dma_wait3A_69] : memref<10240x128xf32, #tpu.memory_space<vmem_shared>> -> memref<64x128xf32, #tpu.memory_space<vmem_shared>>
      tpu.wait_dma2 semaphore(%run_scoped3A : memref<!tpu.dma_semaphore, #tpu.memory_space<semaphore_mem>>) src(%arg11 : memref<64x128xf32, #tpu.memory_space<vmem>>) dst(%dma_wait3A_70 : memref<64x128xf32, #tpu.memory_space<vmem_shared>>)
      tpu.yield
    }) : () -> ()
    %mul3A_39 = arith.constant 640 : i32
    %mul3A_40 = arith.muli %arg1, %mul3A_39 : i32
    %add3A_41 = arith.constant 512 : i32
    %add3A_42 = arith.addi %mul3A_40, %add3A_41 : i32
    "tpu.region"() ({
      %run_scoped3A = tpu.sem_alloc : memref<!tpu.dma_semaphore, #tpu.memory_space<semaphore_mem>>
      %dma_start3A = arith.constant 0 : i32
      %dma_start3A_65 = tpu.memref_slice %arg12[%add3A_42, %dma_start3A] : memref<10240x128xf32, #tpu.memory_space<vmem_shared>> -> memref<64x128xf32, #tpu.memory_space<vmem_shared>>
      %dma_start3A_66 = arith.constant 0 : i32
      %dma_start3A_67 = tpu.memref_slice %arg12[%add3A_42, %dma_start3A_66] : memref<10240x128xf32, #tpu.memory_space<vmem_shared>> -> memref<64x128xf32, #tpu.memory_space<vmem_shared>>
      tpu.enqueue_dma source(%arg11 : memref<64x128xf32, #tpu.memory_space<vmem>>) target(%dma_start3A_67 : memref<64x128xf32, #tpu.memory_space<vmem_shared>>) target_semaphore(%run_scoped3A : memref<!tpu.dma_semaphore, #tpu.memory_space<semaphore_mem>>)
      %dma_wait3A = arith.constant 0 : i32
      %dma_wait3A_68 = tpu.memref_slice %arg12[%add3A_42, %dma_wait3A] : memref<10240x128xf32, #tpu.memory_space<vmem_shared>> -> memref<64x128xf32, #tpu.memory_space<vmem_shared>>
      %dma_wait3A_69 = arith.constant 0 : i32
      %dma_wait3A_70 = tpu.memref_slice %arg12[%add3A_42, %dma_wait3A_69] : memref<10240x128xf32, #tpu.memory_space<vmem_shared>> -> memref<64x128xf32, #tpu.memory_space<vmem_shared>>
      tpu.wait_dma2 semaphore(%run_scoped3A : memref<!tpu.dma_semaphore, #tpu.memory_space<semaphore_mem>>) src(%arg11 : memref<64x128xf32, #tpu.memory_space<vmem>>) dst(%dma_wait3A_70 : memref<64x128xf32, #tpu.memory_space<vmem_shared>>)
      tpu.yield
    }) : () -> ()
    %mul3A_43 = arith.constant 640 : i32
    %mul3A_44 = arith.muli %arg1, %mul3A_43 : i32
    %add3A_45 = arith.constant 576 : i32
    %add3A_46 = arith.addi %mul3A_44, %add3A_45 : i32
    "tpu.region"() ({
      %run_scoped3A = tpu.sem_alloc : memref<!tpu.dma_semaphore, #tpu.memory_space<semaphore_mem>>
      %dma_start3A = arith.constant 0 : i32
      %dma_start3A_65 = tpu.memref_slice %arg12[%add3A_46, %dma_start3A] : memref<10240x128xf32, #tpu.memory_space<vmem_shared>> -> memref<64x128xf32, #tpu.memory_space<vmem_shared>>
      %dma_start3A_66 = arith.constant 0 : i32
      %dma_start3A_67 = tpu.memref_slice %arg12[%add3A_46, %dma_start3A_66] : memref<10240x128xf32, #tpu.memory_space<vmem_shared>> -> memref<64x128xf32, #tpu.memory_space<vmem_shared>>
      tpu.enqueue_dma source(%arg11 : memref<64x128xf32, #tpu.memory_space<vmem>>) target(%dma_start3A_67 : memref<64x128xf32, #tpu.memory_space<vmem_shared>>) target_semaphore(%run_scoped3A : memref<!tpu.dma_semaphore, #tpu.memory_space<semaphore_mem>>)
      %dma_wait3A = arith.constant 0 : i32
      %dma_wait3A_68 = tpu.memref_slice %arg12[%add3A_46, %dma_wait3A] : memref<10240x128xf32, #tpu.memory_space<vmem_shared>> -> memref<64x128xf32, #tpu.memory_space<vmem_shared>>
      %dma_wait3A_69 = arith.constant 0 : i32
      %dma_wait3A_70 = tpu.memref_slice %arg12[%add3A_46, %dma_wait3A_69] : memref<10240x128xf32, #tpu.memory_space<vmem_shared>> -> memref<64x128xf32, #tpu.memory_space<vmem_shared>>
      tpu.wait_dma2 semaphore(%run_scoped3A : memref<!tpu.dma_semaphore, #tpu.memory_space<semaphore_mem>>) src(%arg11 : memref<64x128xf32, #tpu.memory_space<vmem>>) dst(%dma_wait3A_70 : memref<64x128xf32, #tpu.memory_space<vmem_shared>>)
      tpu.yield
    }) : () -> ()
    %barrier3A = arith.constant 0 : index
    tpu.barrier barrier_id(%barrier3A)
    %lt3A = arith.constant 8 : i32
    %lt3A_47 = arith.cmpi slt, %add3A, %lt3A : i32
    %jit3A = arith.constant 157 : i32
    %jit3A_48 = arith.constant 156 : i32
    %select_n3A = arith.select %lt3A_47, %jit3A, %jit3A_48 : i32
    %while3A = arith.constant 0 : i32
    %while3A_49 = arith.constant 0 : i32
    %while3A_50 = arith.subi %select_n3A, %while3A : i32
    %while3A_51 = arith.addi %while3A, %while3A_50 : i32
    %while3A_52 = arith.constant 1 : i32
    %while3A_53 = arith.divsi %while3A_50, %while3A_52 : i32
    %while3A_54 = arith.muli %while3A_53, %while3A_52 : i32
    %while3A_55 = arith.addi %while3A, %while3A_54 : i32
    %while3A_56 = arith.constant 1 : i32
    %while3A_57 = scf.for %while3A_65 = %while3A to %while3A_55 step %while3A_56 iter_args(%while3A_66 = %while3A_49) -> (i32)  : i32 {
      %mul3A_67 = arith.constant 32 : i32
      %mul3A_68 = arith.muli %mul3A_67, %while3A_65 : i32
      %add3A_69 = arith.addi %add3A, %mul3A_68 : i32
      %mul3A_70 = arith.constant 2 : i32
      %mul3A_71 = arith.muli %add3A_69, %mul3A_70 : i32
      %mul3A_72 = arith.constant 64 : i32
      %mul3A_73 = arith.muli %mul3A_71, %mul3A_72 : i32
      "tpu.region"() ({
        %run_scoped3A = tpu.sem_alloc : memref<!tpu.dma_semaphore, #tpu.memory_space<semaphore_mem>>
        %dma_start3A_117 = tpu.memref_slice %arg4[%mul3A_73] : memref<640000xi32, #tpu.memory_space<hbm>> -> memref<128xi32, #tpu.memory_space<hbm>>
        %dma_start3A_118 = tpu.memref_slice %arg4[%mul3A_73] : memref<640000xi32, #tpu.memory_space<hbm>> -> memref<128xi32, #tpu.memory_space<hbm>>
        tpu.enqueue_dma source(%dma_start3A_118 : memref<128xi32, #tpu.memory_space<hbm>>) target(%arg6 : memref<128xi32, #tpu.memory_space<vmem>>) target_semaphore(%run_scoped3A : memref<!tpu.dma_semaphore, #tpu.memory_space<semaphore_mem>>)
        %dma_wait3A_119 = tpu.memref_slice %arg4[%mul3A_73] : memref<640000xi32, #tpu.memory_space<hbm>> -> memref<128xi32, #tpu.memory_space<hbm>>
        %dma_wait3A_120 = tpu.memref_slice %arg4[%mul3A_73] : memref<640000xi32, #tpu.memory_space<hbm>> -> memref<128xi32, #tpu.memory_space<hbm>>
        tpu.wait_dma2 semaphore(%run_scoped3A : memref<!tpu.dma_semaphore, #tpu.memory_space<semaphore_mem>>) src(%dma_wait3A_120 : memref<128xi32, #tpu.memory_space<hbm>>) dst(%arg6 : memref<128xi32, #tpu.memory_space<vmem>>)
        tpu.yield
      }) : () -> ()
      %get3A = arith.constant 0 : index
      %get3A_74 = tpu.vector_load %arg6[%get3A] {strides = array<i32>} : memref<128xi32, #tpu.memory_space<vmem>>, vector<16xi32>,
      %swap3A = arith.constant 0 : index
      %swap3A_75 = tpu.vector_load %arg7[%swap3A] {strides = array<i32>} : memref<64xi32, #tpu.memory_space<vmem>>, vector<16xi32>,
      tpu.vector_store %arg7[%swap3A], %get3A_74 {strides = array<i32>} : memref<64xi32, #tpu.memory_space<vmem>>, vector<16xi32>,
      %get3A_76 = arith.constant 64 : index
      %get3A_77 = tpu.vector_load %arg6[%get3A_76] {strides = array<i32>} : memref<128xi32, #tpu.memory_space<vmem>>, vector<16xi32>,
      %swap3A_78 = arith.constant 0 : index
      %swap3A_79 = tpu.vector_load %arg8[%swap3A_78] {strides = array<i32>} : memref<64xi32, #tpu.memory_space<vmem>>, vector<16xi32>,
      tpu.vector_store %arg8[%swap3A_78], %get3A_77 {strides = array<i32>} : memref<64xi32, #tpu.memory_space<vmem>>, vector<16xi32>,
      %get3A_80 = arith.constant 16 : index
      %get3A_81 = tpu.vector_load %arg6[%get3A_80] {strides = array<i32>} : memref<128xi32, #tpu.memory_space<vmem>>, vector<16xi32>,
      %swap3A_82 = arith.constant 16 : index
      %swap3A_83 = tpu.vector_load %arg7[%swap3A_82] {strides = array<i32>} : memref<64xi32, #tpu.memory_space<vmem>>, vector<16xi32>,
      tpu.vector_store %arg7[%swap3A_82], %get3A_81 {strides = array<i32>} : memref<64xi32, #tpu.memory_space<vmem>>, vector<16xi32>,
      %get3A_84 = arith.constant 80 : index
      %get3A_85 = tpu.vector_load %arg6[%get3A_84] {strides = array<i32>} : memref<128xi32, #tpu.memory_space<vmem>>, vector<16xi32>,
      %swap3A_86 = arith.constant 16 : index
      %swap3A_87 = tpu.vector_load %arg8[%swap3A_86] {strides = array<i32>} : memref<64xi32, #tpu.memory_space<vmem>>, vector<16xi32>,
      tpu.vector_store %arg8[%swap3A_86], %get3A_85 {strides = array<i32>} : memref<64xi32, #tpu.memory_space<vmem>>, vector<16xi32>,
      %get3A_88 = arith.constant 32 : index
      %get3A_89 = tpu.vector_load %arg6[%get3A_88] {strides = array<i32>} : memref<128xi32, #tpu.memory_space<vmem>>, vector<16xi32>,
      %swap3A_90 = arith.constant 32 : index
      %swap3A_91 = tpu.vector_load %arg7[%swap3A_90] {strides = array<i32>} : memref<64xi32, #tpu.memory_space<vmem>>, vector<16xi32>,
      tpu.vector_store %arg7[%swap3A_90], %get3A_89 {strides = array<i32>} : memref<64xi32, #tpu.memory_space<vmem>>, vector<16xi32>,
      %get3A_92 = arith.constant 96 : index
      %get3A_93 = tpu.vector_load %arg6[%get3A_92] {strides = array<i32>} : memref<128xi32, #tpu.memory_space<vmem>>, vector<16xi32>,
      %swap3A_94 = arith.constant 32 : index
      %swap3A_95 = tpu.vector_load %arg8[%swap3A_94] {strides = array<i32>} : memref<64xi32, #tpu.memory_space<vmem>>, vector<16xi32>,
      tpu.vector_store %arg8[%swap3A_94], %get3A_93 {strides = array<i32>} : memref<64xi32, #tpu.memory_space<vmem>>, vector<16xi32>,
      %get3A_96 = arith.constant 48 : index
      %get3A_97 = tpu.vector_load %arg6[%get3A_96] {strides = array<i32>} : memref<128xi32, #tpu.memory_space<vmem>>, vector<16xi32>,
      %swap3A_98 = arith.constant 48 : index
      %swap3A_99 = tpu.vector_load %arg7[%swap3A_98] {strides = array<i32>} : memref<64xi32, #tpu.memory_space<vmem>>, vector<16xi32>,
      tpu.vector_store %arg7[%swap3A_98], %get3A_97 {strides = array<i32>} : memref<64xi32, #tpu.memory_space<vmem>>, vector<16xi32>,
      %get3A_100 = arith.constant 112 : index
      %get3A_101 = tpu.vector_load %arg6[%get3A_100] {strides = array<i32>} : memref<128xi32, #tpu.memory_space<vmem>>, vector<16xi32>,
      %swap3A_102 = arith.constant 48 : index
      %swap3A_103 = tpu.vector_load %arg8[%swap3A_102] {strides = array<i32>} : memref<64xi32, #tpu.memory_space<vmem>>, vector<16xi32>,
      tpu.vector_store %arg8[%swap3A_102], %get3A_101 {strides = array<i32>} : memref<64xi32, #tpu.memory_space<vmem>>, vector<16xi32>,
      %dma_start3A = arith.constant 0 : i32
      %dma_start3A_104 = arith.constant 0 : i32
      %dma_start3A_105 = tpu.memref_slice %arg2[%dma_start3A, %dma_start3A_104] : memref<10000x128xf32, #tpu.memory_space<hbm>> -> memref<10000x128xf32, #tpu.memory_space<hbm>>
      tpu.enqueue_indirect_dma source(%dma_start3A_105 : memref<10000x128xf32, #tpu.memory_space<hbm>>) target(%arg9 : memref<64x128xf32, #tpu.memory_space<vmem>>) offsets(%arg7 : memref<64xi32, #tpu.memory_space<vmem>>) semaphore(%arg13 : memref<!tpu.dma_semaphore, #tpu.memory_space<semaphore_mem>>)
      %dma_start3A_106 = arith.constant 0 : i32
      %dma_start3A_107 = arith.constant 0 : i32
      %dma_start3A_108 = tpu.memref_slice %arg3[%dma_start3A_106, %dma_start3A_107] : memref<10000x256xf32, #tpu.memory_space<hbm>> -> memref<10000x256xf32, #tpu.memory_space<hbm>>
      tpu.enqueue_indirect_dma source(%dma_start3A_108 : memref<10000x256xf32, #tpu.memory_space<hbm>>) target(%arg10 : memref<64x256xf32, #tpu.memory_space<vmem>>) offsets(%arg8 : memref<64xi32, #tpu.memory_space<vmem>>) semaphore(%arg14 : memref<!tpu.dma_semaphore, #tpu.memory_space<semaphore_mem>>)
      %dma_wait3A = arith.constant 0 : i32
      %dma_wait3A_109 = arith.constant 0 : i32
      %dma_wait3A_110 = tpu.memref_slice %arg2[%dma_wait3A, %dma_wait3A_109] : memref<10000x128xf32, #tpu.memory_space<hbm>> -> memref<10000x128xf32, #tpu.memory_space<hbm>>
      tpu.wait_indirect_dma semaphore(%arg13 : memref<!tpu.dma_semaphore, #tpu.memory_space<semaphore_mem>>) src(%dma_wait3A_110 : memref<10000x128xf32, #tpu.memory_space<hbm>>) dst(%arg9 : memref<64x128xf32, #tpu.memory_space<vmem>>)
      %dma_wait3A_111 = arith.constant 0 : i32
      %dma_wait3A_112 = arith.constant 0 : i32
      %dma_wait3A_113 = tpu.memref_slice %arg3[%dma_wait3A_111, %dma_wait3A_112] : memref<10000x256xf32, #tpu.memory_space<hbm>> -> memref<10000x256xf32, #tpu.memory_space<hbm>>
      tpu.wait_indirect_dma semaphore(%arg14 : memref<!tpu.dma_semaphore, #tpu.memory_space<semaphore_mem>>) src(%dma_wait3A_113 : memref<10000x256xf32, #tpu.memory_space<hbm>>) dst(%arg10 : memref<64x256xf32, #tpu.memory_space<vmem>>)
      %parallel_loop3A = arith.constant 0 : i32
      %parallel_loop3A_114 = arith.constant 64 : i32
      %parallel_loop3A_115 = arith.constant 1 : i32
      scf.for %parallel_loop3A_117 = %parallel_loop3A to %parallel_loop3A_114 step %parallel_loop3A_115  : i32 {
        %parallel_loop3A_118 = arith.index_cast %parallel_loop3A_117 : i32 to index
        %parallel_loop3A_119 = arith.constant 0 : index
        %parallel_loop3A_120 = tpu.vector_load %arg9[%parallel_loop3A_118, %parallel_loop3A_119] {strides = array<i32>} : memref<64x128xf32, #tpu.memory_space<vmem>>, vector<16xf32>,
        %parallel_loop3A_121 = arith.index_cast %parallel_loop3A_117 : i32 to index
        %parallel_loop3A_122 = arith.constant 0 : index
        %parallel_loop3A_123 = tpu.vector_load %arg10[%parallel_loop3A_121, %parallel_loop3A_122] {strides = array<i32>} : memref<64x256xf32, #tpu.memory_space<vmem>>, vector<16xf32>,
        %parallel_loop3A_124 = arith.index_cast %parallel_loop3A_117 : i32 to index
        %parallel_loop3A_125 = arith.constant 128 : index
        %parallel_loop3A_126 = tpu.vector_load %arg10[%parallel_loop3A_124, %parallel_loop3A_125] {strides = array<i32>} : memref<64x256xf32, #tpu.memory_space<vmem>>, vector<16xf32>,
        %parallel_loop3A_127 = arith.mulf %parallel_loop3A_120, %parallel_loop3A_123 : vector<16xf32>
        %parallel_loop3A_128 = arith.constant true
        %parallel_loop3A_129 = vector.broadcast %parallel_loop3A_128 : i1 to vector<16xi1>
        %parallel_loop3A_130 = tpu.scan <sum>, %parallel_loop3A_127 masked %parallel_loop3A_129 : vector<16xf32>, vector<16xi1> -> vector<16xf32>
        %parallel_loop3A_131 = vector.extract %parallel_loop3A_130[15] : f32 from vector<16xf32>
        %parallel_loop3A_132 = vector.broadcast %parallel_loop3A_131 : f32 to vector<16xf32>
        %parallel_loop3A_133 = math.exp %parallel_loop3A_132 : vector<16xf32>
        %parallel_loop3A_134 = arith.constant 1.000000e+00 : f32
        %parallel_loop3A_135 = vector.broadcast %parallel_loop3A_134 : f32 to vector<16xf32>
        %parallel_loop3A_136 = arith.addf %parallel_loop3A_135, %parallel_loop3A_133 : vector<16xf32>
        %parallel_loop3A_137 = arith.divf %parallel_loop3A_126, %parallel_loop3A_136 : vector<16xf32>
        %parallel_loop3A_138 = arith.index_cast %parallel_loop3A_117 : i32 to index
        %parallel_loop3A_139 = arith.constant 0 : index
        %parallel_loop3A_140 = tpu.vector_load %arg11[%parallel_loop3A_138, %parallel_loop3A_139] {strides = array<i32>} : memref<64x128xf32, #tpu.memory_space<vmem>>, vector<16xf32>,
        tpu.vector_store %arg11[%parallel_loop3A_138, %parallel_loop3A_139], %parallel_loop3A_137 {strides = array<i32>} : memref<64x128xf32, #tpu.memory_space<vmem>>, vector<16xf32>,
        %parallel_loop3A_141 = arith.index_cast %parallel_loop3A_117 : i32 to index
        %parallel_loop3A_142 = arith.constant 16 : index
        %parallel_loop3A_143 = tpu.vector_load %arg9[%parallel_loop3A_141, %parallel_loop3A_142] {strides = array<i32>} : memref<64x128xf32, #tpu.memory_space<vmem>>, vector<16xf32>,
        %parallel_loop3A_144 = arith.index_cast %parallel_loop3A_117 : i32 to index
        %parallel_loop3A_145 = arith.constant 16 : index
        %parallel_loop3A_146 = tpu.vector_load %arg10[%parallel_loop3A_144, %parallel_loop3A_145] {strides = array<i32>} : memref<64x256xf32, #tpu.memory_space<vmem>>, vector<16xf32>,
        %parallel_loop3A_147 = arith.index_cast %parallel_loop3A_117 : i32 to index
        %parallel_loop3A_148 = arith.constant 144 : index
        %parallel_loop3A_149 = tpu.vector_load %arg10[%parallel_loop3A_147, %parallel_loop3A_148] {strides = array<i32>} : memref<64x256xf32, #tpu.memory_space<vmem>>, vector<16xf32>,
        %parallel_loop3A_150 = arith.mulf %parallel_loop3A_143, %parallel_loop3A_146 : vector<16xf32>
        %parallel_loop3A_151 = arith.constant true
        %parallel_loop3A_152 = vector.broadcast %parallel_loop3A_151 : i1 to vector<16xi1>
        %parallel_loop3A_153 = tpu.scan <sum>, %parallel_loop3A_150 masked %parallel_loop3A_152 : vector<16xf32>, vector<16xi1> -> vector<16xf32>
        %parallel_loop3A_154 = vector.extract %parallel_loop3A_153[15] : f32 from vector<16xf32>
        %parallel_loop3A_155 = vector.broadcast %parallel_loop3A_154 : f32 to vector<16xf32>
        %parallel_loop3A_156 = math.exp %parallel_loop3A_155 : vector<16xf32>
        %parallel_loop3A_157 = arith.constant 1.000000e+00 : f32
        %parallel_loop3A_158 = vector.broadcast %parallel_loop3A_157 : f32 to vector<16xf32>
        %parallel_loop3A_159 = arith.addf %parallel_loop3A_158, %parallel_loop3A_156 : vector<16xf32>
        %parallel_loop3A_160 = arith.divf %parallel_loop3A_149, %parallel_loop3A_159 : vector<16xf32>
        %parallel_loop3A_161 = arith.index_cast %parallel_loop3A_117 : i32 to index
        %parallel_loop3A_162 = arith.constant 16 : index
        %parallel_loop3A_163 = tpu.vector_load %arg11[%parallel_loop3A_161, %parallel_loop3A_162] {strides = array<i32>} : memref<64x128xf32, #tpu.memory_space<vmem>>, vector<16xf32>,
        tpu.vector_store %arg11[%parallel_loop3A_161, %parallel_loop3A_162], %parallel_loop3A_160 {strides = array<i32>} : memref<64x128xf32, #tpu.memory_space<vmem>>, vector<16xf32>,
        %parallel_loop3A_164 = arith.index_cast %parallel_loop3A_117 : i32 to index
        %parallel_loop3A_165 = arith.constant 32 : index
        %parallel_loop3A_166 = tpu.vector_load %arg9[%parallel_loop3A_164, %parallel_loop3A_165] {strides = array<i32>} : memref<64x128xf32, #tpu.memory_space<vmem>>, vector<16xf32>,
        %parallel_loop3A_167 = arith.index_cast %parallel_loop3A_117 : i32 to index
        %parallel_loop3A_168 = arith.constant 32 : index
        %parallel_loop3A_169 = tpu.vector_load %arg10[%parallel_loop3A_167, %parallel_loop3A_168] {strides = array<i32>} : memref<64x256xf32, #tpu.memory_space<vmem>>, vector<16xf32>,
        %parallel_loop3A_170 = arith.index_cast %parallel_loop3A_117 : i32 to index
        %parallel_loop3A_171 = arith.constant 160 : index
        %parallel_loop3A_172 = tpu.vector_load %arg10[%parallel_loop3A_170, %parallel_loop3A_171] {strides = array<i32>} : memref<64x256xf32, #tpu.memory_space<vmem>>, vector<16xf32>,
        %parallel_loop3A_173 = arith.mulf %parallel_loop3A_166, %parallel_loop3A_169 : vector<16xf32>
        %parallel_loop3A_174 = arith.constant true
        %parallel_loop3A_175 = vector.broadcast %parallel_loop3A_174 : i1 to vector<16xi1>
        %parallel_loop3A_176 = tpu.scan <sum>, %parallel_loop3A_173 masked %parallel_loop3A_175 : vector<16xf32>, vector<16xi1> -> vector<16xf32>
        %parallel_loop3A_177 = vector.extract %parallel_loop3A_176[15] : f32 from vector<16xf32>
        %parallel_loop3A_178 = vector.broadcast %parallel_loop3A_177 : f32 to vector<16xf32>
        %parallel_loop3A_179 = math.exp %parallel_loop3A_178 : vector<16xf32>
        %parallel_loop3A_180 = arith.constant 1.000000e+00 : f32
        %parallel_loop3A_181 = vector.broadcast %parallel_loop3A_180 : f32 to vector<16xf32>
        %parallel_loop3A_182 = arith.addf %parallel_loop3A_181, %parallel_loop3A_179 : vector<16xf32>
        %parallel_loop3A_183 = arith.divf %parallel_loop3A_172, %parallel_loop3A_182 : vector<16xf32>
        %parallel_loop3A_184 = arith.index_cast %parallel_loop3A_117 : i32 to index
        %parallel_loop3A_185 = arith.constant 32 : index
        %parallel_loop3A_186 = tpu.vector_load %arg11[%parallel_loop3A_184, %parallel_loop3A_185] {strides = array<i32>} : memref<64x128xf32, #tpu.memory_space<vmem>>, vector<16xf32>,
        tpu.vector_store %arg11[%parallel_loop3A_184, %parallel_loop3A_185], %parallel_loop3A_183 {strides = array<i32>} : memref<64x128xf32, #tpu.memory_space<vmem>>, vector<16xf32>,
        %parallel_loop3A_187 = arith.index_cast %parallel_loop3A_117 : i32 to index
        %parallel_loop3A_188 = arith.constant 48 : index
        %parallel_loop3A_189 = tpu.vector_load %arg9[%parallel_loop3A_187, %parallel_loop3A_188] {strides = array<i32>} : memref<64x128xf32, #tpu.memory_space<vmem>>, vector<16xf32>,
        %parallel_loop3A_190 = arith.index_cast %parallel_loop3A_117 : i32 to index
        %parallel_loop3A_191 = arith.constant 48 : index
        %parallel_loop3A_192 = tpu.vector_load %arg10[%parallel_loop3A_190, %parallel_loop3A_191] {strides = array<i32>} : memref<64x256xf32, #tpu.memory_space<vmem>>, vector<16xf32>,
        %parallel_loop3A_193 = arith.index_cast %parallel_loop3A_117 : i32 to index
        %parallel_loop3A_194 = arith.constant 176 : index
        %parallel_loop3A_195 = tpu.vector_load %arg10[%parallel_loop3A_193, %parallel_loop3A_194] {strides = array<i32>} : memref<64x256xf32, #tpu.memory_space<vmem>>, vector<16xf32>,
        %parallel_loop3A_196 = arith.mulf %parallel_loop3A_189, %parallel_loop3A_192 : vector<16xf32>
        %parallel_loop3A_197 = arith.constant true
        %parallel_loop3A_198 = vector.broadcast %parallel_loop3A_197 : i1 to vector<16xi1>
        %parallel_loop3A_199 = tpu.scan <sum>, %parallel_loop3A_196 masked %parallel_loop3A_198 : vector<16xf32>, vector<16xi1> -> vector<16xf32>
        %parallel_loop3A_200 = vector.extract %parallel_loop3A_199[15] : f32 from vector<16xf32>
        %parallel_loop3A_201 = vector.broadcast %parallel_loop3A_200 : f32 to vector<16xf32>
        %parallel_loop3A_202 = math.exp %parallel_loop3A_201 : vector<16xf32>
        %parallel_loop3A_203 = arith.constant 1.000000e+00 : f32
        %parallel_loop3A_204 = vector.broadcast %parallel_loop3A_203 : f32 to vector<16xf32>
        %parallel_loop3A_205 = arith.addf %parallel_loop3A_204, %parallel_loop3A_202 : vector<16xf32>
        %parallel_loop3A_206 = arith.divf %parallel_loop3A_195, %parallel_loop3A_205 : vector<16xf32>
        %parallel_loop3A_207 = arith.index_cast %parallel_loop3A_117 : i32 to index
        %parallel_loop3A_208 = arith.constant 48 : index
        %parallel_loop3A_209 = tpu.vector_load %arg11[%parallel_loop3A_207, %parallel_loop3A_208] {strides = array<i32>} : memref<64x128xf32, #tpu.memory_space<vmem>>, vector<16xf32>,
        tpu.vector_store %arg11[%parallel_loop3A_207, %parallel_loop3A_208], %parallel_loop3A_206 {strides = array<i32>} : memref<64x128xf32, #tpu.memory_space<vmem>>, vector<16xf32>,
        %parallel_loop3A_210 = arith.index_cast %parallel_loop3A_117 : i32 to index
        %parallel_loop3A_211 = arith.constant 64 : index
        %parallel_loop3A_212 = tpu.vector_load %arg9[%parallel_loop3A_210, %parallel_loop3A_211] {strides = array<i32>} : memref<64x128xf32, #tpu.memory_space<vmem>>, vector<16xf32>,
        %parallel_loop3A_213 = arith.index_cast %parallel_loop3A_117 : i32 to index
        %parallel_loop3A_214 = arith.constant 64 : index
        %parallel_loop3A_215 = tpu.vector_load %arg10[%parallel_loop3A_213, %parallel_loop3A_214] {strides = array<i32>} : memref<64x256xf32, #tpu.memory_space<vmem>>, vector<16xf32>,
        %parallel_loop3A_216 = arith.index_cast %parallel_loop3A_117 : i32 to index
        %parallel_loop3A_217 = arith.constant 192 : index
        %parallel_loop3A_218 = tpu.vector_load %arg10[%parallel_loop3A_216, %parallel_loop3A_217] {strides = array<i32>} : memref<64x256xf32, #tpu.memory_space<vmem>>, vector<16xf32>,
        %parallel_loop3A_219 = arith.mulf %parallel_loop3A_212, %parallel_loop3A_215 : vector<16xf32>
        %parallel_loop3A_220 = arith.constant true
        %parallel_loop3A_221 = vector.broadcast %parallel_loop3A_220 : i1 to vector<16xi1>
        %parallel_loop3A_222 = tpu.scan <sum>, %parallel_loop3A_219 masked %parallel_loop3A_221 : vector<16xf32>, vector<16xi1> -> vector<16xf32>
        %parallel_loop3A_223 = vector.extract %parallel_loop3A_222[15] : f32 from vector<16xf32>
        %parallel_loop3A_224 = vector.broadcast %parallel_loop3A_223 : f32 to vector<16xf32>
        %parallel_loop3A_225 = math.exp %parallel_loop3A_224 : vector<16xf32>
        %parallel_loop3A_226 = arith.constant 1.000000e+00 : f32
        %parallel_loop3A_227 = vector.broadcast %parallel_loop3A_226 : f32 to vector<16xf32>
        %parallel_loop3A_228 = arith.addf %parallel_loop3A_227, %parallel_loop3A_225 : vector<16xf32>
        %parallel_loop3A_229 = arith.divf %parallel_loop3A_218, %parallel_loop3A_228 : vector<16xf32>
        %parallel_loop3A_230 = arith.index_cast %parallel_loop3A_117 : i32 to index
        %parallel_loop3A_231 = arith.constant 64 : index
        %parallel_loop3A_232 = tpu.vector_load %arg11[%parallel_loop3A_230, %parallel_loop3A_231] {strides = array<i32>} : memref<64x128xf32, #tpu.memory_space<vmem>>, vector<16xf32>,
        tpu.vector_store %arg11[%parallel_loop3A_230, %parallel_loop3A_231], %parallel_loop3A_229 {strides = array<i32>} : memref<64x128xf32, #tpu.memory_space<vmem>>, vector<16xf32>,
        %parallel_loop3A_233 = arith.index_cast %parallel_loop3A_117 : i32 to index
        %parallel_loop3A_234 = arith.constant 80 : index
        %parallel_loop3A_235 = tpu.vector_load %arg9[%parallel_loop3A_233, %parallel_loop3A_234] {strides = array<i32>} : memref<64x128xf32, #tpu.memory_space<vmem>>, vector<16xf32>,
        %parallel_loop3A_236 = arith.index_cast %parallel_loop3A_117 : i32 to index
        %parallel_loop3A_237 = arith.constant 80 : index
        %parallel_loop3A_238 = tpu.vector_load %arg10[%parallel_loop3A_236, %parallel_loop3A_237] {strides = array<i32>} : memref<64x256xf32, #tpu.memory_space<vmem>>, vector<16xf32>,
        %parallel_loop3A_239 = arith.index_cast %parallel_loop3A_117 : i32 to index
        %parallel_loop3A_240 = arith.constant 208 : index
        %parallel_loop3A_241 = tpu.vector_load %arg10[%parallel_loop3A_239, %parallel_loop3A_240] {strides = array<i32>} : memref<64x256xf32, #tpu.memory_space<vmem>>, vector<16xf32>,
        %parallel_loop3A_242 = arith.mulf %parallel_loop3A_235, %parallel_loop3A_238 : vector<16xf32>
        %parallel_loop3A_243 = arith.constant true
        %parallel_loop3A_244 = vector.broadcast %parallel_loop3A_243 : i1 to vector<16xi1>
        %parallel_loop3A_245 = tpu.scan <sum>, %parallel_loop3A_242 masked %parallel_loop3A_244 : vector<16xf32>, vector<16xi1> -> vector<16xf32>
        %parallel_loop3A_246 = vector.extract %parallel_loop3A_245[15] : f32 from vector<16xf32>
        %parallel_loop3A_247 = vector.broadcast %parallel_loop3A_246 : f32 to vector<16xf32>
        %parallel_loop3A_248 = math.exp %parallel_loop3A_247 : vector<16xf32>
        %parallel_loop3A_249 = arith.constant 1.000000e+00 : f32
        %parallel_loop3A_250 = vector.broadcast %parallel_loop3A_249 : f32 to vector<16xf32>
        %parallel_loop3A_251 = arith.addf %parallel_loop3A_250, %parallel_loop3A_248 : vector<16xf32>
        %parallel_loop3A_252 = arith.divf %parallel_loop3A_241, %parallel_loop3A_251 : vector<16xf32>
        %parallel_loop3A_253 = arith.index_cast %parallel_loop3A_117 : i32 to index
        %parallel_loop3A_254 = arith.constant 80 : index
        %parallel_loop3A_255 = tpu.vector_load %arg11[%parallel_loop3A_253, %parallel_loop3A_254] {strides = array<i32>} : memref<64x128xf32, #tpu.memory_space<vmem>>, vector<16xf32>,
        tpu.vector_store %arg11[%parallel_loop3A_253, %parallel_loop3A_254], %parallel_loop3A_252 {strides = array<i32>} : memref<64x128xf32, #tpu.memory_space<vmem>>, vector<16xf32>,
        %parallel_loop3A_256 = arith.index_cast %parallel_loop3A_117 : i32 to index
        %parallel_loop3A_257 = arith.constant 96 : index
        %parallel_loop3A_258 = tpu.vector_load %arg9[%parallel_loop3A_256, %parallel_loop3A_257] {strides = array<i32>} : memref<64x128xf32, #tpu.memory_space<vmem>>, vector<16xf32>,
        %parallel_loop3A_259 = arith.index_cast %parallel_loop3A_117 : i32 to index
        %parallel_loop3A_260 = arith.constant 96 : index
        %parallel_loop3A_261 = tpu.vector_load %arg10[%parallel_loop3A_259, %parallel_loop3A_260] {strides = array<i32>} : memref<64x256xf32, #tpu.memory_space<vmem>>, vector<16xf32>,
        %parallel_loop3A_262 = arith.index_cast %parallel_loop3A_117 : i32 to index
        %parallel_loop3A_263 = arith.constant 224 : index
        %parallel_loop3A_264 = tpu.vector_load %arg10[%parallel_loop3A_262, %parallel_loop3A_263] {strides = array<i32>} : memref<64x256xf32, #tpu.memory_space<vmem>>, vector<16xf32>,
        %parallel_loop3A_265 = arith.mulf %parallel_loop3A_258, %parallel_loop3A_261 : vector<16xf32>
        %parallel_loop3A_266 = arith.constant true
        %parallel_loop3A_267 = vector.broadcast %parallel_loop3A_266 : i1 to vector<16xi1>
        %parallel_loop3A_268 = tpu.scan <sum>, %parallel_loop3A_265 masked %parallel_loop3A_267 : vector<16xf32>, vector<16xi1> -> vector<16xf32>
        %parallel_loop3A_269 = vector.extract %parallel_loop3A_268[15] : f32 from vector<16xf32>
        %parallel_loop3A_270 = vector.broadcast %parallel_loop3A_269 : f32 to vector<16xf32>
        %parallel_loop3A_271 = math.exp %parallel_loop3A_270 : vector<16xf32>
        %parallel_loop3A_272 = arith.constant 1.000000e+00 : f32
        %parallel_loop3A_273 = vector.broadcast %parallel_loop3A_272 : f32 to vector<16xf32>
        %parallel_loop3A_274 = arith.addf %parallel_loop3A_273, %parallel_loop3A_271 : vector<16xf32>
        %parallel_loop3A_275 = arith.divf %parallel_loop3A_264, %parallel_loop3A_274 : vector<16xf32>
        %parallel_loop3A_276 = arith.index_cast %parallel_loop3A_117 : i32 to index
        %parallel_loop3A_277 = arith.constant 96 : index
        %parallel_loop3A_278 = tpu.vector_load %arg11[%parallel_loop3A_276, %parallel_loop3A_277] {strides = array<i32>} : memref<64x128xf32, #tpu.memory_space<vmem>>, vector<16xf32>,
        tpu.vector_store %arg11[%parallel_loop3A_276, %parallel_loop3A_277], %parallel_loop3A_275 {strides = array<i32>} : memref<64x128xf32, #tpu.memory_space<vmem>>, vector<16xf32>,
        %parallel_loop3A_279 = arith.index_cast %parallel_loop3A_117 : i32 to index
        %parallel_loop3A_280 = arith.constant 112 : index
        %parallel_loop3A_281 = tpu.vector_load %arg9[%parallel_loop3A_279, %parallel_loop3A_280] {strides = array<i32>} : memref<64x128xf32, #tpu.memory_space<vmem>>, vector<16xf32>,
        %parallel_loop3A_282 = arith.index_cast %parallel_loop3A_117 : i32 to index
        %parallel_loop3A_283 = arith.constant 112 : index
        %parallel_loop3A_284 = tpu.vector_load %arg10[%parallel_loop3A_282, %parallel_loop3A_283] {strides = array<i32>} : memref<64x256xf32, #tpu.memory_space<vmem>>, vector<16xf32>,
        %parallel_loop3A_285 = arith.index_cast %parallel_loop3A_117 : i32 to index
        %parallel_loop3A_286 = arith.constant 240 : index
        %parallel_loop3A_287 = tpu.vector_load %arg10[%parallel_loop3A_285, %parallel_loop3A_286] {strides = array<i32>} : memref<64x256xf32, #tpu.memory_space<vmem>>, vector<16xf32>,
        %parallel_loop3A_288 = arith.mulf %parallel_loop3A_281, %parallel_loop3A_284 : vector<16xf32>
        %parallel_loop3A_289 = arith.constant true
        %parallel_loop3A_290 = vector.broadcast %parallel_loop3A_289 : i1 to vector<16xi1>
        %parallel_loop3A_291 = tpu.scan <sum>, %parallel_loop3A_288 masked %parallel_loop3A_290 : vector<16xf32>, vector<16xi1> -> vector<16xf32>
        %parallel_loop3A_292 = vector.extract %parallel_loop3A_291[15] : f32 from vector<16xf32>
        %parallel_loop3A_293 = vector.broadcast %parallel_loop3A_292 : f32 to vector<16xf32>
        %parallel_loop3A_294 = math.exp %parallel_loop3A_293 : vector<16xf32>
        %parallel_loop3A_295 = arith.constant 1.000000e+00 : f32
        %parallel_loop3A_296 = vector.broadcast %parallel_loop3A_295 : f32 to vector<16xf32>
        %parallel_loop3A_297 = arith.addf %parallel_loop3A_296, %parallel_loop3A_294 : vector<16xf32>
        %parallel_loop3A_298 = arith.divf %parallel_loop3A_287, %parallel_loop3A_297 : vector<16xf32>
        %parallel_loop3A_299 = arith.index_cast %parallel_loop3A_117 : i32 to index
        %parallel_loop3A_300 = arith.constant 112 : index
        %parallel_loop3A_301 = tpu.vector_load %arg11[%parallel_loop3A_299, %parallel_loop3A_300] {strides = array<i32>} : memref<64x128xf32, #tpu.memory_space<vmem>>, vector<16xf32>,
        tpu.vector_store %arg11[%parallel_loop3A_299, %parallel_loop3A_300], %parallel_loop3A_298 {strides = array<i32>} : memref<64x128xf32, #tpu.memory_space<vmem>>, vector<16xf32>,
      } {sc.loop_unroll_factor = 4 : i64, sc.parallel_access}
      "tpu.region"() ({
        %run_scoped3A = tpu.sem_alloc : memref<!tpu.dma_semaphore, #tpu.memory_space<semaphore_mem>>
        %dma_start3A_117 = arith.constant 0 : i32
        %dma_start3A_118 = arith.constant 0 : i32
        %dma_start3A_119 = tpu.memref_slice %arg12[%dma_start3A_117, %dma_start3A_118] : memref<10240x128xf32, #tpu.memory_space<vmem_shared>> -> memref<10240x128xf32, #tpu.memory_space<vmem_shared>>
        tpu.enqueue_indirect_dma source(%arg11 : memref<64x128xf32, #tpu.memory_space<vmem>>) target(%dma_start3A_119 : memref<10240x128xf32, #tpu.memory_space<vmem_shared>>) offsets(%arg7 : memref<64xi32, #tpu.memory_space<vmem>>) semaphore(%run_scoped3A : memref<!tpu.dma_semaphore, #tpu.memory_space<semaphore_mem>>) {add = true}
        %dma_wait3A_120 = arith.constant 0 : i32
        %dma_wait3A_121 = arith.constant 0 : i32
        %dma_wait3A_122 = tpu.memref_slice %arg12[%dma_wait3A_120, %dma_wait3A_121] : memref<10240x128xf32, #tpu.memory_space<vmem_shared>> -> memref<10240x128xf32, #tpu.memory_space<vmem_shared>>
        tpu.wait_indirect_dma semaphore(%run_scoped3A : memref<!tpu.dma_semaphore, #tpu.memory_space<semaphore_mem>>) src(%arg11 : memref<64x128xf32, #tpu.memory_space<vmem>>) dst(%dma_wait3A_122 : memref<10240x128xf32, #tpu.memory_space<vmem_shared>>)
        tpu.yield
      }) : () -> ()
      %while3A_116 = arith.constant 0 : i32
      scf.yield %while3A_116 : i32
    }
    %while3A_58 = arith.constant 1 : i32
    %while3A_59 = scf.for %while3A_65 = %while3A_55 to %while3A_51 step %while3A_58 iter_args(%while3A_66 = %while3A_57) -> (i32)  : i32 {
      %mul3A_67 = arith.constant 32 : i32
      %mul3A_68 = arith.muli %mul3A_67, %while3A_65 : i32
      %add3A_69 = arith.addi %add3A, %mul3A_68 : i32
      %mul3A_70 = arith.constant 2 : i32
      %mul3A_71 = arith.muli %add3A_69, %mul3A_70 : i32
      %mul3A_72 = arith.constant 64 : i32
      %mul3A_73 = arith.muli %mul3A_71, %mul3A_72 : i32
      "tpu.region"() ({
        %run_scoped3A = tpu.sem_alloc : memref<!tpu.dma_semaphore, #tpu.memory_space<semaphore_mem>>
        %dma_start3A_117 = tpu.memref_slice %arg4[%mul3A_73] : memref<640000xi32, #tpu.memory_space<hbm>> -> memref<128xi32, #tpu.memory_space<hbm>>
        %dma_start3A_118 = tpu.memref_slice %arg4[%mul3A_73] : memref<640000xi32, #tpu.memory_space<hbm>> -> memref<128xi32, #tpu.memory_space<hbm>>
        tpu.enqueue_dma source(%dma_start3A_118 : memref<128xi32, #tpu.memory_space<hbm>>) target(%arg6 : memref<128xi32, #tpu.memory_space<vmem>>) target_semaphore(%run_scoped3A : memref<!tpu.dma_semaphore, #tpu.memory_space<semaphore_mem>>)
        %dma_wait3A_119 = tpu.memref_slice %arg4[%mul3A_73] : memref<640000xi32, #tpu.memory_space<hbm>> -> memref<128xi32, #tpu.memory_space<hbm>>
        %dma_wait3A_120 = tpu.memref_slice %arg4[%mul3A_73] : memref<640000xi32, #tpu.memory_space<hbm>> -> memref<128xi32, #tpu.memory_space<hbm>>
        tpu.wait_dma2 semaphore(%run_scoped3A : memref<!tpu.dma_semaphore, #tpu.memory_space<semaphore_mem>>) src(%dma_wait3A_120 : memref<128xi32, #tpu.memory_space<hbm>>) dst(%arg6 : memref<128xi32, #tpu.memory_space<vmem>>)
        tpu.yield
      }) : () -> ()
      %get3A = arith.constant 0 : index
      %get3A_74 = tpu.vector_load %arg6[%get3A] {strides = array<i32>} : memref<128xi32, #tpu.memory_space<vmem>>, vector<16xi32>,
      %swap3A = arith.constant 0 : index
      %swap3A_75 = tpu.vector_load %arg7[%swap3A] {strides = array<i32>} : memref<64xi32, #tpu.memory_space<vmem>>, vector<16xi32>,
      tpu.vector_store %arg7[%swap3A], %get3A_74 {strides = array<i32>} : memref<64xi32, #tpu.memory_space<vmem>>, vector<16xi32>,
      %get3A_76 = arith.constant 64 : index
      %get3A_77 = tpu.vector_load %arg6[%get3A_76] {strides = array<i32>} : memref<128xi32, #tpu.memory_space<vmem>>, vector<16xi32>,
      %swap3A_78 = arith.constant 0 : index
      %swap3A_79 = tpu.vector_load %arg8[%swap3A_78] {strides = array<i32>} : memref<64xi32, #tpu.memory_space<vmem>>, vector<16xi32>,
      tpu.vector_store %arg8[%swap3A_78], %get3A_77 {strides = array<i32>} : memref<64xi32, #tpu.memory_space<vmem>>, vector<16xi32>,
      %get3A_80 = arith.constant 16 : index
      %get3A_81 = tpu.vector_load %arg6[%get3A_80] {strides = array<i32>} : memref<128xi32, #tpu.memory_space<vmem>>, vector<16xi32>,
      %swap3A_82 = arith.constant 16 : index
      %swap3A_83 = tpu.vector_load %arg7[%swap3A_82] {strides = array<i32>} : memref<64xi32, #tpu.memory_space<vmem>>, vector<16xi32>,
      tpu.vector_store %arg7[%swap3A_82], %get3A_81 {strides = array<i32>} : memref<64xi32, #tpu.memory_space<vmem>>, vector<16xi32>,
      %get3A_84 = arith.constant 80 : index
      %get3A_85 = tpu.vector_load %arg6[%get3A_84] {strides = array<i32>} : memref<128xi32, #tpu.memory_space<vmem>>, vector<16xi32>,
      %swap3A_86 = arith.constant 16 : index
      %swap3A_87 = tpu.vector_load %arg8[%swap3A_86] {strides = array<i32>} : memref<64xi32, #tpu.memory_space<vmem>>, vector<16xi32>,
      tpu.vector_store %arg8[%swap3A_86], %get3A_85 {strides = array<i32>} : memref<64xi32, #tpu.memory_space<vmem>>, vector<16xi32>,
      %get3A_88 = arith.constant 32 : index
      %get3A_89 = tpu.vector_load %arg6[%get3A_88] {strides = array<i32>} : memref<128xi32, #tpu.memory_space<vmem>>, vector<16xi32>,
      %swap3A_90 = arith.constant 32 : index
      %swap3A_91 = tpu.vector_load %arg7[%swap3A_90] {strides = array<i32>} : memref<64xi32, #tpu.memory_space<vmem>>, vector<16xi32>,
      tpu.vector_store %arg7[%swap3A_90], %get3A_89 {strides = array<i32>} : memref<64xi32, #tpu.memory_space<vmem>>, vector<16xi32>,
      %get3A_92 = arith.constant 96 : index
      %get3A_93 = tpu.vector_load %arg6[%get3A_92] {strides = array<i32>} : memref<128xi32, #tpu.memory_space<vmem>>, vector<16xi32>,
      %swap3A_94 = arith.constant 32 : index
      %swap3A_95 = tpu.vector_load %arg8[%swap3A_94] {strides = array<i32>} : memref<64xi32, #tpu.memory_space<vmem>>, vector<16xi32>,
      tpu.vector_store %arg8[%swap3A_94], %get3A_93 {strides = array<i32>} : memref<64xi32, #tpu.memory_space<vmem>>, vector<16xi32>,
      %get3A_96 = arith.constant 48 : index
      %get3A_97 = tpu.vector_load %arg6[%get3A_96] {strides = array<i32>} : memref<128xi32, #tpu.memory_space<vmem>>, vector<16xi32>,
      %swap3A_98 = arith.constant 48 : index
      %swap3A_99 = tpu.vector_load %arg7[%swap3A_98] {strides = array<i32>} : memref<64xi32, #tpu.memory_space<vmem>>, vector<16xi32>,
      tpu.vector_store %arg7[%swap3A_98], %get3A_97 {strides = array<i32>} : memref<64xi32, #tpu.memory_space<vmem>>, vector<16xi32>,
      %get3A_100 = arith.constant 112 : index
      %get3A_101 = tpu.vector_load %arg6[%get3A_100] {strides = array<i32>} : memref<128xi32, #tpu.memory_space<vmem>>, vector<16xi32>,
      %swap3A_102 = arith.constant 48 : index
      %swap3A_103 = tpu.vector_load %arg8[%swap3A_102] {strides = array<i32>} : memref<64xi32, #tpu.memory_space<vmem>>, vector<16xi32>,
      tpu.vector_store %arg8[%swap3A_102], %get3A_101 {strides = array<i32>} : memref<64xi32, #tpu.memory_space<vmem>>, vector<16xi32>,
      %dma_start3A = arith.constant 0 : i32
      %dma_start3A_104 = arith.constant 0 : i32
      %dma_start3A_105 = tpu.memref_slice %arg2[%dma_start3A, %dma_start3A_104] : memref<10000x128xf32, #tpu.memory_space<hbm>> -> memref<10000x128xf32, #tpu.memory_space<hbm>>
      tpu.enqueue_indirect_dma source(%dma_start3A_105 : memref<10000x128xf32, #tpu.memory_space<hbm>>) target(%arg9 : memref<64x128xf32, #tpu.memory_space<vmem>>) offsets(%arg7 : memref<64xi32, #tpu.memory_space<vmem>>) semaphore(%arg13 : memref<!tpu.dma_semaphore, #tpu.memory_space<semaphore_mem>>)
      %dma_start3A_106 = arith.constant 0 : i32
      %dma_start3A_107 = arith.constant 0 : i32
      %dma_start3A_108 = tpu.memref_slice %arg3[%dma_start3A_106, %dma_start3A_107] : memref<10000x256xf32, #tpu.memory_space<hbm>> -> memref<10000x256xf32, #tpu.memory_space<hbm>>
      tpu.enqueue_indirect_dma source(%dma_start3A_108 : memref<10000x256xf32, #tpu.memory_space<hbm>>) target(%arg10 : memref<64x256xf32, #tpu.memory_space<vmem>>) offsets(%arg8 : memref<64xi32, #tpu.memory_space<vmem>>) semaphore(%arg14 : memref<!tpu.dma_semaphore, #tpu.memory_space<semaphore_mem>>)
      %dma_wait3A = arith.constant 0 : i32
      %dma_wait3A_109 = arith.constant 0 : i32
      %dma_wait3A_110 = tpu.memref_slice %arg2[%dma_wait3A, %dma_wait3A_109] : memref<10000x128xf32, #tpu.memory_space<hbm>> -> memref<10000x128xf32, #tpu.memory_space<hbm>>
      tpu.wait_indirect_dma semaphore(%arg13 : memref<!tpu.dma_semaphore, #tpu.memory_space<semaphore_mem>>) src(%dma_wait3A_110 : memref<10000x128xf32, #tpu.memory_space<hbm>>) dst(%arg9 : memref<64x128xf32, #tpu.memory_space<vmem>>)
      %dma_wait3A_111 = arith.constant 0 : i32
      %dma_wait3A_112 = arith.constant 0 : i32
      %dma_wait3A_113 = tpu.memref_slice %arg3[%dma_wait3A_111, %dma_wait3A_112] : memref<10000x256xf32, #tpu.memory_space<hbm>> -> memref<10000x256xf32, #tpu.memory_space<hbm>>
      tpu.wait_indirect_dma semaphore(%arg14 : memref<!tpu.dma_semaphore, #tpu.memory_space<semaphore_mem>>) src(%dma_wait3A_113 : memref<10000x256xf32, #tpu.memory_space<hbm>>) dst(%arg10 : memref<64x256xf32, #tpu.memory_space<vmem>>)
      %parallel_loop3A = arith.constant 0 : i32
      %parallel_loop3A_114 = arith.constant 64 : i32
      %parallel_loop3A_115 = arith.constant 1 : i32
      scf.for %parallel_loop3A_117 = %parallel_loop3A to %parallel_loop3A_114 step %parallel_loop3A_115  : i32 {
        %parallel_loop3A_118 = arith.index_cast %parallel_loop3A_117 : i32 to index
        %parallel_loop3A_119 = arith.constant 0 : index
        %parallel_loop3A_120 = tpu.vector_load %arg9[%parallel_loop3A_118, %parallel_loop3A_119] {strides = array<i32>} : memref<64x128xf32, #tpu.memory_space<vmem>>, vector<16xf32>,
        %parallel_loop3A_121 = arith.index_cast %parallel_loop3A_117 : i32 to index
        %parallel_loop3A_122 = arith.constant 0 : index
        %parallel_loop3A_123 = tpu.vector_load %arg10[%parallel_loop3A_121, %parallel_loop3A_122] {strides = array<i32>} : memref<64x256xf32, #tpu.memory_space<vmem>>, vector<16xf32>,
        %parallel_loop3A_124 = arith.index_cast %parallel_loop3A_117 : i32 to index
        %parallel_loop3A_125 = arith.constant 128 : index
        %parallel_loop3A_126 = tpu.vector_load %arg10[%parallel_loop3A_124, %parallel_loop3A_125] {strides = array<i32>} : memref<64x256xf32, #tpu.memory_space<vmem>>, vector<16xf32>,
        %parallel_loop3A_127 = arith.mulf %parallel_loop3A_120, %parallel_loop3A_123 : vector<16xf32>
        %parallel_loop3A_128 = arith.constant true
        %parallel_loop3A_129 = vector.broadcast %parallel_loop3A_128 : i1 to vector<16xi1>
        %parallel_loop3A_130 = tpu.scan <sum>, %parallel_loop3A_127 masked %parallel_loop3A_129 : vector<16xf32>, vector<16xi1> -> vector<16xf32>
        %parallel_loop3A_131 = vector.extract %parallel_loop3A_130[15] : f32 from vector<16xf32>
        %parallel_loop3A_132 = vector.broadcast %parallel_loop3A_131 : f32 to vector<16xf32>
        %parallel_loop3A_133 = math.exp %parallel_loop3A_132 : vector<16xf32>
        %parallel_loop3A_134 = arith.constant 1.000000e+00 : f32
        %parallel_loop3A_135 = vector.broadcast %parallel_loop3A_134 : f32 to vector<16xf32>
        %parallel_loop3A_136 = arith.addf %parallel_loop3A_135, %parallel_loop3A_133 : vector<16xf32>
        %parallel_loop3A_137 = arith.divf %parallel_loop3A_126, %parallel_loop3A_136 : vector<16xf32>
        %parallel_loop3A_138 = arith.index_cast %parallel_loop3A_117 : i32 to index
        %parallel_loop3A_139 = arith.constant 0 : index
        %parallel_loop3A_140 = tpu.vector_load %arg11[%parallel_loop3A_138, %parallel_loop3A_139] {strides = array<i32>} : memref<64x128xf32, #tpu.memory_space<vmem>>, vector<16xf32>,
        tpu.vector_store %arg11[%parallel_loop3A_138, %parallel_loop3A_139], %parallel_loop3A_137 {strides = array<i32>} : memref<64x128xf32, #tpu.memory_space<vmem>>, vector<16xf32>,
        %parallel_loop3A_141 = arith.index_cast %parallel_loop3A_117 : i32 to index
        %parallel_loop3A_142 = arith.constant 16 : index
        %parallel_loop3A_143 = tpu.vector_load %arg9[%parallel_loop3A_141, %parallel_loop3A_142] {strides = array<i32>} : memref<64x128xf32, #tpu.memory_space<vmem>>, vector<16xf32>,
        %parallel_loop3A_144 = arith.index_cast %parallel_loop3A_117 : i32 to index
        %parallel_loop3A_145 = arith.constant 16 : index
        %parallel_loop3A_146 = tpu.vector_load %arg10[%parallel_loop3A_144, %parallel_loop3A_145] {strides = array<i32>} : memref<64x256xf32, #tpu.memory_space<vmem>>, vector<16xf32>,
        %parallel_loop3A_147 = arith.index_cast %parallel_loop3A_117 : i32 to index
        %parallel_loop3A_148 = arith.constant 144 : index
        %parallel_loop3A_149 = tpu.vector_load %arg10[%parallel_loop3A_147, %parallel_loop3A_148] {strides = array<i32>} : memref<64x256xf32, #tpu.memory_space<vmem>>, vector<16xf32>,
        %parallel_loop3A_150 = arith.mulf %parallel_loop3A_143, %parallel_loop3A_146 : vector<16xf32>
        %parallel_loop3A_151 = arith.constant true
        %parallel_loop3A_152 = vector.broadcast %parallel_loop3A_151 : i1 to vector<16xi1>
        %parallel_loop3A_153 = tpu.scan <sum>, %parallel_loop3A_150 masked %parallel_loop3A_152 : vector<16xf32>, vector<16xi1> -> vector<16xf32>
        %parallel_loop3A_154 = vector.extract %parallel_loop3A_153[15] : f32 from vector<16xf32>
        %parallel_loop3A_155 = vector.broadcast %parallel_loop3A_154 : f32 to vector<16xf32>
        %parallel_loop3A_156 = math.exp %parallel_loop3A_155 : vector<16xf32>
        %parallel_loop3A_157 = arith.constant 1.000000e+00 : f32
        %parallel_loop3A_158 = vector.broadcast %parallel_loop3A_157 : f32 to vector<16xf32>
        %parallel_loop3A_159 = arith.addf %parallel_loop3A_158, %parallel_loop3A_156 : vector<16xf32>
        %parallel_loop3A_160 = arith.divf %parallel_loop3A_149, %parallel_loop3A_159 : vector<16xf32>
        %parallel_loop3A_161 = arith.index_cast %parallel_loop3A_117 : i32 to index
        %parallel_loop3A_162 = arith.constant 16 : index
        %parallel_loop3A_163 = tpu.vector_load %arg11[%parallel_loop3A_161, %parallel_loop3A_162] {strides = array<i32>} : memref<64x128xf32, #tpu.memory_space<vmem>>, vector<16xf32>,
        tpu.vector_store %arg11[%parallel_loop3A_161, %parallel_loop3A_162], %parallel_loop3A_160 {strides = array<i32>} : memref<64x128xf32, #tpu.memory_space<vmem>>, vector<16xf32>,
        %parallel_loop3A_164 = arith.index_cast %parallel_loop3A_117 : i32 to index
        %parallel_loop3A_165 = arith.constant 32 : index
        %parallel_loop3A_166 = tpu.vector_load %arg9[%parallel_loop3A_164, %parallel_loop3A_165] {strides = array<i32>} : memref<64x128xf32, #tpu.memory_space<vmem>>, vector<16xf32>,
        %parallel_loop3A_167 = arith.index_cast %parallel_loop3A_117 : i32 to index
        %parallel_loop3A_168 = arith.constant 32 : index
        %parallel_loop3A_169 = tpu.vector_load %arg10[%parallel_loop3A_167, %parallel_loop3A_168] {strides = array<i32>} : memref<64x256xf32, #tpu.memory_space<vmem>>, vector<16xf32>,
        %parallel_loop3A_170 = arith.index_cast %parallel_loop3A_117 : i32 to index
        %parallel_loop3A_171 = arith.constant 160 : index
        %parallel_loop3A_172 = tpu.vector_load %arg10[%parallel_loop3A_170, %parallel_loop3A_171] {strides = array<i32>} : memref<64x256xf32, #tpu.memory_space<vmem>>, vector<16xf32>,
        %parallel_loop3A_173 = arith.mulf %parallel_loop3A_166, %parallel_loop3A_169 : vector<16xf32>
        %parallel_loop3A_174 = arith.constant true
        %parallel_loop3A_175 = vector.broadcast %parallel_loop3A_174 : i1 to vector<16xi1>
        %parallel_loop3A_176 = tpu.scan <sum>, %parallel_loop3A_173 masked %parallel_loop3A_175 : vector<16xf32>, vector<16xi1> -> vector<16xf32>
        %parallel_loop3A_177 = vector.extract %parallel_loop3A_176[15] : f32 from vector<16xf32>
        %parallel_loop3A_178 = vector.broadcast %parallel_loop3A_177 : f32 to vector<16xf32>
        %parallel_loop3A_179 = math.exp %parallel_loop3A_178 : vector<16xf32>
        %parallel_loop3A_180 = arith.constant 1.000000e+00 : f32
        %parallel_loop3A_181 = vector.broadcast %parallel_loop3A_180 : f32 to vector<16xf32>
        %parallel_loop3A_182 = arith.addf %parallel_loop3A_181, %parallel_loop3A_179 : vector<16xf32>
        %parallel_loop3A_183 = arith.divf %parallel_loop3A_172, %parallel_loop3A_182 : vector<16xf32>
        %parallel_loop3A_184 = arith.index_cast %parallel_loop3A_117 : i32 to index
        %parallel_loop3A_185 = arith.constant 32 : index
        %parallel_loop3A_186 = tpu.vector_load %arg11[%parallel_loop3A_184, %parallel_loop3A_185] {strides = array<i32>} : memref<64x128xf32, #tpu.memory_space<vmem>>, vector<16xf32>,
        tpu.vector_store %arg11[%parallel_loop3A_184, %parallel_loop3A_185], %parallel_loop3A_183 {strides = array<i32>} : memref<64x128xf32, #tpu.memory_space<vmem>>, vector<16xf32>,
        %parallel_loop3A_187 = arith.index_cast %parallel_loop3A_117 : i32 to index
        %parallel_loop3A_188 = arith.constant 48 : index
        %parallel_loop3A_189 = tpu.vector_load %arg9[%parallel_loop3A_187, %parallel_loop3A_188] {strides = array<i32>} : memref<64x128xf32, #tpu.memory_space<vmem>>, vector<16xf32>,
        %parallel_loop3A_190 = arith.index_cast %parallel_loop3A_117 : i32 to index
        %parallel_loop3A_191 = arith.constant 48 : index
        %parallel_loop3A_192 = tpu.vector_load %arg10[%parallel_loop3A_190, %parallel_loop3A_191] {strides = array<i32>} : memref<64x256xf32, #tpu.memory_space<vmem>>, vector<16xf32>,
        %parallel_loop3A_193 = arith.index_cast %parallel_loop3A_117 : i32 to index
        %parallel_loop3A_194 = arith.constant 176 : index
        %parallel_loop3A_195 = tpu.vector_load %arg10[%parallel_loop3A_193, %parallel_loop3A_194] {strides = array<i32>} : memref<64x256xf32, #tpu.memory_space<vmem>>, vector<16xf32>,
        %parallel_loop3A_196 = arith.mulf %parallel_loop3A_189, %parallel_loop3A_192 : vector<16xf32>
        %parallel_loop3A_197 = arith.constant true
        %parallel_loop3A_198 = vector.broadcast %parallel_loop3A_197 : i1 to vector<16xi1>
        %parallel_loop3A_199 = tpu.scan <sum>, %parallel_loop3A_196 masked %parallel_loop3A_198 : vector<16xf32>, vector<16xi1> -> vector<16xf32>
        %parallel_loop3A_200 = vector.extract %parallel_loop3A_199[15] : f32 from vector<16xf32>
        %parallel_loop3A_201 = vector.broadcast %parallel_loop3A_200 : f32 to vector<16xf32>
        %parallel_loop3A_202 = math.exp %parallel_loop3A_201 : vector<16xf32>
        %parallel_loop3A_203 = arith.constant 1.000000e+00 : f32
        %parallel_loop3A_204 = vector.broadcast %parallel_loop3A_203 : f32 to vector<16xf32>
        %parallel_loop3A_205 = arith.addf %parallel_loop3A_204, %parallel_loop3A_202 : vector<16xf32>
        %parallel_loop3A_206 = arith.divf %parallel_loop3A_195, %parallel_loop3A_205 : vector<16xf32>
        %parallel_loop3A_207 = arith.index_cast %parallel_loop3A_117 : i32 to index
        %parallel_loop3A_208 = arith.constant 48 : index
        %parallel_loop3A_209 = tpu.vector_load %arg11[%parallel_loop3A_207, %parallel_loop3A_208] {strides = array<i32>} : memref<64x128xf32, #tpu.memory_space<vmem>>, vector<16xf32>,
        tpu.vector_store %arg11[%parallel_loop3A_207, %parallel_loop3A_208], %parallel_loop3A_206 {strides = array<i32>} : memref<64x128xf32, #tpu.memory_space<vmem>>, vector<16xf32>,
        %parallel_loop3A_210 = arith.index_cast %parallel_loop3A_117 : i32 to index
        %parallel_loop3A_211 = arith.constant 64 : index
        %parallel_loop3A_212 = tpu.vector_load %arg9[%parallel_loop3A_210, %parallel_loop3A_211] {strides = array<i32>} : memref<64x128xf32, #tpu.memory_space<vmem>>, vector<16xf32>,
        %parallel_loop3A_213 = arith.index_cast %parallel_loop3A_117 : i32 to index
        %parallel_loop3A_214 = arith.constant 64 : index
        %parallel_loop3A_215 = tpu.vector_load %arg10[%parallel_loop3A_213, %parallel_loop3A_214] {strides = array<i32>} : memref<64x256xf32, #tpu.memory_space<vmem>>, vector<16xf32>,
        %parallel_loop3A_216 = arith.index_cast %parallel_loop3A_117 : i32 to index
        %parallel_loop3A_217 = arith.constant 192 : index
        %parallel_loop3A_218 = tpu.vector_load %arg10[%parallel_loop3A_216, %parallel_loop3A_217] {strides = array<i32>} : memref<64x256xf32, #tpu.memory_space<vmem>>, vector<16xf32>,
        %parallel_loop3A_219 = arith.mulf %parallel_loop3A_212, %parallel_loop3A_215 : vector<16xf32>
        %parallel_loop3A_220 = arith.constant true
        %parallel_loop3A_221 = vector.broadcast %parallel_loop3A_220 : i1 to vector<16xi1>
        %parallel_loop3A_222 = tpu.scan <sum>, %parallel_loop3A_219 masked %parallel_loop3A_221 : vector<16xf32>, vector<16xi1> -> vector<16xf32>
        %parallel_loop3A_223 = vector.extract %parallel_loop3A_222[15] : f32 from vector<16xf32>
        %parallel_loop3A_224 = vector.broadcast %parallel_loop3A_223 : f32 to vector<16xf32>
        %parallel_loop3A_225 = math.exp %parallel_loop3A_224 : vector<16xf32>
        %parallel_loop3A_226 = arith.constant 1.000000e+00 : f32
        %parallel_loop3A_227 = vector.broadcast %parallel_loop3A_226 : f32 to vector<16xf32>
        %parallel_loop3A_228 = arith.addf %parallel_loop3A_227, %parallel_loop3A_225 : vector<16xf32>
        %parallel_loop3A_229 = arith.divf %parallel_loop3A_218, %parallel_loop3A_228 : vector<16xf32>
        %parallel_loop3A_230 = arith.index_cast %parallel_loop3A_117 : i32 to index
        %parallel_loop3A_231 = arith.constant 64 : index
        %parallel_loop3A_232 = tpu.vector_load %arg11[%parallel_loop3A_230, %parallel_loop3A_231] {strides = array<i32>} : memref<64x128xf32, #tpu.memory_space<vmem>>, vector<16xf32>,
        tpu.vector_store %arg11[%parallel_loop3A_230, %parallel_loop3A_231], %parallel_loop3A_229 {strides = array<i32>} : memref<64x128xf32, #tpu.memory_space<vmem>>, vector<16xf32>,
        %parallel_loop3A_233 = arith.index_cast %parallel_loop3A_117 : i32 to index
        %parallel_loop3A_234 = arith.constant 80 : index
        %parallel_loop3A_235 = tpu.vector_load %arg9[%parallel_loop3A_233, %parallel_loop3A_234] {strides = array<i32>} : memref<64x128xf32, #tpu.memory_space<vmem>>, vector<16xf32>,
        %parallel_loop3A_236 = arith.index_cast %parallel_loop3A_117 : i32 to index
        %parallel_loop3A_237 = arith.constant 80 : index
        %parallel_loop3A_238 = tpu.vector_load %arg10[%parallel_loop3A_236, %parallel_loop3A_237] {strides = array<i32>} : memref<64x256xf32, #tpu.memory_space<vmem>>, vector<16xf32>,
        %parallel_loop3A_239 = arith.index_cast %parallel_loop3A_117 : i32 to index
        %parallel_loop3A_240 = arith.constant 208 : index
        %parallel_loop3A_241 = tpu.vector_load %arg10[%parallel_loop3A_239, %parallel_loop3A_240] {strides = array<i32>} : memref<64x256xf32, #tpu.memory_space<vmem>>, vector<16xf32>,
        %parallel_loop3A_242 = arith.mulf %parallel_loop3A_235, %parallel_loop3A_238 : vector<16xf32>
        %parallel_loop3A_243 = arith.constant true
        %parallel_loop3A_244 = vector.broadcast %parallel_loop3A_243 : i1 to vector<16xi1>
        %parallel_loop3A_245 = tpu.scan <sum>, %parallel_loop3A_242 masked %parallel_loop3A_244 : vector<16xf32>, vector<16xi1> -> vector<16xf32>
        %parallel_loop3A_246 = vector.extract %parallel_loop3A_245[15] : f32 from vector<16xf32>
        %parallel_loop3A_247 = vector.broadcast %parallel_loop3A_246 : f32 to vector<16xf32>
        %parallel_loop3A_248 = math.exp %parallel_loop3A_247 : vector<16xf32>
        %parallel_loop3A_249 = arith.constant 1.000000e+00 : f32
        %parallel_loop3A_250 = vector.broadcast %parallel_loop3A_249 : f32 to vector<16xf32>
        %parallel_loop3A_251 = arith.addf %parallel_loop3A_250, %parallel_loop3A_248 : vector<16xf32>
        %parallel_loop3A_252 = arith.divf %parallel_loop3A_241, %parallel_loop3A_251 : vector<16xf32>
        %parallel_loop3A_253 = arith.index_cast %parallel_loop3A_117 : i32 to index
        %parallel_loop3A_254 = arith.constant 80 : index
        %parallel_loop3A_255 = tpu.vector_load %arg11[%parallel_loop3A_253, %parallel_loop3A_254] {strides = array<i32>} : memref<64x128xf32, #tpu.memory_space<vmem>>, vector<16xf32>,
        tpu.vector_store %arg11[%parallel_loop3A_253, %parallel_loop3A_254], %parallel_loop3A_252 {strides = array<i32>} : memref<64x128xf32, #tpu.memory_space<vmem>>, vector<16xf32>,
        %parallel_loop3A_256 = arith.index_cast %parallel_loop3A_117 : i32 to index
        %parallel_loop3A_257 = arith.constant 96 : index
        %parallel_loop3A_258 = tpu.vector_load %arg9[%parallel_loop3A_256, %parallel_loop3A_257] {strides = array<i32>} : memref<64x128xf32, #tpu.memory_space<vmem>>, vector<16xf32>,
        %parallel_loop3A_259 = arith.index_cast %parallel_loop3A_117 : i32 to index
        %parallel_loop3A_260 = arith.constant 96 : index
        %parallel_loop3A_261 = tpu.vector_load %arg10[%parallel_loop3A_259, %parallel_loop3A_260] {strides = array<i32>} : memref<64x256xf32, #tpu.memory_space<vmem>>, vector<16xf32>,
        %parallel_loop3A_262 = arith.index_cast %parallel_loop3A_117 : i32 to index
        %parallel_loop3A_263 = arith.constant 224 : index
        %parallel_loop3A_264 = tpu.vector_load %arg10[%parallel_loop3A_262, %parallel_loop3A_263] {strides = array<i32>} : memref<64x256xf32, #tpu.memory_space<vmem>>, vector<16xf32>,
        %parallel_loop3A_265 = arith.mulf %parallel_loop3A_258, %parallel_loop3A_261 : vector<16xf32>
        %parallel_loop3A_266 = arith.constant true
        %parallel_loop3A_267 = vector.broadcast %parallel_loop3A_266 : i1 to vector<16xi1>
        %parallel_loop3A_268 = tpu.scan <sum>, %parallel_loop3A_265 masked %parallel_loop3A_267 : vector<16xf32>, vector<16xi1> -> vector<16xf32>
        %parallel_loop3A_269 = vector.extract %parallel_loop3A_268[15] : f32 from vector<16xf32>
        %parallel_loop3A_270 = vector.broadcast %parallel_loop3A_269 : f32 to vector<16xf32>
        %parallel_loop3A_271 = math.exp %parallel_loop3A_270 : vector<16xf32>
        %parallel_loop3A_272 = arith.constant 1.000000e+00 : f32
        %parallel_loop3A_273 = vector.broadcast %parallel_loop3A_272 : f32 to vector<16xf32>
        %parallel_loop3A_274 = arith.addf %parallel_loop3A_273, %parallel_loop3A_271 : vector<16xf32>
        %parallel_loop3A_275 = arith.divf %parallel_loop3A_264, %parallel_loop3A_274 : vector<16xf32>
        %parallel_loop3A_276 = arith.index_cast %parallel_loop3A_117 : i32 to index
        %parallel_loop3A_277 = arith.constant 96 : index
        %parallel_loop3A_278 = tpu.vector_load %arg11[%parallel_loop3A_276, %parallel_loop3A_277] {strides = array<i32>} : memref<64x128xf32, #tpu.memory_space<vmem>>, vector<16xf32>,
        tpu.vector_store %arg11[%parallel_loop3A_276, %parallel_loop3A_277], %parallel_loop3A_275 {strides = array<i32>} : memref<64x128xf32, #tpu.memory_space<vmem>>, vector<16xf32>,
        %parallel_loop3A_279 = arith.index_cast %parallel_loop3A_117 : i32 to index
        %parallel_loop3A_280 = arith.constant 112 : index
        %parallel_loop3A_281 = tpu.vector_load %arg9[%parallel_loop3A_279, %parallel_loop3A_280] {strides = array<i32>} : memref<64x128xf32, #tpu.memory_space<vmem>>, vector<16xf32>,
        %parallel_loop3A_282 = arith.index_cast %parallel_loop3A_117 : i32 to index
        %parallel_loop3A_283 = arith.constant 112 : index
        %parallel_loop3A_284 = tpu.vector_load %arg10[%parallel_loop3A_282, %parallel_loop3A_283] {strides = array<i32>} : memref<64x256xf32, #tpu.memory_space<vmem>>, vector<16xf32>,
        %parallel_loop3A_285 = arith.index_cast %parallel_loop3A_117 : i32 to index
        %parallel_loop3A_286 = arith.constant 240 : index
        %parallel_loop3A_287 = tpu.vector_load %arg10[%parallel_loop3A_285, %parallel_loop3A_286] {strides = array<i32>} : memref<64x256xf32, #tpu.memory_space<vmem>>, vector<16xf32>,
        %parallel_loop3A_288 = arith.mulf %parallel_loop3A_281, %parallel_loop3A_284 : vector<16xf32>
        %parallel_loop3A_289 = arith.constant true
        %parallel_loop3A_290 = vector.broadcast %parallel_loop3A_289 : i1 to vector<16xi1>
        %parallel_loop3A_291 = tpu.scan <sum>, %parallel_loop3A_288 masked %parallel_loop3A_290 : vector<16xf32>, vector<16xi1> -> vector<16xf32>
        %parallel_loop3A_292 = vector.extract %parallel_loop3A_291[15] : f32 from vector<16xf32>
        %parallel_loop3A_293 = vector.broadcast %parallel_loop3A_292 : f32 to vector<16xf32>
        %parallel_loop3A_294 = math.exp %parallel_loop3A_293 : vector<16xf32>
        %parallel_loop3A_295 = arith.constant 1.000000e+00 : f32
        %parallel_loop3A_296 = vector.broadcast %parallel_loop3A_295 : f32 to vector<16xf32>
        %parallel_loop3A_297 = arith.addf %parallel_loop3A_296, %parallel_loop3A_294 : vector<16xf32>
        %parallel_loop3A_298 = arith.divf %parallel_loop3A_287, %parallel_loop3A_297 : vector<16xf32>
        %parallel_loop3A_299 = arith.index_cast %parallel_loop3A_117 : i32 to index
        %parallel_loop3A_300 = arith.constant 112 : index
        %parallel_loop3A_301 = tpu.vector_load %arg11[%parallel_loop3A_299, %parallel_loop3A_300] {strides = array<i32>} : memref<64x128xf32, #tpu.memory_space<vmem>>, vector<16xf32>,
        tpu.vector_store %arg11[%parallel_loop3A_299, %parallel_loop3A_300], %parallel_loop3A_298 {strides = array<i32>} : memref<64x128xf32, #tpu.memory_space<vmem>>, vector<16xf32>,
      } {sc.loop_unroll_factor = 4 : i64, sc.parallel_access}
      "tpu.region"() ({
        %run_scoped3A = tpu.sem_alloc : memref<!tpu.dma_semaphore, #tpu.memory_space<semaphore_mem>>
        %dma_start3A_117 = arith.constant 0 : i32
        %dma_start3A_118 = arith.constant 0 : i32
        %dma_start3A_119 = tpu.memref_slice %arg12[%dma_start3A_117, %dma_start3A_118] : memref<10240x128xf32, #tpu.memory_space<vmem_shared>> -> memref<10240x128xf32, #tpu.memory_space<vmem_shared>>
        tpu.enqueue_indirect_dma source(%arg11 : memref<64x128xf32, #tpu.memory_space<vmem>>) target(%dma_start3A_119 : memref<10240x128xf32, #tpu.memory_space<vmem_shared>>) offsets(%arg7 : memref<64xi32, #tpu.memory_space<vmem>>) semaphore(%run_scoped3A : memref<!tpu.dma_semaphore, #tpu.memory_space<semaphore_mem>>) {add = true}
        %dma_wait3A_120 = arith.constant 0 : i32
        %dma_wait3A_121 = arith.constant 0 : i32
        %dma_wait3A_122 = tpu.memref_slice %arg12[%dma_wait3A_120, %dma_wait3A_121] : memref<10240x128xf32, #tpu.memory_space<vmem_shared>> -> memref<10240x128xf32, #tpu.memory_space<vmem_shared>>
        tpu.wait_indirect_dma semaphore(%run_scoped3A : memref<!tpu.dma_semaphore, #tpu.memory_space<semaphore_mem>>) src(%arg11 : memref<64x128xf32, #tpu.memory_space<vmem>>) dst(%dma_wait3A_122 : memref<10240x128xf32, #tpu.memory_space<vmem_shared>>)
        tpu.yield
      }) : () -> ()
      %while3A_116 = arith.constant 0 : i32
      scf.yield %while3A_116 : i32
    }
    %barrier3A_60 = arith.constant 0 : index
    tpu.barrier barrier_id(%barrier3A_60)
    %mul3A_61 = arith.constant 640 : i32
    %mul3A_62 = arith.muli %arg1, %mul3A_61 : i32
    %mul3A_63 = arith.constant 640 : i32
    %mul3A_64 = arith.muli %arg1, %mul3A_63 : i32
    "tpu.region"() ({
      %run_scoped3A = tpu.sem_alloc : memref<!tpu.dma_semaphore, #tpu.memory_space<semaphore_mem>>
      %dma_start3A = arith.constant 0 : i32
      %dma_start3A_65 = tpu.memref_slice %arg5[%arg0, %mul3A_64, %dma_start3A] : memref<2x10240x128xf32, #tpu.memory_space<hbm>> -> memref<1x640x128xf32, #tpu.memory_space<hbm>>
      %dma_start3A_66 = tpu.memref_squeeze %dma_start3A_65 : memref<1x640x128xf32, #tpu.memory_space<hbm>> -> memref<640x128xf32, #tpu.memory_space<hbm>>
      %dma_start3A_67 = arith.constant 0 : i32
      %dma_start3A_68 = tpu.memref_slice %arg12[%mul3A_62, %dma_start3A_67] : memref<10240x128xf32, #tpu.memory_space<vmem_shared>> -> memref<640x128xf32, #tpu.memory_space<vmem_shared>>
      tpu.enqueue_dma source(%dma_start3A_68 : memref<640x128xf32, #tpu.memory_space<vmem_shared>>) target(%dma_start3A_66 : memref<640x128xf32, #tpu.memory_space<hbm>>) target_semaphore(%run_scoped3A : memref<!tpu.dma_semaphore, #tpu.memory_space<semaphore_mem>>)
      %dma_wait3A = arith.constant 0 : i32
      %dma_wait3A_69 = tpu.memref_slice %arg5[%arg0, %mul3A_64, %dma_wait3A] : memref<2x10240x128xf32, #tpu.memory_space<hbm>> -> memref<1x640x128xf32, #tpu.memory_space<hbm>>
      %dma_wait3A_70 = tpu.memref_squeeze %dma_wait3A_69 : memref<1x640x128xf32, #tpu.memory_space<hbm>> -> memref<640x128xf32, #tpu.memory_space<hbm>>
      %dma_wait3A_71 = arith.constant 0 : i32
      %dma_wait3A_72 = tpu.memref_slice %arg12[%mul3A_62, %dma_wait3A_71] : memref<10240x128xf32, #tpu.memory_space<vmem_shared>> -> memref<640x128xf32, #tpu.memory_space<vmem_shared>>
      tpu.wait_dma2 semaphore(%run_scoped3A : memref<!tpu.dma_semaphore, #tpu.memory_space<semaphore_mem>>) src(%dma_wait3A_72 : memref<640x128xf32, #tpu.memory_space<vmem_shared>>) dst(%dma_wait3A_70 : memref<640x128xf32, #tpu.memory_space<hbm>>)
      tpu.yield
    }) : () -> ()
    return
  }
}

module attributes {stable_mosaic.version = 14 : i64} {
  func.func @_proj_body(%arg0: i32, %arg1: memref<1000x128xf32, #tpu.memory_space<vmem>>, %arg2: memref<1000x128xf32, #tpu.memory_space<vmem>>, %arg3: memref<128x128xf32, #tpu.memory_space<vmem>>, %arg4: memref<1x128xf32, #tpu.memory_space<vmem>>, %arg5: memref<128x128xf32, #tpu.memory_space<vmem>>, %arg6: memref<1x128xf32, #tpu.memory_space<vmem>>, %arg7: memref<128x128xf32, #tpu.memory_space<vmem>>, %arg8: memref<1x128xf32, #tpu.memory_space<vmem>>, %arg9: memref<1000x128xf32, #tpu.memory_space<vmem>>, %arg10: memref<1000x256xf32, #tpu.memory_space<vmem>>) attributes {dimension_semantics = [#tpu.dimension_semantics<arbitrary>], iteration_bounds = array<i64: 10>, scalar_prefetch = 0 : i64, scratch_operands = 0 : i64, tpu.core_type = #tpu.core_type<tc>, window_params = [{transform_indices = @transform_0, window_bounds = array<i64: 1000, 128>}, {transform_indices = @transform_1, window_bounds = array<i64: 1000, 128>}, {pipeline_mode = #tpu.pipeline_mode<synchronous>, transform_indices = @transform_2, window_bounds = array<i64: 128, 128>}, {pipeline_mode = #tpu.pipeline_mode<synchronous>, transform_indices = @transform_3, window_bounds = array<i64: 1, 128>}, {pipeline_mode = #tpu.pipeline_mode<synchronous>, transform_indices = @transform_4, window_bounds = array<i64: 128, 128>}, {pipeline_mode = #tpu.pipeline_mode<synchronous>, transform_indices = @transform_5, window_bounds = array<i64: 1, 128>}, {pipeline_mode = #tpu.pipeline_mode<synchronous>, transform_indices = @transform_6, window_bounds = array<i64: 128, 128>}, {pipeline_mode = #tpu.pipeline_mode<synchronous>, transform_indices = @transform_7, window_bounds = array<i64: 1, 128>}, {transform_indices = @transform_8, window_bounds = array<i64: 1000, 128>}, {transform_indices = @transform_9, window_bounds = array<i64: 1000, 256>}]} {
    %get3A = arith.constant 0 : index
    %get3A_0 = arith.constant 0 : index
    %get3A_1 = vector.load %arg1[%get3A, %get3A_0] : memref<1000x128xf32, #tpu.memory_space<vmem>>, vector<1000x128xf32>
    %get3A_2 = arith.constant 0 : index
    %get3A_3 = arith.constant 0 : index
    %get3A_4 = vector.load %arg2[%get3A_2, %get3A_3] : memref<1000x128xf32, #tpu.memory_space<vmem>>, vector<1000x128xf32>
    %add3A = arith.addf %get3A_1, %get3A_4 : vector<1000x128xf32>
    %get3A_5 = arith.constant 0 : index
    %get3A_6 = arith.constant 0 : index
    %get3A_7 = vector.load %arg3[%get3A_5, %get3A_6] : memref<128x128xf32, #tpu.memory_space<vmem>>, vector<128x128xf32>
    %dot_general3A = arith.constant dense<0.000000e+00> : vector<1000x128xf32>
    %dot_general3A_8 = tpu.matmul %add3A, %get3A_7, %dot_general3A {dimension_numbers = #tpu.dot_dimension_numbers<[1], [1], [0], [0], [0, 0, 1, 0], [], []>, precision = #tpu.contract_precision<fp32>, transpose_lhs_hint = false} : vector<1000x128xf32>, vector<128x128xf32>, vector<1000x128xf32> -> vector<1000x128xf32>
    %get3A_9 = arith.constant 0 : index
    %get3A_10 = arith.constant 0 : index
    %get3A_11 = vector.load %arg5[%get3A_9, %get3A_10] : memref<128x128xf32, #tpu.memory_space<vmem>>, vector<128x128xf32>
    %dot_general3A_12 = arith.constant dense<0.000000e+00> : vector<1000x128xf32>
    %dot_general3A_13 = tpu.matmul %add3A, %get3A_11, %dot_general3A_12 {dimension_numbers = #tpu.dot_dimension_numbers<[1], [1], [0], [0], [0, 0, 1, 0], [], []>, precision = #tpu.contract_precision<fp32>, transpose_lhs_hint = false} : vector<1000x128xf32>, vector<128x128xf32>, vector<1000x128xf32> -> vector<1000x128xf32>
    %get3A_14 = arith.constant 0 : index
    %get3A_15 = arith.constant 0 : index
    %get3A_16 = vector.load %arg7[%get3A_14, %get3A_15] : memref<128x128xf32, #tpu.memory_space<vmem>>, vector<128x128xf32>
    %dot_general3A_17 = arith.constant dense<0.000000e+00> : vector<1000x128xf32>
    %dot_general3A_18 = tpu.matmul %get3A_1, %get3A_16, %dot_general3A_17 {dimension_numbers = #tpu.dot_dimension_numbers<[1], [1], [0], [0], [0, 0, 1, 0], [], []>, precision = #tpu.contract_precision<fp32>, transpose_lhs_hint = false} : vector<1000x128xf32>, vector<128x128xf32>, vector<1000x128xf32> -> vector<1000x128xf32>
    %get3A_19 = arith.constant 0 : index
    %get3A_20 = arith.constant 0 : index
    %get3A_21 = vector.load %arg4[%get3A_19, %get3A_20] : memref<1x128xf32, #tpu.memory_space<vmem>>, vector<1x128xf32>
    %add3A_22 = vector.broadcast %get3A_21 : vector<1x128xf32> to vector<1000x128xf32>
    %add3A_23 = arith.addf %dot_general3A_8, %add3A_22 : vector<1000x128xf32>
    %mul3A = arith.constant -2.500000e-01 : f32
    %mul3A_24 = vector.broadcast %mul3A : f32 to vector<1000x128xf32>
    %mul3A_25 = arith.mulf %add3A_23, %mul3A_24 : vector<1000x128xf32>
    %swap3A = arith.constant 0 : index
    %swap3A_26 = arith.constant 0 : index
    %swap3A_27 = vector.load %arg9[%swap3A, %swap3A_26] : memref<1000x128xf32, #tpu.memory_space<vmem>>, vector<1000x128xf32>
    tpu.vector_store %arg9[%swap3A, %swap3A_26], %mul3A_25 {strides = array<i32>} : memref<1000x128xf32, #tpu.memory_space<vmem>>, vector<1000x128xf32>,
    %get3A_28 = arith.constant 0 : index
    %get3A_29 = arith.constant 0 : index
    %get3A_30 = vector.load %arg6[%get3A_28, %get3A_29] : memref<1x128xf32, #tpu.memory_space<vmem>>, vector<1x128xf32>
    %add3A_31 = vector.broadcast %get3A_30 : vector<1x128xf32> to vector<1000x128xf32>
    %add3A_32 = arith.addf %dot_general3A_13, %add3A_31 : vector<1000x128xf32>
    %swap3A_33 = arith.constant 0 : index
    %swap3A_34 = arith.constant 0 : index
    %swap3A_35 = vector.load %arg10[%swap3A_33, %swap3A_34] : memref<1000x256xf32, #tpu.memory_space<vmem>>, vector<1000x128xf32>
    tpu.vector_store %arg10[%swap3A_33, %swap3A_34], %add3A_32 {strides = array<i32>} : memref<1000x256xf32, #tpu.memory_space<vmem>>, vector<1000x128xf32>,
    %get3A_36 = arith.constant 0 : index
    %get3A_37 = arith.constant 0 : index
    %get3A_38 = vector.load %arg8[%get3A_36, %get3A_37] : memref<1x128xf32, #tpu.memory_space<vmem>>, vector<1x128xf32>
    %add3A_39 = vector.broadcast %get3A_38 : vector<1x128xf32> to vector<1000x128xf32>
    %add3A_40 = arith.addf %dot_general3A_18, %add3A_39 : vector<1000x128xf32>
    %swap3A_41 = arith.constant 0 : index
    %swap3A_42 = arith.constant 128 : index
    %swap3A_43 = vector.load %arg10[%swap3A_41, %swap3A_42] : memref<1000x256xf32, #tpu.memory_space<vmem>>, vector<1000x128xf32>
    tpu.vector_store %arg10[%swap3A_41, %swap3A_42], %add3A_40 {strides = array<i32>} : memref<1000x256xf32, #tpu.memory_space<vmem>>, vector<1000x128xf32>,
    return
  }
  func.func @transform_0(%arg0: i32) -> (i32, i32) {
    %c0_i32 = arith.constant 0 : i32
    %c0_i32_0 = arith.constant 0 : i32
    return %arg0, %c0_i32 : i32, i32
  }
  func.func @transform_1(%arg0: i32) -> (i32, i32) {
    %c0_i32 = arith.constant 0 : i32
    %c0_i32_0 = arith.constant 0 : i32
    return %arg0, %c0_i32 : i32, i32
  }
  func.func @transform_2(%arg0: i32) -> (i32, i32) {
    %c0_i32 = arith.constant 0 : i32
    %c0_i32_0 = arith.constant 0 : i32
    %c0_i32_1 = arith.constant 0 : i32
    return %c0_i32, %c0_i32_0 : i32, i32
  }
  func.func @transform_3(%arg0: i32) -> (i32, i32) {
    %c0_i32 = arith.constant 0 : i32
    %c0_i32_0 = arith.constant 0 : i32
    %c0_i32_1 = arith.constant 0 : i32
    return %c0_i32, %c0_i32_0 : i32, i32
  }
  func.func @transform_4(%arg0: i32) -> (i32, i32) {
    %c0_i32 = arith.constant 0 : i32
    %c0_i32_0 = arith.constant 0 : i32
    %c0_i32_1 = arith.constant 0 : i32
    return %c0_i32, %c0_i32_0 : i32, i32
  }
  func.func @transform_5(%arg0: i32) -> (i32, i32) {
    %c0_i32 = arith.constant 0 : i32
    %c0_i32_0 = arith.constant 0 : i32
    %c0_i32_1 = arith.constant 0 : i32
    return %c0_i32, %c0_i32_0 : i32, i32
  }
  func.func @transform_6(%arg0: i32) -> (i32, i32) {
    %c0_i32 = arith.constant 0 : i32
    %c0_i32_0 = arith.constant 0 : i32
    %c0_i32_1 = arith.constant 0 : i32
    return %c0_i32, %c0_i32_0 : i32, i32
  }
  func.func @transform_7(%arg0: i32) -> (i32, i32) {
    %c0_i32 = arith.constant 0 : i32
    %c0_i32_0 = arith.constant 0 : i32
    %c0_i32_1 = arith.constant 0 : i32
    return %c0_i32, %c0_i32_0 : i32, i32
  }
  func.func @transform_8(%arg0: i32) -> (i32, i32) {
    %c0_i32 = arith.constant 0 : i32
    %c0_i32_0 = arith.constant 0 : i32
    return %arg0, %c0_i32 : i32, i32
  }
  func.func @transform_9(%arg0: i32) -> (i32, i32) {
    %c0_i32 = arith.constant 0 : i32
    %c0_i32_0 = arith.constant 0 : i32
    return %arg0, %c0_i32 : i32, i32
  }
}

module attributes {stable_mosaic.version = 14 : i64} {
  func.func @_final_body(%arg0: i32, %arg1: memref<1000x128xf32, #tpu.memory_space<vmem>>, %arg2: memref<2x1000x128xf32, #tpu.memory_space<vmem>>, %arg3: memref<128x128xf32, #tpu.memory_space<vmem>>, %arg4: memref<1000x128xf32, #tpu.memory_space<vmem>>) attributes {dimension_semantics = [#tpu.dimension_semantics<arbitrary>], iteration_bounds = array<i64: 10>, scalar_prefetch = 0 : i64, scratch_operands = 0 : i64, tpu.core_type = #tpu.core_type<tc>, window_params = [{transform_indices = @transform_0, window_bounds = array<i64: 1000, 128>}, {transform_indices = @transform_1, window_bounds = array<i64: 2, 1000, 128>}, {pipeline_mode = #tpu.pipeline_mode<synchronous>, transform_indices = @transform_2, window_bounds = array<i64: 128, 128>}, {transform_indices = @transform_3, window_bounds = array<i64: 1000, 128>}]} {
    %get3A = arith.constant 0 : index
    %get3A_0 = arith.constant 0 : index
    %get3A_1 = arith.constant 0 : index
    %get3A_2 = vector.load %arg2[%get3A, %get3A_0, %get3A_1] : memref<2x1000x128xf32, #tpu.memory_space<vmem>>, vector<1x1000x128xf32>
    %get3A_3 = vector.shape_cast %get3A_2 : vector<1x1000x128xf32> to vector<1000x128xf32>
    %get3A_4 = arith.constant 1 : index
    %get3A_5 = arith.constant 0 : index
    %get3A_6 = arith.constant 0 : index
    %get3A_7 = vector.load %arg2[%get3A_4, %get3A_5, %get3A_6] : memref<2x1000x128xf32, #tpu.memory_space<vmem>>, vector<1x1000x128xf32>
    %get3A_8 = vector.shape_cast %get3A_7 : vector<1x1000x128xf32> to vector<1000x128xf32>
    %add3A = arith.addf %get3A_3, %get3A_8 : vector<1000x128xf32>
    %get3A_9 = arith.constant 0 : index
    %get3A_10 = arith.constant 0 : index
    %get3A_11 = vector.load %arg1[%get3A_9, %get3A_10] : memref<1000x128xf32, #tpu.memory_space<vmem>>, vector<1000x128xf32>
    %get3A_12 = arith.constant 0 : index
    %get3A_13 = arith.constant 0 : index
    %get3A_14 = vector.load %arg3[%get3A_12, %get3A_13] : memref<128x128xf32, #tpu.memory_space<vmem>>, vector<128x128xf32>
    %dot_general3A = arith.constant dense<0.000000e+00> : vector<1000x128xf32>
    %dot_general3A_15 = tpu.matmul %add3A, %get3A_14, %dot_general3A {dimension_numbers = #tpu.dot_dimension_numbers<[1], [1], [0], [0], [0, 0, 1, 0], [], []>, precision = #tpu.contract_precision<fp32>, transpose_lhs_hint = false} : vector<1000x128xf32>, vector<128x128xf32>, vector<1000x128xf32> -> vector<1000x128xf32>
    %add3A_16 = arith.addf %get3A_11, %dot_general3A_15 : vector<1000x128xf32>
    %swap3A = arith.constant 0 : index
    %swap3A_17 = arith.constant 0 : index
    %swap3A_18 = vector.load %arg4[%swap3A, %swap3A_17] : memref<1000x128xf32, #tpu.memory_space<vmem>>, vector<1000x128xf32>
    tpu.vector_store %arg4[%swap3A, %swap3A_17], %add3A_16 {strides = array<i32>} : memref<1000x128xf32, #tpu.memory_space<vmem>>, vector<1000x128xf32>,
    return
  }
  func.func @transform_0(%arg0: i32) -> (i32, i32) {
    %c0_i32 = arith.constant 0 : i32
    %c0_i32_0 = arith.constant 0 : i32
    return %arg0, %c0_i32 : i32, i32
  }
  func.func @transform_1(%arg0: i32) -> (i32, i32, i32) {
    %c0_i32 = arith.constant 0 : i32
    %c0_i32_0 = arith.constant 0 : i32
    %c0_i32_1 = arith.constant 0 : i32
    return %c0_i32, %arg0, %c0_i32_0 : i32, i32, i32
  }
  func.func @transform_2(%arg0: i32) -> (i32, i32) {
    %c0_i32 = arith.constant 0 : i32
    %c0_i32_0 = arith.constant 0 : i32
    %c0_i32_1 = arith.constant 0 : i32
    return %c0_i32, %c0_i32_0 : i32, i32
  }
  func.func @transform_3(%arg0: i32) -> (i32, i32) {
    %c0_i32 = arith.constant 0 : i32
    %c0_i32_0 = arith.constant 0 : i32
    return %arg0, %c0_i32 : i32, i32
  }
}

</mosaic_0001>

<sc_bundles>
// kernel: kernel.5.cloned.1.call-start
scs
__scs_entry_jumppad:
0x0: {  	(pc) =	sbr.rel $0x88, $3  }
0x1: {  	(tag) =	ssettag $0x0;
	lr =	simm.s32 $0x1  }
0x2: {  	[smem:$0x3F97] =	sst lr;
	_ =	strace $0xD0000000  }
0x3: {  	_ = 	snop  }
0x4: {  	_ = 	snop  }
0x5: {  	_ = 	snop  }
0x6: {  	_ = 	snop  }
0x7: {  	_ = 	snop  }
__scs_overlays_trampoline_lowered:
0x8: {  	[smem:$0x3FA6] =	sst s0  }
0x9: {  	[smem:$0x3FA7] =	sst s1  }
0xa: {  	[smem:$0x3FA8] =	sst s2  }
0xb: {  	[smem:$0x3FA9] =	sst s3  }
0xc: {  	[smem:$0x3FAA] =	sst s4  }
0xd: {  	[smem:$0x3FAB] =	sst s5  }
0xe: {  	[smem:$0x3FAC] =	sst s6  }
0xf: {  	[smem:$0x3FAD] =	sst s7  }
0x10: {  	[smem:$0x3FAE] =	sst s8  }
0x11: {  	[smem:$0x3FAF] =	sst s9;
	s0 =	simm.s32 @!p0 $0x0  }
0x12: {  	s1 =	sld [smem:$0x3F95];
	s0 =	simm.s32 @p0 $0x1  }
0x13: {  	[smem:$0x3FB0] =	sst s0;
	s0 =	simm.s32 @!p1 $0x0  }
0x14: {  	s2 =	sld [smem:$0x3F94];
	s0 =	simm.s32 @p1 $0x1  }
0x15: {  	[smem:$0x3FB1] =	sst s0;
	s0 =	simm.s32 @!p2 $0x0  }
0x16: {  	s3 =	sld [smem:$0x3FDB];
	s0 =	simm.s32 @p2 $0x1  }
0x17: {  	s4 =	simm.s32 $0x1BF5;
	[smem:$0x3FB3] =	sst s0  }
0x18: {  	s0 =	sld [smem:$0x3F96];
	_ =	swait.ge [sflag:s4], $0x0  }
0x19: {  	s7 =	sld [smem:$0x3F97]  }
0x1a: {  	s8 =	sadd.s32 $0xFFFFE003, lr  }
0x1b: {  	s9 =	sadd.s32 $0xFFFFFEF7, lr;
	s5 =	simm.s32 $0xFFFFFFFF;
	p2 =	slt.u32 s8, $0xFFFFF086  }
0x1c: {  	p1 =	slt.u32 s9, $0xF7A;
	s5 =	simm.s32 @!p2 $0x0  }
0x1d: {  	s5 =	simm.s32 @p1 $0x1;
	p0 =	seq.s32 s7, s2  }
0x1e: {  	s7 =	smul.u32 @!p0 $0xF7A, s2;
	p2 =	seq.s32 @!p0 s5, $0x0  }
0x1f: {  	s9 =	smul.u32 $0xF7A, s1;
	s8 =	simm.s32 @!p0 $0x1BF5;
	p2 =	por !p2, p0  }
0x20: {  	[sflag:s8] =	ssyncset.s32 @!p0 $0xFFFFF086;
	s6 =	sadd.s32 @!p0 s3, s7;
	s7 =	simm.s32 @!p0 $0x108  }
0x21: {  	s3 =	sadd.s32 s3, s9;
	s6 =	sadd.s32 @!p0 $0x88, s6;
	s7 =	simm.s32 @p2 $0x1082  }
0x22: {  	[simem:s7], [sflag:s8] =	dma.local @!p0 [hbm:s6], $0xF7A  }
0x23: {  	s9 =	sor.u32 $0xD0000000, s2;
	s6 =	simm.s32 $0x108;
	_ =	swait.ge @!p0 [sflag:s8], $0x0  }
0x24: {  	s3 =	sadd.s32 $0x88, s3;
	s6 =	simm.s32 @!p1 $0x1082;
	[sflag:s4] =	ssyncset.s32 $0xFFFFF086  }
0x25: {  	[simem:s6], [sflag:s4] =	dma.local [hbm:s3], $0xF7A  }
0x26: {  	[smem:$0x3F97] =	sst s1;
	(tag) =	ssettag s2;
	_ =	strace s9  }
0x27: {  	s1 =	sld [smem:$0x3FA7]  }
0x28: {  	s2 =	sld [smem:$0x3FA8]  }
0x29: {  	s4 =	sld [smem:$0x3FAA]  }
0x2a: {  	p0 =	seq.s32 s5, $0x0;
	s5 =	sld [smem:$0x3FAB]  }
0x2b: {  	s6 =	sld [smem:$0x3FAC]  }
0x2c: {  	s7 =	sld [smem:$0x3FAD]  }
0x2d: {  	s3 =	simm.s32 $0x108;
	s8 =	sld [smem:$0x3FAE]  }
0x2e: {  	s3 =	simm.s32 @!p0 $0x1082;
	s9 =	sld [smem:$0x3FAF]  }
0x2f: {  	lr =	sadd.s32 s0, s3;
	s0 =	sld [smem:$0x3FA6]  }
0x30: {  	s3 =	sld [smem:$0x3FA9]  }
0x31: {  	[smem:$0x3FB2] =	sst s10  }
0x32: {  	s10 =	sld [smem:$0x3FB0];
	_ =	sdelay $0x3  }
0x33: {  	p0 =	seq.s32 s10, $0x1;
	s10 =	sld [smem:$0x3FB2];
	_ =	sdelay $0x3  }
0x34: {  	[smem:$0x3FB2] =	sst s10  }
0x35: {  	s10 =	sld [smem:$0x3FB1];
	_ =	sdelay $0x3  }
0x36: {  	p1 =	seq.s32 s10, $0x1;
	s10 =	sld [smem:$0x3FB2];
	_ =	sdelay $0x3  }
0x37: {  	[smem:$0x3FB2] =	sst s10  }
0x38: {  	s10 =	sld [smem:$0x3FB3]  }
0x39: {  	_ = 	snop;
	(pc) =	sbr.ind lr, $3  }
0x3a: {  	_ = 	snop  }
0x3b: {  	_ = 	snop  }
0x3c: {  	p2 =	seq.s32 s10, $0x1;
	s10 =	sld [smem:$0x3FB2]  }
0x3d: {  	_ =	shalt  }
0x3e: {  	_ =	shalt  }
0x3f: {  	_ =	shalt  }
0x40: {  	_ =	shalt  }
0x41: {  	_ =	shalt  }
0x42: {  	_ =	shalt  }
0x43: {  	_ =	shalt  }
0x44: {  	_ =	shalt  }
0x45: {  	_ =	shalt  }
0x46: {  	_ =	shalt  }
0x47: {  	_ =	shalt  }
0x48: {  	_ =	shalt  }
0x49: {  	_ =	shalt  }
0x4a: {  	_ =	shalt  }
0x4b: {  	_ =	shalt  }
0x4c: {  	_ =	shalt  }
0x4d: {  	_ =	shalt  }
0x4e: {  	_ =	shalt  }
0x4f: {  	_ =	shalt  }
0x50: {  	_ =	shalt  }
0x51: {  	_ =	shalt  }
0x52: {  	_ =	shalt  }
0x53: {  	_ =	shalt  }
0x54: {  	_ =	shalt  }
0x55: {  	_ =	shalt  }
0x56: {  	_ =	shalt  }
0x57: {  	_ =	shalt  }
0x58: {  	_ =	shalt  }
0x59: {  	_ =	shalt  }
0x5a: {  	_ =	shalt  }
0x5b: {  	_ =	shalt  }
0x5c: {  	_ =	shalt  }
0x5d: {  	_ =	shalt  }
0x5e: {  	_ =	shalt  }
0x5f: {  	_ =	shalt  }
0x60: {  	_ =	shalt  }
0x61: {  	_ =	shalt  }
0x62: {  	_ =	shalt  }
0x63: {  	_ =	shalt  }
0x64: {  	_ =	shalt  }
0x65: {  	_ =	shalt  }
0x66: {  	_ =	shalt  }
0x67: {  	_ =	shalt  }
0x68: {  	_ =	shalt  }
0x69: {  	_ =	shalt  }
0x6a: {  	_ =	shalt  }
0x6b: {  	_ =	shalt  }
0x6c: {  	_ =	shalt  }
0x6d: {  	_ =	shalt  }
0x6e: {  	_ =	shalt  }
0x6f: {  	_ =	shalt  }
0x70: {  	_ =	shalt  }
0x71: {  	_ =	shalt  }
0x72: {  	_ =	shalt  }
0x73: {  	_ =	shalt  }
0x74: {  	_ =	shalt  }
0x75: {  	_ =	shalt  }
0x76: {  	_ =	shalt  }
0x77: {  	_ =	shalt  }
0x78: {  	_ =	shalt  }
0x79: {  	_ =	shalt  }
0x7a: {  	_ =	shalt  }
0x7b: {  	_ =	shalt  }
0x7c: {  	_ =	shalt  }
0x7d: {  	_ =	shalt  }
0x7e: {  	_ =	shalt  }
0x7f: {  	_ =	shalt  }
0x80: {  	_ =	shalt  }
0x81: {  	_ =	shalt  }
0x82: {  	_ =	shalt  }
0x83: {  	_ =	shalt  }
0x84: {  	_ =	shalt  }
0x85: {  	_ =	shalt  }
0x86: {  	_ =	shalt  }
0x87: {  	_ =	shalt  }
.Lfunc_end0:
.L_simem_size_0:
called_computation_lowered:
.L_overlay_start_0:
0x88: {  	s2 =	sld [smem:$0x3FD9]  }
0x89: {  	s3 =	sld [smem:$0x3FFE];
	_ =	sdelay $0x1  }
0x8a: {  	s1 =	srdreg.scid  }
0x8b: {  	s0 =	sand.u32 $0x1, s1  }
0x8c: {  	s17 =	sshll.u32 s0, $0xA;
	s2 =	sadd.s32 s3, s2  }
0x8d: {  	s2 =	sadd.s32 s2, s17  }
0x8e: {  	[smem:$0x3FBE] =	sst s2  }
0x8f: {  	_ = 	snop  }
0x90: {  	s2 =	sld [smem:$0x3FD0];
	(tm) =	ssettm $0x1  }
0x91: {  	s18 =	sld [smem:$0x3FFB];
	_ =	sdelay $0x3  }
0x92: {  	_ =	strace s18  }
0x93: {  	s3 =	sld [smem:$0x3FFC];
	_ =	sdelay $0x3  }
0x94: {  	_ =	strace s3  }
0x95: {  	s3 =	sld [smem:$0x3FFD];
	_ =	sdelay $0x3  }
0x96: {  	_ =	strace s3  }
0x97: {  	_ =	strace $0x8FFFFFFF  }
0x98: {  	s19 =	sld [smem:$0x3FDB];
	_ =	sdelay $0x1  }
0x99: {  	s4 =	simm.s32 $_scs_section_size  }
0x9a: {  	s5 =	simm.s32 $_size__tile_overlayer_lowered;
	s6 =	simm.s32 $_tile_overlayer_lowered  }
0x9b: {  	s22 =	simm.s32 $0x1BFF;
	s21 =	sshll.u32 s6, $0x1;
	s3 =	sadd.s32 s4, s19  }
0x9c: {  	s7 =	simm.s32 $0x0;
	s20 =	sshll.u32 s5, $0x1;
	s5 =	sadd.s32 s21, s3  }
0x9d: {  	[timem:s7], [sflag:s22] =	dma.local [hbm:s5], s20  }
0x9e: {  	_ =	swait.ge [sflag:s22], s20  }
0x9f: {  	s4 =	ssub.s32 $0x0, s20;
	[sflag:s22] =	ssyncset.done $0x0  }
0xa0: {  	[sflag:s22] =	ssyncadd.s32 s4;
	_ =	sdelay $0x1  }
0xa1: {  	s23 =	simm.s32 $0x1B8B  }
0xa2: {  	_ =	swait.ge [sflag:s23], $0x1  }
0xa3: {  	[sflag:s23] =	ssyncset.done $0x0  }
0xa4: {  	s25 =	simm.s32 $0x1B8E;
	s24 =	sld [smem:$0x3FFE];
	[sflag:s23] =	ssyncadd.s32 $0xFFFFFFFF  }
0xa5: {  	s26 =	simm.s32 $execute0_lowered;
	[smem:$0x3FD2] =	sst s25  }
0xa6: {  	s5 =	sshll.u32 s26, $0x1;
	_ =	strace $0x80000046;
	[dreg:$0x1] =	wrdreg $0xFFFFFFFF  }
0xa7: {  	s28 =	simm.s32 $_size_execute0_lowered;
	s3 =	sadd.s32 s3, s5;
	[dreg:$0x0] =	wrdreg $0x0  }
0xa8: {  	s5 =	sshll.u32 s28, $0x1;
	[dreg:$0x2] =	wrdreg s3  }
0xa9: {  	[dreg:$0x3] =	wrdreg s5  }
0xaa: {  	[dreg:$0x4] =	wrdreg $0xC0  }
0xab: {  	_ =	task [dreg:s7], $0x5FFFF  }
0xac: {  	[dreg:$0x1] =	wrdreg $0xFFFFFFFF  }
0xad: {  	[dreg:$0x0] =	wrdreg $0x60  }
0xae: {  	[dreg:$0x2] =	wrdreg s2  }
0xaf: {  	[dreg:$0x3] =	wrdreg s24  }
0xb0: {  	[dreg:$0x4] =	wrdreg $0x81800  }
0xb1: {  	[dreg:$0x5] =	wrdreg $0x9  }
0xb2: {  	_ =	task.clear_ibuf [dreg:s7], $0x6FFFF;
	_ =	strace $0x90000046  }
0xb3: {  	s29 =	simm.s32 $0x9;
	_ =	strace $0x80000048  }
0xb4: {  	_ =	swait.ge [sflag:s29], $0x1  }
0xb5: {  	[sflag:s29] =	ssyncadd.s32 $0xFFFFFFFF  }
0xb6: {  	_ =	strace $0x90000048  }
0xb7: {  	_ =	sfence  }
0xb8: {  	s30 =	sld [smem:$0x0];
	_ =	sdelay $0x2  }
0xb9: {  	s31 =	sshll.u32 s1, $0xD;
	s1 =	sshrl.u32 s1, $0x2  }
0xba: {  	s3 =	sand.u32 $0x4000, s31;
	s1 =	sadd.s32 s1, s30  }
0xbb: {  	s0 =	sor.u32 s3, s0;
	s1 =	sshll.u32 s1, $0x11  }
0xbc: {  	s0 =	sor.u32 s1, s0  }
0xbd: {  	s0 =	sadd.s32 $0x8F2B, s0  }
0xbe: {  	[sflag:s0] =	ssyncadd.remote.s32 $0x1  }
0xbf: {  	_ =	sfence.sel $0xFFFF  }
0xc0: {  	[dreg:$0x0] =	wrdreg $0xFFFFFFFF;
	(pc) =	sbr.abs _section_cstart, $3  }
0xc1: {  	[dreg:$0x1] =	wrdreg $0xFFFFFFFF  }
0xc2: {  	_ =	task.clear_ibuf [dreg:s7], $0x2FFFF;
	_ =	strace $0x9FFFFFFF  }
0xc3: {  	(tm) =	ssettm $0x7FFFFFFF  }
tec
execute0_lowered:
.L_overlay_start_1:
0x0: {  	(tag) =	ssettag $0x1  }
0x1: {  	s0 =	rddreg [dreg:$0x1]  }
0x2: {  	s5 =	rddreg [dreg:$0x2];
	s1 =	srdreg.scid;
	s7 =	simm.s32 $0x0  }
0x3: {  	s6 =	stileid.u32;
	s1 =	sand.u32 $0x1, s1;
	[smem:$0x7FF] =	sst s7  }
0x4: {  	s4 =	smul.u32 $0x50000, s6;
	s8 =	sadd.s32 $0x16200, s0;
	s17 =	sadd.s32 $0x2800, s0  }
0x5: {  	s30 =	sshll.u32 s6, $0x8;
	s2 =	smul.u32 $0x140000, s1;
	_ =	strace $0x80000047  }
0x6: {  	[smem:$0x7EE] =	sst s8;
	s18 =	ssub.s32 $0x2, s1;
	s1 =	sshll.u32 s1, $0x7  }
0x7: {  	[smem:$0x7EF] =	sst s17;
	s4 =	sshrl.u32 s4, $0x2;
	s1 =	sor.u32 s1, s30  }
0x8: {  	s4 =	sadd.s32 s4, s5;
	[smem:$0x7FA] =	sst s1  }
0x9: {  	s20 =	sadd.s32 $0x2000, s4;
	[smem:$0x7FD] =	sst s4  }
0xa: {  	s21 =	sadd.s32 $0x4000, s4;
	[smem:$0x7F0] =	sst s20  }
0xb: {  	s22 =	sadd.s32 $0x6000, s4;
	[smem:$0x7F1] =	sst s21  }
0xc: {  	s3 =	smul.u32 $0x14000, s6;
	s23 =	sadd.s32 $0x8000, s4;
	[smem:$0x7F2] =	sst s22  }
0xd: {  	p0 =	slt.u32 s6, $0x4;
	s24 =	sadd.s32 $0xA000, s4;
	[smem:$0x7F3] =	sst s23  }
0xe: {  	s19 =	sshrl.u32 s18, $0x1;
	s25 =	sadd.s32 $0xC000, s4;
	[smem:$0x7F4] =	sst s24  }
0xf: {  	s2 =	sadd.s32 s3, s2;
	s26 =	sadd.s32 $0xE000, s4;
	[smem:$0x7F5] =	sst s25  }
0x10: {  	s3 =	simm.s32 $0x9D;
	s28 =	sadd.s32 $0x10000, s4;
	[smem:$0x7F6] =	sst s26  }
0x11: {  	s2 =	sshrl.u32 s2, $0x3;
	s29 =	sadd.s32 $0x12000, s4;
	[smem:$0x7F7] =	sst s28  }
0x12: {  	s3 =	simm.s32 @!p0 $0x9C;
	s0 =	sadd.s32 s2, s0;
	[smem:$0x7F8] =	sst s29  }
0x13: {  	v3 =	vlaneseq.u32;
	s2 =	ssub.s32 s18, s19;
	[smem:$0x7F9] =	sst s3;
	s0 =	sadd.s32 $0x64400, s0  }
0x14: {  	v0 =	vimm.f32 $0.0e+00;
	vm0 =	vmmov $0xffff;
	s6 =	simm.s32 $0x80;
	v2 =	vshrl.u32 v3, $0x3;
	s31 =	smax.u32 s2, $0x1;
	[smem:$0x7FB] =	sst s0  }
0x15: {  	v1 =	vand.u32 $0x7, v3;
	v3 =	vor.u32 $0x8, v3;
	v2 =	vmul.u32 $0x8, v2;
	s5 =	simm.s32 $0x40;
	s3 =	simm.s32 $0x3;
	[smem:$0x7FC] =	sst s31  }
.LBB2_1:
0x16: {  	[smem:$0x7ED] =	sst s7;
	s0 =	simm.s32 $0x0;
	s1 =	simm.s32 $0x200  }
.LBB2_2:
0x17: {  	p0 =	sne.s32 s1, $0x7E00;
	[tilespmem:s0+$0x61F0] =	vst v0  }
0x18: {  	[tilespmem:s0+$0x6180] =	vst v0  }
0x19: {  	[tilespmem:s0+$0x6190] =	vst v0  }
.Ltmp0:
0x1a: {  	[tilespmem:s0+$0x61A0] =	vst v0;
	(pc) =	sbr.rel @p0 .LBB2_2-.Ltmp0, $4  }
0x1b: {  	[tilespmem:s0+$0x61B0] =	vst v0  }
0x1c: {  	[tilespmem:s0+$0x61C0] =	vst v0  }
0x1d: {  	[tilespmem:s0+$0x61D0] =	vst v0  }
0x1e: {  	[tilespmem:s0+$0x61E0] =	vst v0;
	s0 =	sshra.s32 s1, $0x2;
	s1 =	sadd.s32 $0x200, s1  }
0x1f: {  	[tilespmem:s0+$0x61F0] =	vst v0  }
0x20: {  	[tilespmem:s0+$0x6180] =	vst v0  }
0x21: {  	[tilespmem:s0+$0x6190] =	vst v0  }
0x22: {  	[tilespmem:s0+$0x61A0] =	vst v0  }
0x23: {  	[tilespmem:s0+$0x61B0] =	vst v0  }
0x24: {  	[tilespmem:s0+$0x61C0] =	vst v0  }
0x25: {  	[tilespmem:s0+$0x61D0] =	vst v0  }
0x26: {  	[tilespmem:s0+$0x61E0] =	vst v0;
	s1 =	simm.s32 $0x6180  }
0x27: {  	[spmem:s4] =	stream.linear.scatter [tilespmem:s1], [sflag:$0x3], $0x2000, $0x38;
	[tilespmem:$0x1C180] =	vst v63  }
0x28: {  	_ =	swait.ge [sflag:s3], $0x2000  }
0x29: {  	s22 =	sld [smem:$0x7F0]  }
0x2a: {  	[sflag:s3] =	ssyncset.done $0x0  }
0x2b: {  	[sflag:s3] =	ssyncadd.s32 $0xFFFFE000  }
0x2c: {  	[spmem:s22] =	stream.linear.scatter [tilespmem:s1], [sflag:$0x3], $0x2000, $0x38;
	[tilespmem:$0x1C180] =	vst v63  }
0x2d: {  	_ =	swait.ge [sflag:s3], $0x2000  }
0x2e: {  	s23 =	sld [smem:$0x7F1]  }
0x2f: {  	[sflag:s3] =	ssyncset.done $0x0  }
0x30: {  	[sflag:s3] =	ssyncadd.s32 $0xFFFFE000  }
0x31: {  	[spmem:s23] =	stream.linear.scatter [tilespmem:s1], [sflag:$0x3], $0x2000, $0x38;
	[tilespmem:$0x1C180] =	vst v63  }
0x32: {  	_ =	swait.ge [sflag:s3], $0x2000  }
0x33: {  	s24 =	sld [smem:$0x7F2]  }
0x34: {  	[sflag:s3] =	ssyncset.done $0x0  }
0x35: {  	[sflag:s3] =	ssyncadd.s32 $0xFFFFE000  }
0x36: {  	[spmem:s24] =	stream.linear.scatter [tilespmem:s1], [sflag:$0x3], $0x2000, $0x38;
	[tilespmem:$0x1C180] =	vst v63  }
0x37: {  	_ =	swait.ge [sflag:s3], $0x2000  }
0x38: {  	s25 =	sld [smem:$0x7F3]  }
0x39: {  	[sflag:s3] =	ssyncset.done $0x0  }
0x3a: {  	[sflag:s3] =	ssyncadd.s32 $0xFFFFE000  }
0x3b: {  	[spmem:s25] =	stream.linear.scatter [tilespmem:s1], [sflag:$0x3], $0x2000, $0x38;
	[tilespmem:$0x1C180] =	vst v63  }
0x3c: {  	_ =	swait.ge [sflag:s3], $0x2000  }
0x3d: {  	s26 =	sld [smem:$0x7F4]  }
0x3e: {  	[sflag:s3] =	ssyncset.done $0x0  }
0x3f: {  	[sflag:s3] =	ssyncadd.s32 $0xFFFFE000  }
0x40: {  	[spmem:s26] =	stream.linear.scatter [tilespmem:s1], [sflag:$0x3], $0x2000, $0x38;
	[tilespmem:$0x1C180] =	vst v63  }
0x41: {  	_ =	swait.ge [sflag:s3], $0x2000  }
0x42: {  	s28 =	sld [smem:$0x7F5]  }
0x43: {  	[sflag:s3] =	ssyncset.done $0x0  }
0x44: {  	[sflag:s3] =	ssyncadd.s32 $0xFFFFE000  }
0x45: {  	[spmem:s28] =	stream.linear.scatter [tilespmem:s1], [sflag:$0x3], $0x2000, $0x38;
	[tilespmem:$0x1C180] =	vst v63  }
0x46: {  	_ =	swait.ge [sflag:s3], $0x2000  }
0x47: {  	s29 =	sld [smem:$0x7F6]  }
0x48: {  	[sflag:s3] =	ssyncset.done $0x0  }
0x49: {  	[sflag:s3] =	ssyncadd.s32 $0xFFFFE000  }
0x4a: {  	[spmem:s29] =	stream.linear.scatter [tilespmem:s1], [sflag:$0x3], $0x2000, $0x38;
	[tilespmem:$0x1C180] =	vst v63  }
0x4b: {  	_ =	swait.ge [sflag:s3], $0x2000  }
0x4c: {  	s30 =	sld [smem:$0x7F7]  }
0x4d: {  	[sflag:s3] =	ssyncset.done $0x0  }
0x4e: {  	[sflag:s3] =	ssyncadd.s32 $0xFFFFE000  }
0x4f: {  	[spmem:s30] =	stream.linear.scatter [tilespmem:s1], [sflag:$0x3], $0x2000, $0x38;
	[tilespmem:$0x1C180] =	vst v63  }
0x50: {  	_ =	swait.ge [sflag:s3], $0x2000  }
0x51: {  	s31 =	sld [smem:$0x7F8]  }
0x52: {  	[sflag:s3] =	ssyncset.done $0x0  }
0x53: {  	[sflag:s3] =	ssyncadd.s32 $0xFFFFE000  }
0x54: {  	[spmem:s31] =	stream.linear.scatter [tilespmem:s1], [sflag:$0x3], $0x2000, $0x38;
	[tilespmem:$0x1C180] =	vst v63  }
0x55: {  	_ =	swait.ge [sflag:s3], $0x2000  }
0x56: {  	[sflag:s3] =	ssyncset.done $0x0  }
0x57: {  	[sflag:s3] =	ssyncadd.s32 $0xFFFFE000  }
0x58: {  	s1 =	simm.s32 $0x0;
	[bflag:$0x0] =	sbarrier.arrive $0xFFFF  }
.LBB2_4:
0x59: {  	s30 =	sld [smem:$0x7FA];
	_ =	sdelay $0x1  }
0x5a: {  	s0 =	sshll.u32 s1, $0xC;
	s31 =	sld [smem:$0x7EF]  }
0x5b: {  	s0 =	sor.u32 s30, s0  }
0x5c: {  	s0 =	sshrl.u32 s0, $0x3  }
0x5d: {  	[smem:$0x7C5] =	sst s1;
	s7 =	simm.s32 $0x0;
	s0 =	sadd.s32 s31, s0  }
0x5e: {  	[tilespmem:s7], [sflag:$0x3] =	stream.linear.gather [hbm4b:s0+s7], $0x80, $0x38;
	[tilespmem:$0x1C180] =	vst v63  }
0x5f: {  	_ =	swait.ge [sflag:s3], $0x80  }
0x60: {  	[sflag:s3] =	ssyncset.done $0x0  }
0x61: {  	[sflag:s3] =	ssyncadd.s32 $0xFFFFFF80  }
0x62: {  	v4 =	vld [tilespmem:$0x0]  }
0x63: {  	v5 =	vld [tilespmem:$0x40]  }
0x64: {  	v6 =	vld [tilespmem:$0x10]  }
0x65: {  	v7 =	vld [tilespmem:$0x50]  }
0x66: {  	v8 =	vld [tilespmem:$0x20]  }
0x67: {  	[tilespmem:$0x80] =	vst v4;
	v4 =	vld [tilespmem:$0x60]  }
0x68: {  	[tilespmem:$0x100] =	vst v5;
	v5 =	vld [tilespmem:$0x30]  }
0x69: {  	[tilespmem:$0x90] =	vst v6;
	v6 =	vld [tilespmem:$0x70]  }
0x6a: {  	[tilespmem:$0x110] =	vst v7  }
0x6b: {  	[tilespmem:$0xA0] =	vst v8  }
0x6c: {  	[tilespmem:$0x120] =	vst v4  }
0x6d: {  	[tilespmem:$0xB0] =	vst v5  }
0x6e: {  	s3 =	simm.s32 $0x180;
	s2 =	rddreg [dreg:$0x0];
	[tilespmem:$0x130] =	vst v6  }
0x6f: {  	[tilespmem:s3], [sflag:$0x1] =	stream.indirect.gather [hbm4b:s2+s5], $0x80, s6, s5, $0xb8;
	[tilespmem:$0x1C180] =	vst v63  }
0x70: {  	v4 =	vld [tilespmem:$0x100];
	_ =	sdelay $0x4  }
0x71: {  	v5 =	vshll.u32 v4, $0x1  }
0x72: {  	v4 =	vand.u32 $0x7, v4;
	v5 =	vand.u32 $0xFFFFFFF0, v5  }
0x73: {  	v4 =	vor.u32 v4, v5  }
0x74: {  	v5 =	vperm.xlane v4, v1;
	_ =	sdelay $0x1  }
0x75: {  	v4 =	vperm.xlane v4, v3;
	v5 =	vadd.s32 v2, v5;
	_ =	sdelay $0x1  }
0x76: {  	s4 =	sld [smem:$0x7EE];
	v4 =	vadd.s32 v2, v4;
	_ =	sdelay $0x1  }
0x77: {  	s5 =	simm.s32 $0x2180  }
0x78: {  	[tilespmem:s5], [sflag:$0x2] =	stream.indirect_vreg.gather [hbm4b:s4+s7], $0x80, v5, vm0, $0xb8;
	[tilespmem:$0x1C180] =	vst v63  }
0x79: {  	s6 =	simm.s32 $0x2980  }
0x7a: {  	[tilespmem:s6], [sflag:$0x2] =	stream.indirect_vreg.gather [hbm4b:s4+s7], $0x80, v4, vm0, $0xb8;
	[tilespmem:$0x1C180] =	vst v63  }
0x7b: {  	v4 =	vld [tilespmem:$0x110];
	_ =	sdelay $0x4  }
0x7c: {  	v5 =	vshll.u32 v4, $0x1  }
0x7d: {  	v4 =	vand.u32 $0x7, v4;
	v5 =	vand.u32 $0xFFFFFFF0, v5  }
0x7e: {  	v4 =	vor.u32 v4, v5  }
0x7f: {  	v5 =	vperm.xlane v4, v1;
	_ =	sdelay $0x1  }
0x80: {  	v4 =	vperm.xlane v4, v3;
	v5 =	vadd.s32 v2, v5;
	_ =	sdelay $0x1  }
0x81: {  	v4 =	vadd.s32 v2, v4;
	_ =	sdelay $0x1  }
0x82: {  	s8 =	simm.s32 $0x3180  }
0x83: {  	[tilespmem:s8], [sflag:$0x2] =	stream.indirect_vreg.gather [hbm4b:s4+s7], $0x80, v5, vm0, $0xb8;
	[tilespmem:$0x1C180] =	vst v63  }
0x84: {  	s9 =	simm.s32 $0x3980  }
0x85: {  	[tilespmem:s9], [sflag:$0x2] =	stream.indirect_vreg.gather [hbm4b:s4+s7], $0x80, v4, vm0, $0xb8;
	[tilespmem:$0x1C180] =	vst v63  }
0x86: {  	v4 =	vld [tilespmem:$0x120];
	_ =	sdelay $0x4  }
0x87: {  	v5 =	vshll.u32 v4, $0x1  }
0x88: {  	v4 =	vand.u32 $0x7, v4;
	v5 =	vand.u32 $0xFFFFFFF0, v5  }
0x89: {  	v4 =	vor.u32 v4, v5  }
0x8a: {  	v5 =	vperm.xlane v4, v1;
	_ =	sdelay $0x1  }
0x8b: {  	v4 =	vperm.xlane v4, v3;
	v5 =	vadd.s32 v2, v5;
	_ =	sdelay $0x1  }
0x8c: {  	v4 =	vadd.s32 v2, v4;
	_ =	sdelay $0x1  }
0x8d: {  	s10 =	simm.s32 $0x4180  }
0x8e: {  	[tilespmem:s10], [sflag:$0x2] =	stream.indirect_vreg.gather [hbm4b:s4+s7], $0x80, v5, vm0, $0xb8;
	[tilespmem:$0x1C180] =	vst v63  }
0x8f: {  	s11 =	simm.s32 $0x4980  }
0x90: {  	[tilespmem:s11], [sflag:$0x2] =	stream.indirect_vreg.gather [hbm4b:s4+s7], $0x80, v4, vm0, $0xb8;
	[tilespmem:$0x1C180] =	vst v63  }
0x91: {  	v4 =	vld [tilespmem:$0x130];
	_ =	sdelay $0x4  }
0x92: {  	v5 =	vshll.u32 v4, $0x1  }
0x93: {  	v4 =	vand.u32 $0x7, v4;
	v5 =	vand.u32 $0xFFFFFFF0, v5  }
0x94: {  	v4 =	vor.u32 v4, v5  }
0x95: {  	v5 =	vperm.xlane v4, v1;
	_ =	sdelay $0x1  }
0x96: {  	v4 =	vperm.xlane v4, v3;
	v5 =	vadd.s32 v2, v5;
	_ =	sdelay $0x1  }
0x97: {  	v4 =	vadd.s32 v2, v4;
	_ =	sdelay $0x1  }
0x98: {  	s12 =	simm.s32 $0x5180  }
0x99: {  	[tilespmem:s12], [sflag:$0x2] =	stream.indirect_vreg.gather [hbm4b:s4+s7], $0x80, v5, vm0, $0xb8;
	[tilespmem:$0x1C180] =	vst v63  }
0x9a: {  	s13 =	simm.s32 $0x5980;
	s14 =	simm.s32 $0x1  }
0x9b: {  	[tilespmem:s13], [sflag:$0x2] =	stream.indirect_vreg.gather [hbm4b:s4+s7], $0x80, v4, vm0, $0xb8;
	[tilespmem:$0x1C180] =	vst v63  }
0x9c: {  	_ =	swait.ge [sflag:s14], $0x2000  }
0x9d: {  	[sflag:s14] =	ssyncset.done $0x0  }
0x9e: {  	s15 =	simm.s32 $0x2;
	[sflag:s14] =	ssyncadd.s32 $0xFFFFE000  }
0x9f: {  	s17 =	simm.s32 $0x180;
	_ =	swait.ge [sflag:s15], $0x4000  }
0xa0: {  	s18 =	simm.s32 $0x280;
	s16 =	sand.u32 $0x3800, s7;
	[sflag:s15] =	ssyncset.done $0x0  }
0xa1: {  	s19 =	sand.u32 $0x380, s17;
	s2 =	sadd.s32 $0x2180, s16;
	[sflag:s15] =	ssyncadd.s32 $0xFFFFC000  }
0xa2: {  	s0 =	sadd.s32 s19, s2;
	v4 =	vld [tilespmem:s18+$0x80]  }
0xa3: {  	s20 =	sand.u32 $0x200, s7;
	v5 =	vld [tilespmem:s0+$0x0]  }
0xa4: {  	s31 =	sor.u32 s20, s2  }
0xa5: {  	v6 =	vld [tilespmem:s31+$0x0]  }
0xa6: {  	v7 =	vld [tilespmem:s18+$0xFFFFFF00];
	_ =	sdelay $0x1  }
0xa7: {  	s21 =	simm.s32 $0x80;
	s24 =	simm.s32 $0x280;
	v4 =	vmul.f32 v5, v4  }
0xa8: {  	s22 =	simm.s32 $0x100;
	s1 =	sand.u32 $0x280, s21;
	v8 =	vld [tilespmem:s24+$0x0]  }
0xa9: {  	s23 =	sand.u32 $0x300, s22;
	s9 =	sadd.s32 s1, s2;
	v5 =	vld [tilespmem:s24+$0xFFFFFF80];
	(xrf2) =	vadd.scan.msk.f32 $0xffff, v4  }
0xaa: {  	s6 =	sadd.s32 s23, s2;
	v6 =	vmul.f32 v6, v7;
	v4 =	vld [tilespmem:s9+$0x0]  }
0xab: {  	v7 =	vld [tilespmem:s6+$0x0]  }
0xac: {  	(xrf2) =	vadd.scan.msk.f32 $0xffff, v6;
	_ =	sdelay $0x2  }
0xad: {  	v4 =	vmul.f32 v4, v5  }
0xae: {  	v5 =	vmul.f32 v7, v8  }
0xaf: {  	(xrf2) =	vadd.scan.msk.f32 $0xffff, v4  }
0xb0: {  	(xrf2) =	vadd.scan.msk.f32 $0xffff, v5  }
0xb1: {  	v4, _, _ =	vpop (xrf2)  }
0xb2: {  	v4 =	vmul.f32 $1.442695020e+00, v4;
	_ =	sdelay $0x1  }
0xb3: {  	v5, _, _ =	vpop (xrf2);
	v4 =	vbroadcast v4, $0xF  }
0xb4: {  	v5 =	vmul.f32 $1.442695020e+00, v5  }
0xb5: {  	(erf) = vpow2.f32 v4;
	_ =	sdelay $0x1  }
0xb6: {  	v4 =	vbroadcast v5, $0xF  }
0xb7: {  	v5, _, _ =	vpop (xrf2)  }
0xb8: {  	(erf) = vpow2.f32 v4;
	v4 =	vmul.f32 $1.442695020e+00, v5;
	v5, _, _ =	vpop (xrf2)  }
0xb9: {  	v5 =	vmul.f32 $1.442695020e+00, v5;
	_ =	sdelay $0x1  }
0xba: {  	v4 =	vbroadcast v4, $0xF;
	_ =	sdelay $0x1  }
0xbb: {  	(erf) = vpow2.f32 v4;
	v4 =	vbroadcast v5, $0xF;
	v5 =	vpop (erf)  }
0xbc: {  	v5 =	vadd.f32 $1.000000000e+00, v5  }
0xbd: {  	(erf) = vpow2.f32 v4  }
0xbe: {  	s25 =	sand.u32 $0x7, s7;
	(erf) = vrcp.f32 v5  }
0xbf: {  	s1 =	sshll.u32 s25, $0x7  }
0xc0: {  	s1 =	sadd.s32 $0x0, s1;
	v4 =	vpop (erf)  }
0xc1: {  	s14 =	sadd.s32 $0x180, s1;
	v4 =	vadd.f32 $1.000000000e+00, v4  }
0xc2: {  	s4 =	sor.u32 $0x400, s14  }
0xc3: {  	p0 =	por $0x0, $0x0;
	s3 =	simm.s32 $0x1;
	(erf) = vrcp.f32 v4;
	v4 =	vld [tilespmem:s4+$0x2180]  }
0xc4: {  	s3 =	simm.s32 @!p0 $0x0;
	v5 =	vpop (erf)  }
0xc5: {  	s3 =	sshll.u32 s3, $0x9;
	v5 =	vadd.f32 $1.000000000e+00, v5  }
0xc6: {  	s11 =	sadd.s32 $0x0, s3;
	v6 =	vpop (erf)  }
0xc7: {  	s3 =	sor.u32 $0x400, s11;
	(erf) = vrcp.f32 v5;
	v5 =	vadd.f32 $1.000000000e+00, v6;
	v6 =	vpop (erf)  }
0xc8: {  	v7 =	vld [tilespmem:s3+$0x2180];
	v4 =	vmul.f32 v6, v4;
	_ =	sdelay $0x1  }
0xc9: {  	s30 =	sand.u32 $0x3, s7;
	s29 =	sadd.s32 $0x80, s1;
	(erf) = vrcp.f32 v5  }
0xca: {  	s26 =	simm.s32 $0x6280;
	s2 =	sor.u32 $0x400, s29;
	s1 =	sshll.u32 s30, $0x8  }
0xcb: {  	s1 =	sadd.s32 $0x0, s1;
	s3 =	simm.s32 $0x280;
	v5 =	vld [tilespmem:s2+$0x2180];
	[tilespmem:s26+$0x80] =	vst v4;
	v4 =	vpop (erf)  }
0xcc: {  	s12 =	sadd.s32 $0x100, s1;
	v6 =	vld [tilespmem:s3+$0x90];
	v4 =	vmul.f32 v4, v7  }
0xcd: {  	s5 =	simm.s32 $0x6280;
	s1 =	sor.u32 $0x400, s12;
	v7 =	vld [tilespmem:s0+$0x10]  }
0xce: {  	v8 =	vld [tilespmem:s1+$0x2180];
	[tilespmem:s5+$0xFFFFFF00] =	vst v4  }
0xcf: {  	v4 =	vld [tilespmem:s3+$0xFFFFFF10]  }
0xd0: {  	v9 =	vpop (erf);
	v10 =	vld [tilespmem:s31+$0x10]  }
0xd1: {  	v5 =	vmul.f32 v9, v5  }
0xd2: {  	v6 =	vmul.f32 v7, v6;
	v7 =	vpop (erf)  }
0xd3: {  	[tilespmem:s5+$0xFFFFFF80] =	vst v5;
	v5 =	vmul.f32 v7, v8  }
0xd4: {  	v7 =	vld [tilespmem:s9+$0x10]  }
0xd5: {  	(xrf2) =	vadd.scan.msk.f32 $0xffff, v6;
	v6 =	vld [tilespmem:s3+$0xFFFFFF90];
	[tilespmem:s5+$0x0] =	vst v5;
	v4 =	vmul.f32 v10, v4  }
0xd6: {  	v5 =	vld [tilespmem:s3+$0x10]  }
0xd7: {  	v8 =	vld [tilespmem:s6+$0x10];
	(xrf2) =	vadd.scan.msk.f32 $0xffff, v4;
	_ =	sdelay $0x2  }
0xd8: {  	v4 =	vmul.f32 v7, v6;
	_ =	sdelay $0x1  }
0xd9: {  	v5 =	vmul.f32 v8, v5;
	(xrf2) =	vadd.scan.msk.f32 $0xffff, v4;
	_ =	sdelay $0x1  }
0xda: {  	(xrf2) =	vadd.scan.msk.f32 $0xffff, v5  }
0xdb: {  	v4, _, _ =	vpop (xrf2)  }
0xdc: {  	v4 =	vmul.f32 $1.442695020e+00, v4  }
0xdd: {  	v5, _, _ =	vpop (xrf2)  }
0xde: {  	v4 =	vbroadcast v4, $0xF;
	v5 =	vmul.f32 $1.442695020e+00, v5;
	_ =	sdelay $0x1  }
0xdf: {  	(erf) = vpow2.f32 v4  }
0xe0: {  	v4 =	vbroadcast v5, $0xF  }
0xe1: {  	v5, _, _ =	vpop (xrf2)  }
0xe2: {  	(erf) = vpow2.f32 v4;
	v4 =	vmul.f32 $1.442695020e+00, v5  }
0xe3: {  	v5, _, _ =	vpop (xrf2)  }
0xe4: {  	v5 =	vmul.f32 $1.442695020e+00, v5;
	v4 =	vbroadcast v4, $0xF;
	_ =	sdelay $0x1  }
0xe5: {  	(erf) = vpow2.f32 v4;
	_ =	sdelay $0x1  }
0xe6: {  	v4 =	vbroadcast v5, $0xF;
	v5 =	vpop (erf)  }
0xe7: {  	v5 =	vadd.f32 $1.000000000e+00, v5  }
0xe8: {  	(erf) = vpow2.f32 v4  }
0xe9: {  	(erf) = vrcp.f32 v5  }
0xea: {  	v4 =	vpop (erf)  }
0xeb: {  	v4 =	vadd.f32 $1.000000000e+00, v4;
	_ =	sdelay $0x1  }
0xec: {  	s8 =	sor.u32 $0x410, s14;
	(erf) = vrcp.f32 v4;
	v5 =	vpop (erf)  }
0xed: {  	v4 =	vld [tilespmem:s8+$0x2180];
	v5 =	vadd.f32 $1.000000000e+00, v5;
	_ =	sdelay $0x2  }
0xee: {  	s10 =	sor.u32 $0x410, s11;
	v6 =	vpop (erf)  }
0xef: {  	v7 =	vld [tilespmem:s10+$0x2180];
	v6 =	vadd.f32 $1.000000000e+00, v6;
	(erf) = vrcp.f32 v5;
	v5 =	vpop (erf)  }
0xf0: {  	v4 =	vmul.f32 v5, v4  }
0xf1: {  	s7 =	simm.s32 $0x6280  }
0xf2: {  	s20 =	simm.s32 $0x280;
	(erf) = vrcp.f32 v6;
	[tilespmem:s7+$0x90] =	vst v4  }
0xf3: {  	v6 =	vpop (erf);
	v4 =	vld [tilespmem:s20+$0xA0]  }
0xf4: {  	s13 =	sor.u32 $0x410, s29;
	v6 =	vmul.f32 v6, v7;
	v7 =	vld [tilespmem:s0+$0x20]  }
0xf5: {  	v5 =	vld [tilespmem:s13+$0x2180]  }
0xf6: {  	s15 =	sor.u32 $0x410, s12  }
0xf7: {  	v8 =	vld [tilespmem:s15+$0x2180];
	_ =	sdelay $0x1  }
0xf8: {  	[tilespmem:s7+$0xFFFFFF10] =	vst v6;
	v9 =	vpop (erf);
	v4 =	vmul.f32 v7, v4  }
0xf9: {  	v6 =	vld [tilespmem:s20+$0xFFFFFF20];
	v5 =	vmul.f32 v9, v5  }
0xfa: {  	v10 =	vld [tilespmem:s31+$0x20];
	v7 =	vpop (erf);
	(xrf2) =	vadd.scan.msk.f32 $0xffff, v4  }
0xfb: {  	[tilespmem:s7+$0xFFFFFF90] =	vst v5;
	v5 =	vmul.f32 v7, v8  }
0xfc: {  	s2 =	smov.u32 s9;
	v4 =	vld [tilespmem:s20+$0xFFFFFFA0]  }
0xfd: {  	s17 =	simm.s32 $0x400;
	[tilespmem:s7+$0x10] =	vst v5;
	v5 =	vld [tilespmem:s2+$0x20]  }
0xfe: {  	s19 =	simm.s32 $0x380;
	s1 =	sand.u32 $0x3800, s17  }
0xff: {  	s1 =	sadd.s32 $0x2180, s1;
	s4 =	sand.u32 $0x380, s19;
	v6 =	vmul.f32 v10, v6  }
0x100: {  	s13 =	sadd.s32 s4, s1  }
0x101: {  	s25 =	simm.s32 $0x480;
	v10 =	vld [tilespmem:s13+$0x0];
	(xrf2) =	vadd.scan.msk.f32 $0xffff, v6  }
0x102: {  	s21 =	simm.s32 $0x200;
	v6 =	vld [tilespmem:s25+$0x80];
	v4 =	vmul.f32 v5, v4  }
0x103: {  	s18 =	simm.s32 $0x280;
	s5 =	sand.u32 $0x200, s21  }
0x104: {  	v14 =	vld [tilespmem:s25+$0xFFFFFF00];
	s3 =	sand.u32 $0x280, s18;
	s24 =	sor.u32 s5, s1;
	v13, _, _ =	vpop (xrf2);
	(xrf2) =	vadd.scan.msk.f32 $0xffff, v4  }
0x105: {  	v12 =	vld [tilespmem:s24+$0x0];
	s10 =	sadd.s32 s3, s1  }
0x106: {  	v11 =	vld [tilespmem:s10+$0x0];
	v4 =	vmul.f32 $1.442695020e+00, v13  }
0x107: {  	v6 =	vmul.f32 v10, v6;
	v13 =	vld [tilespmem:s25+$0xFFFFFF80]  }
0x108: {  	v4 =	vbroadcast v4, $0xF;
	_ =	sdelay $0x1  }
0x109: {  	s22 =	simm.s32 $0x300;
	(erf) = vpow2.f32 v4;
	v4 =	vmul.f32 v12, v14  }
0x10a: {  	s4 =	sand.u32 $0x300, s22;
	(xrf2) =	vadd.scan.msk.f32 $0xffff, v6;
	v6, _, _ =	vpop (xrf2)  }
0x10b: {  	s8 =	sadd.s32 s4, s1;
	(xrf2) =	vadd.scan.msk.f32 $0xffff, v4;
	v4 =	vmul.f32 $1.442695020e+00, v6;
	v6 =	vmul.f32 v11, v13  }
0x10c: {  	v5 =	vld [tilespmem:s8+$0x0]  }
0x10d: {  	v10 =	vld [tilespmem:s25+$0x0];
	(xrf2) =	vadd.scan.msk.f32 $0xffff, v6;
	v11, _, _ =	vpop (xrf2)  }
0x10e: {  	v6 =	vmul.f32 $1.442695020e+00, v11  }
0x10f: {  	v7 =	vld [tilespmem:s20+$0x20];
	v4 =	vbroadcast v4, $0xF  }
0x110: {  	v8 =	vld [tilespmem:s6+$0x20]  }
0x111: {  	(erf) = vpow2.f32 v4;
	v4 =	vbroadcast v6, $0xF  }
0x112: {  	v5 =	vmul.f32 v5, v10;
	v6 =	vpop (erf)  }
0x113: {  	v6 =	vadd.f32 $1.000000000e+00, v6  }
0x114: {  	(erf) = vpow2.f32 v4  }
0x115: {  	v7 =	vmul.f32 v8, v7;
	v4, _, _ =	vpop (xrf2);
	(xrf2) =	vadd.scan.msk.f32 $0xffff, v5;
	(erf) = vrcp.f32 v6  }
0x116: {  	v4 =	vmul.f32 $1.442695020e+00, v4;
	v5, _, _ =	vpop (xrf2)  }
0x117: {  	(xrf2) =	vadd.scan.msk.f32 $0xffff, v7;
	v5 =	vmul.f32 $1.442695020e+00, v5;
	v6, _, _ =	vpop (xrf2)  }
0x118: {  	v4 =	vbroadcast v4, $0xF;
	v6 =	vmul.f32 $1.442695020e+00, v6  }
0x119: {  	s4 =	sor.u32 $0x420, s14;
	v5 =	vbroadcast v5, $0xF  }
0x11a: {  	v7 =	vpop (erf);
	(erf) = vpow2.f32 v4;
	v4 =	vld [tilespmem:s4+$0x2180];
	v6 =	vbroadcast v6, $0xF  }
0x11b: {  	v7 =	vadd.f32 $1.000000000e+00, v7  }
0x11c: {  	(erf) = vpow2.f32 v5  }
0x11d: {  	(erf) = vrcp.f32 v7;
	v5 =	vpop (erf)  }
0x11e: {  	(erf) = vpow2.f32 v6;
	v6 =	vpop (erf)  }
0x11f: {  	v5 =	vadd.f32 $1.000000000e+00, v5;
	v7, _, _ =	vpop (xrf2);
	v4 =	vmul.f32 v6, v4  }
0x120: {  	v6 =	vmul.f32 $1.442695020e+00, v7  }
0x121: {  	v7, _, _ =	vpop (xrf2);
	[tilespmem:s7+$0xA0] =	vst v4  }
0x122: {  	v7 =	vmul.f32 $1.442695020e+00, v7;
	v4 =	vbroadcast v6, $0xF;
	v6 =	vld [tilespmem:s20+$0xB0]  }
0x123: {  	s16 =	sor.u32 $0x420, s11;
	(erf) = vrcp.f32 v5;
	v5 =	vpop (erf);
	v8 =	vld [tilespmem:s0+$0x30]  }
0x124: {  	p0 =	por !p0, !p0;
	s1 =	simm.s32 $0x1;
	v9 =	vld [tilespmem:s16+$0x2180];
	v7 =	vbroadcast v7, $0xF;
	(erf) = vpow2.f32 v4;
	v4 =	vadd.f32 $1.000000000e+00, v5  }
0x125: {  	s1 =	simm.s32 @!p0 $0x0  }
0x126: {  	s1 =	sshll.u32 s1, $0x9;
	s7 =	simm.s32 $0x4;
	v5 =	vpop (erf);
	(erf) = vpow2.f32 v7  }
0x127: {  	s18 =	sadd.s32 $0x400, s1;
	s1 =	sand.u32 $0x7, s7;
	v5 =	vadd.f32 $1.000000000e+00, v5;
	(erf) = vrcp.f32 v4  }
0x128: {  	s9 =	sor.u32 $0x420, s29;
	s1 =	sshll.u32 s1, $0x7;
	v4 =	vpop (erf);
	v6 =	vmul.f32 v8, v6  }
0x129: {  	s1 =	sadd.s32 $0x400, s1;
	(erf) = vrcp.f32 v5;
	v8 =	vld [tilespmem:s9+$0x2180];
	v7 =	vpop (erf);
	v4 =	vmul.f32 v4, v9  }
0x12a: {  	s23 =	simm.s32 $0x2;
	s30 =	sor.u32 $0x400, s18;
	s22 =	sadd.s32 $0x180, s1;
	v7 =	vadd.f32 $1.000000000e+00, v7;
	(xrf2) =	vadd.scan.msk.f32 $0xffff, v6  }
0x12b: {  	s3 =	sand.u32 $0x3, s23;
	v16 =	vld [tilespmem:s30+$0x2180];
	s16 =	simm.s32 $0x6280;
	s15 =	sor.u32 $0x400, s22  }
0x12c: {  	s3 =	sshll.u32 s3, $0x8;
	v5 =	vld [tilespmem:s15+$0x2180];
	[tilespmem:s16+$0xFFFFFF20] =	vst v4;
	(erf) = vrcp.f32 v7;
	v6 =	vpop (erf)  }
0x12d: {  	s3 =	sadd.s32 $0x400, s3;
	v7 =	vld [tilespmem:s20+$0xFFFFFF30];
	v4 =	vpop (erf)  }
0x12e: {  	s5 =	sadd.s32 $0x100, s3;
	v6 =	vmul.f32 v6, v8;
	v8 =	vld [tilespmem:s31+$0x30];
	v4 =	vadd.f32 $1.000000000e+00, v4  }
0x12f: {  	s26 =	sor.u32 $0x400, s5;
	s15 =	sadd.s32 $0x80, s1;
	v9 =	vpop (erf)  }
0x130: {  	v15 =	vld [tilespmem:s26+$0x2180];
	s1 =	sor.u32 $0x400, s15;
	v10 =	vpop (erf);
	(erf) = vrcp.f32 v4  }
0x131: {  	v11 =	vld [tilespmem:s1+$0x2180];
	[tilespmem:s16+$0xFFFFFFA0] =	vst v6;
	v4 =	vmul.f32 v10, v5  }
0x132: {  	s17 =	simm.s32 $0x6480;
	v5 =	vld [tilespmem:s20+$0xFFFFFFB0];
	v10 =	vpop (erf)  }
0x133: {  	v9 =	vadd.f32 $1.000000000e+00, v9;
	v6 =	vld [tilespmem:s2+$0x30];
	[tilespmem:s17+$0x80] =	vst v4;
	v4 =	vmul.f32 v10, v16;
	v7 =	vmul.f32 v8, v7  }
0x134: {  	v8 =	vld [tilespmem:s25+$0x90];
	v12, _, _ =	vpop (xrf2)  }
0x135: {  	(erf) = vrcp.f32 v9;
	v9 =	vld [tilespmem:s13+$0x10];
	[tilespmem:s17+$0xFFFFFF00] =	vst v4;
	(xrf2) =	vadd.scan.msk.f32 $0xffff, v7;
	v10 =	vpop (erf);
	v7 =	vmul.f32 $1.442695020e+00, v12  }
0x136: {  	v4 =	vmul.f32 v10, v11;
	v10 =	vld [tilespmem:s25+$0xFFFFFF10]  }
0x137: {  	v11 =	vld [tilespmem:s24+$0x10]  }
0x138: {  	v5 =	vmul.f32 v6, v5  }
0x139: {  	[tilespmem:s17+$0xFFFFFF80] =	vst v4;
	v4 =	vbroadcast v7, $0xF;
	v7 =	vpop (erf)  }
0x13a: {  	(xrf2) =	vadd.scan.msk.f32 $0xffff, v5;
	v6 =	vld [tilespmem:s25+$0xFFFFFF90];
	[smem:$0x7D7] =	sst s12;
	v7 =	vmul.f32 v7, v15  }
0x13b: {  	s19 =	simm.s32 $0x6480;
	s23 =	sor.u32 $0x420, s12;
	v8 =	vmul.f32 v9, v8;
	v12 =	vld [tilespmem:s10+$0x10]  }
0x13c: {  	(erf) = vpow2.f32 v4;
	v4 =	vld [tilespmem:s23+$0x2180];
	v5 =	vmul.f32 v11, v10;
	[tilespmem:s19+$0x0] =	vst v7  }
0x13d: {  	(xrf2) =	vadd.scan.msk.f32 $0xffff, v8;
	v7 =	vld [tilespmem:s25+$0x10]  }
0x13e: {  	v9 =	vld [tilespmem:s8+$0x10]  }
0x13f: {  	v8 =	vpop (erf)  }
0x140: {  	(xrf2) =	vadd.scan.msk.f32 $0xffff, v5;
	v6 =	vmul.f32 v12, v6;
	v5, _, _ =	vpop (xrf2)  }
0x141: {  	v4 =	vmul.f32 v8, v4;
	v5 =	vmul.f32 $1.442695020e+00, v5  }
0x142: {  	s9 =	simm.s32 $0x6280  }
0x143: {  	(xrf2) =	vadd.scan.msk.f32 $0xffff, v6;
	[tilespmem:s9+$0x20] =	vst v4;
	v5 =	vbroadcast v5, $0xF;
	v7 =	vmul.f32 v9, v7  }
0x144: {  	v4 =	vld [tilespmem:s20+$0x30];
	v9, _, _ =	vpop (xrf2)  }
0x145: {  	v8 =	vld [tilespmem:s6+$0x30];
	v6 =	vpop (erf);
	(erf) = vpow2.f32 v5;
	v5 =	vmul.f32 $1.442695020e+00, v9  }
0x146: {  	v6 =	vadd.f32 $1.000000000e+00, v6  }
0x147: {  	(xrf2) =	vadd.scan.msk.f32 $0xffff, v7;
	v7, _, _ =	vpop (xrf2);
	v5 =	vbroadcast v5, $0xF  }
0x148: {  	(erf) = vrcp.f32 v6;
	v6 =	vmul.f32 $1.442695020e+00, v7;
	_ =	sdelay $0x1  }
0x149: {  	v4 =	vmul.f32 v8, v4;
	v6 =	vbroadcast v6, $0xF  }
0x14a: {  	(erf) = vpow2.f32 v5;
	v5, _, _ =	vpop (xrf2)  }
0x14b: {  	s26 =	sor.u32 $0x430, s14;
	(xrf2) =	vadd.scan.msk.f32 $0xffff, v4;
	v4 =	vmul.f32 $1.442695020e+00, v5;
	(erf) = vpow2.f32 v6  }
0x14c: {  	v5, _, _ =	vpop (xrf2);
	v6 =	vld [tilespmem:s26+$0x2180]  }
0x14d: {  	v5 =	vmul.f32 $1.442695020e+00, v5;
	v4 =	vbroadcast v4, $0xF  }
0x14e: {  	v7 =	vpop (erf)  }
0x14f: {  	v5 =	vbroadcast v5, $0xF;
	(erf) = vpow2.f32 v4;
	v4 =	vadd.f32 $1.000000000e+00, v7  }
0x150: {  	v7 =	vpop (erf)  }
0x151: {  	v8, _, _ =	vpop (xrf2);
	(erf) = vpow2.f32 v5;
	v5 =	vmul.f32 v7, v6  }
0x152: {  	v6 =	vmul.f32 $1.442695020e+00, v8  }
0x153: {  	(erf) = vrcp.f32 v4;
	[tilespmem:s9+$0xB0] =	vst v5;
	v4 =	vpop (erf)  }
0x154: {  	v5 =	vbroadcast v6, $0xF;
	v6 =	vld [tilespmem:s20+$0xC0];
	v7 =	vpop (erf)  }
0x155: {  	v4 =	vadd.f32 $1.000000000e+00, v4;
	v8 =	vld [tilespmem:s0+$0x40];
	v9, _, _ =	vpop (xrf2)  }
0x156: {  	(erf) = vpow2.f32 v5;
	v5 =	vadd.f32 $1.000000000e+00, v7;
	v9 =	vmul.f32 $1.442695020e+00, v9  }
0x157: {  	s30 =	sor.u32 $0x430, s11  }
0x158: {  	v7 =	vld [tilespmem:s30+$0x2180];
	(erf) = vrcp.f32 v4;
	v4 =	vbroadcast v9, $0xF;
	_ =	sdelay $0x1  }
0x159: {  	(erf) = vrcp.f32 v5;
	v5 =	vpop (erf)  }
0x15a: {  	v9 =	vpop (erf)  }
0x15b: {  	v5 =	vadd.f32 $1.000000000e+00, v5;
	(erf) = vpow2.f32 v4;
	v4 =	vpop (erf)  }
0x15c: {  	v6 =	vmul.f32 v8, v6;
	v4 =	vmul.f32 v4, v7  }
0x15d: {  	s7 =	smov.u32 s0;
	s0 =	sor.u32 $0x410, s22;
	(erf) = vrcp.f32 v5;
	v5 =	vadd.f32 $1.000000000e+00, v9  }
0x15e: {  	(xrf2) =	vadd.scan.msk.f32 $0xffff, v6;
	v6 =	vld [tilespmem:s0+$0x2180];
	[tilespmem:s9+$0xFFFFFF30] =	vst v4  }
0x15f: {  	(erf) = vrcp.f32 v5;
	v5 =	vld [tilespmem:s20+$0xFFFFFF40]  }
0x160: {  	v8 =	vld [tilespmem:s31+$0x40];
	v4 =	vpop (erf)  }
0x161: {  	v7 =	vpop (erf)  }
0x162: {  	s21 =	smov.u32 s2;
	s2 =	sor.u32 $0x410, s18;
	v9 =	vpop (erf)  }
0x163: {  	v10 =	vld [tilespmem:s2+$0x2180];
	v6 =	vmul.f32 v9, v6  }
0x164: {  	s4 =	simm.s32 $0x6480;
	s3 =	sor.u32 $0x410, s15;
	[smem:$0x7CD] =	sst s15  }
0x165: {  	v9 =	vld [tilespmem:s3+$0x2180];
	v5 =	vmul.f32 v8, v5;
	[tilespmem:s4+$0x90] =	vst v6  }
0x166: {  	v11 =	vpop (erf);
	v6 =	vld [tilespmem:s25+$0xA0]  }
0x167: {  	v4 =	vadd.f32 $1.000000000e+00, v4;
	v12 =	vpop (erf);
	v8 =	vld [tilespmem:s13+$0x20]  }
0x168: {  	v13, _, _ =	vpop (xrf2);
	v10 =	vmul.f32 v12, v10;
	(xrf2) =	vadd.scan.msk.f32 $0xffff, v5  }
0x169: {  	(erf) = vrcp.f32 v4;
	v4 =	vadd.f32 $1.000000000e+00, v11;
	v5 =	vpop (erf)  }
0x16a: {  	v12 =	vmul.f32 $1.442695020e+00, v13;
	[tilespmem:s4+$0xFFFFFF10] =	vst v10;
	v5 =	vmul.f32 v5, v9  }
0x16b: {  	(erf) = vrcp.f32 v4;
	v4 =	vld [tilespmem:s25+$0xFFFFFF20]  }
0x16c: {  	v10 =	vld [tilespmem:s24+$0x20];
	v9 =	vbroadcast v12, $0xF;
	[tilespmem:s4+$0xFFFFFF90] =	vst v5;
	v5 =	vmul.f32 v8, v6  }
0x16d: {  	v6 =	vld [tilespmem:s25+$0xFFFFFFA0]  }
0x16e: {  	(erf) = vpow2.f32 v9;
	(xrf2) =	vadd.scan.msk.f32 $0xffff, v5;
	v5 =	vld [tilespmem:s10+$0x20];
	_ =	sdelay $0x3  }
0x16f: {  	v4 =	vmul.f32 v10, v4;
	v8, _, _ =	vpop (xrf2)  }
0x170: {  	s16 =	simm.s32 $0x580;
	v5 =	vmul.f32 v5, v6;
	v6 =	vmul.f32 $1.442695020e+00, v8  }
0x171: {  	s0 =	smov.u32 s10;
	[smem:$0x7E1] =	sst s10;
	s10 =	simm.s32 $0x800;
	(xrf2) =	vadd.scan.msk.f32 $0xffff, v4  }
0x172: {  	s17 =	smov.u32 s11;
	s23 =	simm.s32 $0x680;
	v9 =	vpop (erf);
	s1 =	sand.u32 $0x3800, s10;
	(xrf2) =	vadd.scan.msk.f32 $0xffff, v5;
	v5 =	vbroadcast v6, $0xF  }
0x173: {  	s11 =	simm.s32 $0x400;
	s4 =	sand.u32 $0x380, s16;
	v12 =	vld [tilespmem:s23+$0xFFFFFF00];
	s1 =	sadd.s32 $0x2180, s1;
	v8 =	vpop (erf)  }
0x174: {  	s3 =	sand.u32 $0x200, s11;
	v4 =	vld [tilespmem:s23+$0x80];
	s26 =	sadd.s32 s4, s1;
	v6 =	vpop (erf)  }
0x175: {  	s16 =	sor.u32 s3, s1;
	v10 =	vld [tilespmem:s26+$0x0];
	v6 =	vadd.f32 $1.000000000e+00, v6  }
0x176: {  	s19 =	sor.u32 $0x410, s5;
	v11 =	vld [tilespmem:s16+$0x0];
	(erf) = vpow2.f32 v5;
	v5, _, _ =	vpop (xrf2)  }
0x177: {  	(erf) = vrcp.f32 v6;
	v6 =	vld [tilespmem:s19+$0x2180];
	v5 =	vmul.f32 $1.442695020e+00, v5  }
0x178: {  	s30 =	simm.s32 $0x480  }
0x179: {  	s2 =	sand.u32 $0x280, s30;
	v5 =	vbroadcast v5, $0xF  }
0x17a: {  	s30 =	sadd.s32 s2, s1;
	v4 =	vmul.f32 v10, v4  }
0x17b: {  	s4 =	simm.s32 $0x500;
	v13 =	vld [tilespmem:s30+$0x0];
	(erf) = vpow2.f32 v5;
	v5 =	vmul.f32 v11, v12  }
0x17c: {  	s10 =	sor.u32 $0x440, s14;
	s3 =	sand.u32 $0x300, s4;
	v10 =	vld [tilespmem:s23+$0xFFFFFF80];
	v6 =	vmul.f32 v9, v6  }
0x17d: {  	s2 =	sadd.s32 s3, s1;
	v11 =	vld [tilespmem:s10+$0x2180]  }
0x17e: {  	s28 =	smov.u32 s6;
	(xrf2) =	vadd.scan.msk.f32 $0xffff, v4;
	v4, _, _ =	vpop (xrf2);
	v9 =	vld [tilespmem:s2+$0x0];
	[smem:$0x7C6] =	sst s2  }
0x17f: {  	s6 =	smov.u32 s13;
	s11 =	sor.u32 $0x430, s29;
	s13 =	simm.s32 $0x6480;
	v12 =	vld [tilespmem:s23+$0x0];
	(xrf2) =	vadd.scan.msk.f32 $0xffff, v5;
	v5, _, _ =	vpop (xrf2)  }
0x180: {  	v4 =	vmul.f32 $1.442695020e+00, v4;
	v14 =	vld [tilespmem:s11+$0x2180];
	[tilespmem:s13+$0x10] =	vst v6;
	v6 =	vpop (erf)  }
0x181: {  	v10 =	vmul.f32 v13, v10;
	v5 =	vmul.f32 $1.442695020e+00, v5;
	v13 =	vpop (erf)  }
0x182: {  	v15 =	vld [tilespmem:s25+$0x20];
	v11 =	vmul.f32 v13, v11  }
0x183: {  	s12 =	sor.u32 $0x430, s12;
	v4 =	vbroadcast v4, $0xF;
	(xrf2) =	vadd.scan.msk.f32 $0xffff, v10;
	v16 =	vld [tilespmem:s8+$0x20];
	[dreg:$0x4] =	wrdreg s8;
	v5 =	vbroadcast v5, $0xF  }
0x184: {  	v13 =	vld [tilespmem:s12+$0x2180];
	v9 =	vmul.f32 v9, v12;
	[tilespmem:s9+$0xC0] =	vst v11  }
0x185: {  	(erf) = vpow2.f32 v4;
	v7 =	vmul.f32 v7, v14;
	v4 =	vld [tilespmem:s20+$0xD0]  }
0x186: {  	(xrf2) =	vadd.scan.msk.f32 $0xffff, v9;
	v9 =	vld [tilespmem:s7+$0x50]  }
0x187: {  	v6 =	vadd.f32 $1.000000000e+00, v6;
	(erf) = vpow2.f32 v5;
	v5 =	vpop (erf)  }
0x188: {  	v10 =	vmul.f32 v16, v15;
	v11, _, _ =	vpop (xrf2)  }
0x189: {  	[tilespmem:s9+$0xFFFFFFB0] =	vst v7;
	(erf) = vrcp.f32 v6;
	v5 =	vadd.f32 $1.000000000e+00, v5;
	v8 =	vmul.f32 v8, v13;
	v7, _, _ =	vpop (xrf2)  }
0x18a: {  	(xrf2) =	vadd.scan.msk.f32 $0xffff, v10;
	v10 =	vld [tilespmem:s21+$0x40];
	v6 =	vmul.f32 $1.442695020e+00, v11;
	v7 =	vmul.f32 $1.442695020e+00, v7  }
0x18b: {  	(erf) = vrcp.f32 v5;
	v5 =	vld [tilespmem:s20+$0xFFFFFFC0];
	v4 =	vmul.f32 v9, v4  }
0x18c: {  	v6 =	vbroadcast v6, $0xF  }
0x18d: {  	v11, _, _ =	vpop (xrf2);
	[tilespmem:s9+$0x30] =	vst v8;
	v7 =	vbroadcast v7, $0xF  }
0x18e: {  	v8 =	vld [tilespmem:s20+$0x40];
	(erf) = vpow2.f32 v6;
	v6 =	vmul.f32 $1.442695020e+00, v11  }
0x18f: {  	s3 =	sor.u32 $0x440, s17;
	v9 =	vld [tilespmem:s28+$0x40];
	(xrf2) =	vadd.scan.msk.f32 $0xffff, v4;
	(erf) = vpow2.f32 v7;
	v4 =	vpop (erf)  }
0x190: {  	s19 =	sor.u32 $0x420, s22;
	v7 =	vld [tilespmem:s3+$0x2180];
	v6 =	vbroadcast v6, $0xF;
	v5 =	vmul.f32 v10, v5;
	v10, _, _ =	vpop (xrf2)  }
0x191: {  	v11 =	vld [tilespmem:s19+$0x2180];
	v4 =	vadd.f32 $1.000000000e+00, v4;
	v10 =	vmul.f32 $1.442695020e+00, v10  }
0x192: {  	v12 =	vpop (erf)  }
0x193: {  	v13 =	vpop (erf);
	(erf) = vrcp.f32 v4  }
0x194: {  	v4 =	vmul.f32 v9, v8;
	(erf) = vpow2.f32 v6;
	v6 =	vpop (erf)  }
0x195: {  	v8 =	vadd.f32 $1.000000000e+00, v12;
	v9 =	vbroadcast v10, $0xF;
	v7 =	vmul.f32 v13, v7;
	v10, _, _ =	vpop (xrf2)  }
0x196: {  	(xrf2) =	vadd.scan.msk.f32 $0xffff, v5;
	v6 =	vmul.f32 v6, v11;
	v5 =	vmul.f32 $1.442695020e+00, v10  }
0x197: {  	s4 =	sor.u32 $0x420, s18;
	(erf) = vrcp.f32 v8  }
0x198: {  	(xrf2) =	vadd.scan.msk.f32 $0xffff, v4;
	v10 =	vld [tilespmem:s4+$0x2180];
	[tilespmem:s13+$0xA0] =	vst v6;
	v4 =	vpop (erf);
	v5 =	vbroadcast v5, $0xF  }
0x199: {  	(erf) = vpow2.f32 v9;
	v6 =	vld [tilespmem:s25+$0xB0];
	v9, _, _ =	vpop (xrf2)  }
0x19a: {  	[tilespmem:s9+$0xFFFFFF40] =	vst v7;
	v4 =	vadd.f32 $1.000000000e+00, v4;
	v8 =	vld [tilespmem:s6+$0x30];
	v7 =	vpop (erf);
	(erf) = vpow2.f32 v5;
	v5 =	vmul.f32 $1.442695020e+00, v9  }
0x19b: {  	s13 =	smov.u32 s6;
	s6 =	simm.s32 $0x8;
	v7 =	vadd.f32 $1.000000000e+00, v7;
	v9 =	vld [tilespmem:s20+$0xFFFFFF50]  }
0x19c: {  	p0 =	por !p0, !p0;
	s1 =	sand.u32 $0x7, s6;
	(erf) = vrcp.f32 v4;
	v4 =	vld [tilespmem:s31+$0x50];
	v5 =	vbroadcast v5, $0xF  }
0x19d: {  	s11 =	smov.u32 s7;
	s7 =	sor.u32 $0x420, s15;
	s1 =	sshll.u32 s1, $0x7;
	v11 =	vpop (erf);
	(erf) = vrcp.f32 v7  }
0x19e: {  	s4 =	simm.s32 $0x1;
	[smem:$0x7C7] =	sst s31;
	s1 =	sadd.s32 $0x800, s1;
	v13 =	vpop (erf);
	(erf) = vpow2.f32 v5;
	v5 =	vmul.f32 v11, v10  }
0x19f: {  	s4 =	simm.s32 @!p0 $0x0;
	v12 =	vld [tilespmem:s7+$0x2180];
	s7 =	sadd.s32 $0x180, s1  }
0x1a0: {  	s12 =	sshll.u32 s4, $0x9;
	v6 =	vmul.f32 v8, v6;
	s15 =	sor.u32 $0x400, s7;
	v7 =	vadd.f32 $1.000000000e+00, v13;
	v8 =	vpop (erf)  }
0x1a1: {  	s4 =	simm.s32 $0x4;
	s12 =	sadd.s32 $0x800, s12;
	s6 =	simm.s32 $0x6480;
	v10 =	vld [tilespmem:s15+$0x2180];
	v11, _, _ =	vpop (xrf2);
	v4 =	vmul.f32 v4, v9  }
0x1a2: {  	s3 =	sand.u32 $0x3, s4;
	s19 =	sor.u32 $0x400, s12;
	(erf) = vrcp.f32 v7;
	[tilespmem:s6+$0xFFFFFF20] =	vst v5;
	v5 =	vpop (erf)  }
0x1a3: {  	s15 =	sshll.u32 s3, $0x8;
	(xrf2) =	vadd.scan.msk.f32 $0xffff, v6;
	v6 =	vld [tilespmem:s19+$0x2180];
	v9 =	vmul.f32 $1.442695020e+00, v11;
	v5 =	vadd.f32 $1.000000000e+00, v5  }
0x1a4: {  	s10 =	smov.u32 s28;
	s28 =	sadd.s32 $0x80, s1;
	s1 =	sadd.s32 $0x800, s15;
	v7 =	vld [tilespmem:s25+$0xFFFFFF30];
	v8 =	vmul.f32 v8, v12;
	v13 =	vpop (erf)  }
0x1a5: {  	s19 =	sor.u32 $0x400, s28;
	s4 =	sadd.s32 $0x100, s1;
	v12 =	vld [tilespmem:s24+$0x30];
	(xrf2) =	vadd.scan.msk.f32 $0xffff, v4;
	v4 =	vpop (erf);
	(erf) = vrcp.f32 v5;
	v5 =	vbroadcast v9, $0xF  }
0x1a6: {  	v11, _, _ =	vpop (xrf2);
	v14 =	vld [tilespmem:s19+$0x2180];
	s1 =	sor.u32 $0x400, s4;
	v4 =	vmul.f32 v4, v10  }
0x1a7: {  	[tilespmem:s6+$0xFFFFFFA0] =	vst v8;
	v8 =	vmul.f32 $1.442695020e+00, v11;
	v11 =	vadd.f32 $1.000000000e+00, v13;
	v13 =	vld [tilespmem:s1+$0x2180]  }
0x1a8: {  	v10 =	vld [tilespmem:s0+$0x30];
	s0 =	simm.s32 $0x6680;
	(erf) = vpow2.f32 v5  }
0x1a9: {  	v9 =	vld [tilespmem:s25+$0xFFFFFFB0];
	v8 =	vbroadcast v8, $0xF;
	[tilespmem:s0+$0x80] =	vst v4;
	(erf) = vrcp.f32 v11;
	v5 =	vpop (erf)  }
0x1aa: {  	v4 =	vpop (erf);
	v5 =	vmul.f32 v5, v6;
	v6 =	vmul.f32 v12, v7;
	v7 =	vld [tilespmem:s23+$0x90]  }
0x1ab: {  	(erf) = vpow2.f32 v8;
	v8 =	vld [tilespmem:s26+$0x10];
	[smem:$0x7D4] =	sst s26;
	v11 =	vpop (erf)  }
0x1ac: {  	[tilespmem:s0+$0xFFFFFF00] =	vst v5;
	v5 =	vmul.f32 v11, v14  }
0x1ad: {  	v4 =	vadd.f32 $1.000000000e+00, v4;
	_ =	sdelay $0x1  }
0x1ae: {  	s15 =	sor.u32 $0x420, s5;
	(erf) = vrcp.f32 v4;
	v4 =	vmul.f32 v10, v9  }
0x1af: {  	s19 =	simm.s32 $0x680;
	v12 =	vld [tilespmem:s15+$0x2180];
	(xrf2) =	vadd.scan.msk.f32 $0xffff, v6;
	[tilespmem:s0+$0xFFFFFF80] =	vst v5;
	v5 =	vpop (erf)  }
0x1b0: {  	v9 =	vld [tilespmem:s19+$0xFFFFFF10];
	(xrf2) =	vadd.scan.msk.f32 $0xffff, v4;
	v4 =	vmul.f32 v5, v13  }
0x1b1: {  	v10 =	vld [tilespmem:s16+$0x10];
	v6, _, _ =	vpop (xrf2)  }
0x1b2: {  	v6 =	vmul.f32 $1.442695020e+00, v6;
	v11 =	vld [tilespmem:s19+$0xFFFFFF90];
	[smem:$0x7D9] =	sst s30  }
0x1b3: {  	s15 =	simm.s32 $0x6680;
	v5 =	vld [tilespmem:s30+$0x10];
	[smem:$0x7CC] =	sst s14;
	v14 =	vpop (erf)  }
0x1b4: {  	v6 =	vbroadcast v6, $0xF;
	[tilespmem:s15+$0x0] =	vst v4;
	v4 =	vpop (erf)  }
0x1b5: {  	v13, _, _ =	vpop (xrf2);
	v4 =	vmul.f32 v4, v12;
	v12 =	vadd.f32 $1.000000000e+00, v14  }
0x1b6: {  	s0 =	sor.u32 $0x450, s14;
	(erf) = vpow2.f32 v6;
	v6 =	vmul.f32 $1.442695020e+00, v13  }
0x1b7: {  	v7 =	vmul.f32 v8, v7;
	v8 =	vld [tilespmem:s0+$0x2180]  }
0x1b8: {  	s19 =	simm.s32 $0x680;
	v9 =	vmul.f32 v10, v9;
	v6 =	vbroadcast v6, $0xF  }
0x1b9: {  	(xrf2) =	vadd.scan.msk.f32 $0xffff, v7;
	v7 =	vld [tilespmem:s19+$0x10];
	(erf) = vrcp.f32 v12;
	v12, _, _ =	vpop (xrf2)  }
0x1ba: {  	s6 =	simm.s32 $0x6480;
	v10 =	vld [tilespmem:s2+$0x10];
	(xrf2) =	vadd.scan.msk.f32 $0xffff, v9;
	v13 =	vpop (erf);
	(erf) = vpow2.f32 v6;
	v6 =	vmul.f32 $1.442695020e+00, v12  }
0x1bb: {  	[tilespmem:s6+$0x20] =	vst v4;
	v4 =	vpop (erf)  }
0x1bc: {  	v5 =	vmul.f32 v5, v11;
	v11 =	vld [tilespmem:s25+$0x30];
	v4 =	vmul.f32 v4, v8  }
0x1bd: {  	v9 =	vadd.f32 $1.000000000e+00, v13;
	v8 =	vld [tilespmem:s8+$0x30]  }
0x1be: {  	(xrf2) =	vadd.scan.msk.f32 $0xffff, v5;
	[tilespmem:s9+$0xD0] =	vst v4;
	v5 =	vbroadcast v6, $0xF;
	v6, _, _ =	vpop (xrf2)  }
0x1bf: {  	v4 =	vmul.f32 v10, v7;
	v7 =	vld [tilespmem:s20+$0xE0];
	v6 =	vmul.f32 $1.442695020e+00, v6  }
0x1c0: {  	s3 =	sor.u32 $0x440, s29;
	v10 =	vld [tilespmem:s11+$0x60]  }
0x1c1: {  	(erf) = vrcp.f32 v9;
	v12 =	vld [tilespmem:s3+$0x2180];
	v9 =	vpop (erf);
	(xrf2) =	vadd.scan.msk.f32 $0xffff, v4;
	v6 =	vbroadcast v6, $0xF  }
0x1c2: {  	v4 =	vadd.f32 $1.000000000e+00, v9;
	v8 =	vmul.f32 v8, v11  }
0x1c3: {  	(erf) = vpow2.f32 v5;
	v5, _, _ =	vpop (xrf2)  }
0x1c4: {  	s0 =	sld [smem:$0x7D7];
	(erf) = vrcp.f32 v4;
	v5 =	vmul.f32 $1.442695020e+00, v5;
	v9, _, _ =	vpop (xrf2)  }
0x1c5: {  	v7 =	vmul.f32 v10, v7;
	(erf) = vpow2.f32 v6;
	v6 =	vpop (erf)  }
0x1c6: {  	(xrf2) =	vadd.scan.msk.f32 $0xffff, v8;
	v6 =	vmul.f32 v6, v12;
	v8 =	vpop (erf)  }
0x1c7: {  	s6 =	sor.u32 $0x440, s0;
	v5 =	vbroadcast v5, $0xF;
	(xrf2) =	vadd.scan.msk.f32 $0xffff, v7;
	v7 =	vmul.f32 $1.442695020e+00, v9;
	v8 =	vadd.f32 $1.000000000e+00, v8  }
0x1c8: {  	v4 =	vld [tilespmem:s6+$0x2180]  }
0x1c9: {  	(erf) = vpow2.f32 v5;
	v7 =	vbroadcast v7, $0xF  }
0x1ca: {  	s23 =	smov.u32 s26;
	[tilespmem:s9+$0xFFFFFFC0] =	vst v6;
	(erf) = vrcp.f32 v8;
	v6, _, _ =	vpop (xrf2)  }
0x1cb: {  	s26 =	smov.u32 s5;
	s5 =	smov.u32 s14;
	s14 =	sor.u32 $0x430, s22;
	(erf) = vpow2.f32 v7;
	v8, _, _ =	vpop (xrf2)  }
0x1cc: {  	v5 =	vld [tilespmem:s14+$0x2180];
	v9 =	vpop (erf);
	v6 =	vmul.f32 $1.442695020e+00, v6;
	v7 =	vmul.f32 $1.442695020e+00, v8  }
0x1cd: {  	v4 =	vmul.f32 v9, v4;
	v10 =	vld [tilespmem:s20+$0xFFFFFFD0]  }
0x1ce: {  	v11 =	vpop (erf);
	v9 =	vld [tilespmem:s21+$0x50];
	[smem:$0x7D1] =	sst s21;
	v6 =	vbroadcast v6, $0xF;
	v7 =	vbroadcast v7, $0xF  }
0x1cf: {  	[tilespmem:s9+$0x40] =	vst v4;
	v4 =	vadd.f32 $1.000000000e+00, v11  }
0x1d0: {  	v11 =	vld [tilespmem:s20+$0x50];
	v8 =	vpop (erf);
	(erf) = vpow2.f32 v6  }
0x1d1: {  	v5 =	vmul.f32 v8, v5;
	v8 =	vpop (erf);
	v6 =	vld [tilespmem:s10+$0x50];
	[smem:$0x7D5] =	sst s10;
	(erf) = vrcp.f32 v4  }
0x1d2: {  	s6 =	smov.u32 s21;
	s21 =	sor.u32 $0x450, s17;
	[smem:$0x7CB] =	sst s17;
	(erf) = vpow2.f32 v7;
	v7 =	vpop (erf)  }
0x1d3: {  	s2 =	simm.s32 $0x6480;
	v12, _, _ =	vpop (xrf2);
	v4 =	vld [tilespmem:s21+$0x2180];
	v7 =	vadd.f32 $1.000000000e+00, v7  }
0x1d4: {  	v8 =	vadd.f32 $1.000000000e+00, v8;
	[tilespmem:s2+$0xB0] =	vst v5;
	v5 =	vmul.f32 v9, v10;
	v9 =	vmul.f32 $1.442695020e+00, v12  }
0x1d5: {  	v10 =	vld [tilespmem:s25+$0xC0]  }
0x1d6: {  	v12 =	vld [tilespmem:s13+$0x40];
	(erf) = vrcp.f32 v8;
	(xrf2) =	vadd.scan.msk.f32 $0xffff, v5;
	v8 =	vbroadcast v9, $0xF  }
0x1d7: {  	s2 =	sor.u32 $0x430, s18;
	v6 =	vmul.f32 v6, v11;
	(erf) = vrcp.f32 v7;
	v7 =	vpop (erf)  }
0x1d8: {  	v9 =	vld [tilespmem:s2+$0x2180];
	v4 =	vmul.f32 v7, v4  }
0x1d9: {  	v5, _, _ =	vpop (xrf2)  }
0x1da: {  	v5 =	vmul.f32 $1.442695020e+00, v5;
	(erf) = vpow2.f32 v8;
	v8 =	vpop (erf)  }
0x1db: {  	(xrf2) =	vadd.scan.msk.f32 $0xffff, v6;
	v7 =	vadd.f32 $1.000000000e+00, v8;
	v6 =	vpop (erf);
	v8 =	vmul.f32 v12, v10  }
0x1dc: {  	v5 =	vbroadcast v5, $0xF;
	[tilespmem:s9+$0xFFFFFF50] =	vst v4;
	v4 =	vpop (erf)  }
0x1dd: {  	s3 =	smov.u32 s10;
	s10 =	sor.u32 $0x410, s7;
	v4 =	vmul.f32 v4, v9  }
0x1de: {  	(erf) = vpow2.f32 v5;
	v5 =	vld [tilespmem:s10+$0x2180]  }
0x1df: {  	v10 =	vld [tilespmem:s20+$0xFFFFFF60];
	(xrf2) =	vadd.scan.msk.f32 $0xffff, v8;
	v8 =	vpop (erf)  }
0x1e0: {  	s8 =	smov.u32 s11;
	s11 =	smov.u32 s29;
	s29 =	simm.s32 $0x6480;
	(erf) = vrcp.f32 v7;
	v7 =	vld [tilespmem:s31+$0x60];
	v9, _, _ =	vpop (xrf2)  }
0x1e1: {  	v6 =	vadd.f32 $1.000000000e+00, v6;
	[tilespmem:s29+$0xFFFFFF30] =	vst v4;
	v4 =	vpop (erf)  }
0x1e2: {  	v9 =	vmul.f32 $1.442695020e+00, v9;
	v11 =	vpop (erf)  }
0x1e3: {  	v12 =	vld [tilespmem:s24+$0x40];
	(erf) = vrcp.f32 v6;
	v5 =	vmul.f32 v11, v5  }
0x1e4: {  	s31 =	smov.u32 s12;
	s12 =	sor.u32 $0x410, s12;
	v8 =	vadd.f32 $1.000000000e+00, v8;
	v6 =	vld [tilespmem:s25+$0xFFFFFF40]  }
0x1e5: {  	v13 =	vld [tilespmem:s12+$0x2180];
	v7 =	vmul.f32 v7, v10;
	[smem:$0x7DD] =	sst s28;
	v11 =	vpop (erf)  }
0x1e6: {  	s14 =	sor.u32 $0x410, s28;
	(erf) = vrcp.f32 v8;
	v8 =	vbroadcast v9, $0xF;
	v9, _, _ =	vpop (xrf2);
	[tilespmem:s15+$0x90] =	vst v5  }
0x1e7: {  	v10 =	vadd.f32 $1.000000000e+00, v11;
	v11 =	vld [tilespmem:s14+$0x2180];
	s14 =	sld [smem:$0x7CD];
	v5 =	vpop (erf)  }
0x1e8: {  	(xrf2) =	vadd.scan.msk.f32 $0xffff, v7;
	v7 =	vmul.f32 $1.442695020e+00, v9;
	v5 =	vadd.f32 $1.000000000e+00, v5  }
0x1e9: {  	v14 =	vld [tilespmem:s19+$0xA0];
	(erf) = vrcp.f32 v10;
	v6 =	vmul.f32 v12, v6;
	v9 =	vpop (erf)  }
0x1ea: {  	v10 =	vld [tilespmem:s23+$0x20];
	v12, _, _ =	vpop (xrf2);
	v9 =	vmul.f32 v9, v13;
	s21 =	sor.u32 $0x430, s14;
	(erf) = vrcp.f32 v5  }
0x1eb: {  	v12 =	vmul.f32 $1.442695020e+00, v12;
	v5 =	vld [tilespmem:s21+$0x2180];
	[smem:$0x7CA] =	sst s4  }
0x1ec: {  	(xrf2) =	vadd.scan.msk.f32 $0xffff, v6;
	v6 =	vbroadcast v7, $0xF;
	v7 =	vpop (erf);
	(erf) = vpow2.f32 v8;
	[tilespmem:s15+$0xFFFFFF10] =	vst v9  }
0x1ed: {  	v7 =	vmul.f32 v7, v11;
	v11 =	vbroadcast v12, $0xF;
	v9 =	vld [tilespmem:s19+$0xFFFFFF20]  }
0x1ee: {  	s2 =	smov.u32 s4;
	s23 =	sor.u32 $0x410, s4;
	s4 =	sor.u32 $0x460, s5;
	v12 =	vld [tilespmem:s16+$0x20]  }
0x1ef: {  	s10 =	simm.s32 $0xC00;
	(erf) = vpow2.f32 v6;
	v6 =	vmul.f32 v10, v14;
	v10 =	vld [tilespmem:s4+$0x2180]  }
0x1f0: {  	s12 =	sand.u32 $0x3800, s10;
	v8 =	vld [tilespmem:s23+$0x2180];
	[tilespmem:s15+$0xFFFFFF90] =	vst v7  }
0x1f1: {  	s1 =	sadd.s32 $0x2180, s12;
	(erf) = vpow2.f32 v11;
	v7 =	vld [tilespmem:s19+$0xFFFFFFA0];
	v11 =	vpop (erf)  }
0x1f2: {  	s5 =	sor.u32 $0x430, s26;
	s23 =	simm.s32 $0x780;
	(xrf2) =	vadd.scan.msk.f32 $0xffff, v6;
	v6 =	vld [tilespmem:s30+$0x20];
	[smem:$0x7CE] =	sst s26;
	v14 =	vpop (erf)  }
0x1f3: {  	s21 =	sor.u32 $0x450, s11;
	s30 =	sand.u32 $0x380, s23;
	v15 =	vld [tilespmem:s5+$0x2180];
	[smem:$0x7D6] =	sst s11;
	v9 =	vmul.f32 v12, v9;
	v12 =	vpop (erf)  }
0x1f4: {  	s23 =	simm.s32 $0x880;
	s4 =	sadd.s32 s30, s1;
	v16 =	vld [tilespmem:s21+$0x2180];
	v10 =	vmul.f32 v12, v10  }
0x1f5: {  	v17 =	vld [tilespmem:s23+$0x80];
	[smem:$0x7DB] =	sst s4;
	v12 =	vpop (erf)  }
0x1f6: {  	v13, _, _ =	vpop (xrf2);
	(xrf2) =	vadd.scan.msk.f32 $0xffff, v9;
	v9 =	vld [tilespmem:s4+$0x0];
	v12 =	vadd.f32 $1.000000000e+00, v12;
	[tilespmem:s9+$0xE0] =	vst v10  }
0x1f7: {  	v18, _, _ =	vpop (xrf2);
	v10 =	vld [tilespmem:s8+$0x70]  }
0x1f8: {  	s10 =	simm.s32 $0x600;
	v6 =	vmul.f32 v6, v7;
	v7 =	vmul.f32 $1.442695020e+00, v18;
	v20 =	vld [tilespmem:s20+$0xF0]  }
0x1f9: {  	s12 =	smov.u32 s0;
	s5 =	sor.u32 $0x450, s0;
	s0 =	sand.u32 $0x200, s10;
	v4 =	vmul.f32 v4, v5;
	v18 =	vpop (erf)  }
0x1fa: {  	s10 =	sor.u32 s0, s1;
	v21 =	vld [tilespmem:s23+$0xFFFFFF00];
	(xrf2) =	vadd.scan.msk.f32 $0xffff, v6;
	v6 =	vbroadcast v7, $0xF;
	(erf) = vrcp.f32 v12;
	v12 =	vpop (erf)  }
0x1fb: {  	v5 =	vmul.f32 $1.442695020e+00, v13;
	v13 =	vadd.f32 $1.000000000e+00, v18;
	v18 =	vld [tilespmem:s10+$0x0];
	v12 =	vadd.f32 $1.000000000e+00, v12  }
0x1fc: {  	v9 =	vmul.f32 v9, v17;
	(erf) = vpow2.f32 v6  }
0x1fd: {  	s21 =	simm.s32 $0x680;
	v19 =	vld [tilespmem:s5+$0x2180];
	s20 =	sor.u32 $0x460, s17;
	(erf) = vrcp.f32 v12;
	v10 =	vmul.f32 v10, v20  }
0x1fe: {  	v8 =	vmul.f32 v11, v8;
	s0 =	sand.u32 $0x280, s21;
	v7 =	vld [tilespmem:s20+$0x2180];
	v17, _, _ =	vpop (xrf2);
	[smem:$0x7CF] =	sst s18  }
0x1ff: {  	s21 =	sadd.s32 s0, s1;
	v6 =	vmul.f32 $1.442695020e+00, v17;
	[tilespmem:s29+$0xFFFFFFB0] =	vst v4;
	v4 =	vld [tilespmem:s23+$0xFFFFFF80];
	(xrf2) =	vadd.scan.msk.f32 $0xffff, v9;
	(erf) = vrcp.f32 v13  }
0x200: {  	s30 =	sor.u32 $0x440, s18;
	v5 =	vbroadcast v5, $0xF;
	v9 =	vld [tilespmem:s21+$0x0];
	v11 =	vmul.f32 v18, v21;
	(xrf2) =	vadd.scan.msk.f32 $0xffff, v10  }
0x201: {  	s9 =	smov.u32 s18;
	s8 =	simm.s32 $0x700;
	s18 =	sor.u32 $0x440, s22;
	[tilespmem:s15+$0x10] =	vst v8;
	v8 =	vld [tilespmem:s23+$0x0];
	v12 =	vbroadcast v6, $0xF;
	v10, _, _ =	vpop (xrf2)  }
0x202: {  	s5 =	sor.u32 $0x440, s14;
	s14 =	sand.u32 $0x300, s8;
	(erf) = vpow2.f32 v5;
	v5 =	vld [tilespmem:s18+$0x2180];
	v10 =	vmul.f32 $1.442695020e+00, v10  }
0x203: {  	s20 =	simm.s32 $0x6;
	v6 =	vld [tilespmem:s5+$0x2180];
	s5 =	sadd.s32 s14, s1;
	(erf) = vpow2.f32 v12;
	v20 =	vpop (erf)  }
0x204: {  	s0 =	sand.u32 $0x3, s20;
	v18 =	vld [tilespmem:s5+$0x0];
	(xrf2) =	vadd.scan.msk.f32 $0xffff, v11;
	v11, _, _ =	vpop (xrf2)  }
0x205: {  	s0 =	sshll.u32 s0, $0x8;
	s4 =	sld [smem:$0x7C6];
	v4 =	vmul.f32 v9, v4;
	v9 =	vpop (erf);
	v11 =	vmul.f32 $1.442695020e+00, v11  }
0x206: {  	v17 =	vld [tilespmem:s30+$0x2180];
	s0 =	sadd.s32 $0xC00, s0;
	v9 =	vadd.f32 $1.000000000e+00, v9;
	v12 =	vbroadcast v10, $0xF;
	v10 =	vpop (erf)  }
0x207: {  	s17 =	smov.u32 s22;
	v21 =	vld [tilespmem:s19+$0x20];
	s22 =	sadd.s32 $0x100, s0;
	(xrf2) =	vadd.scan.msk.f32 $0xffff, v4;
	v4 =	vbroadcast v11, $0xF;
	v5 =	vmul.f32 v10, v5  }
0x208: {  	s30 =	sor.u32 $0x420, s31;
	s20 =	simm.s32 $0x6480;
	v22 =	vld [tilespmem:s4+$0x20];
	[smem:$0x7DC] =	sst s22;
	(erf) = vpow2.f32 v12;
	v23 =	vpop (erf)  }
0x209: {  	p0 =	por !p0, !p0;
	s1 =	simm.s32 $0x1;
	v13 =	vld [tilespmem:s30+$0x2180];
	v8 =	vmul.f32 v18, v8;
	v11, _, _ =	vpop (xrf2);
	(erf) = vpow2.f32 v4;
	[tilespmem:s20+$0xC0] =	vst v5  }
0x20a: {  	v14 =	vmul.f32 v14, v15;
	s1 =	simm.s32 @!p0 $0x0;
	(erf) = vrcp.f32 v9;
	v9, _, _ =	vpop (xrf2);
	v15 =	vld [tilespmem:s25+$0xD0]  }
0x20b: {  	s8 =	sor.u32 $0x400, s22;
	s1 =	sshll.u32 s1, $0x9;
	(xrf2) =	vadd.scan.msk.f32 $0xffff, v8;
	v8 =	vld [tilespmem:s13+$0x50];
	v5 =	vpop (erf)  }
0x20c: {  	s18 =	sadd.s32 $0xC00, s1;
	s30 =	sor.u32 $0x420, s28;
	v16 =	vmul.f32 v20, v16;
	v20 =	vld [tilespmem:s25+$0xFFFFFFC0];
	s22 =	sld [smem:$0x7E1];
	v4 =	vpop (erf);
	v5 =	vadd.f32 $1.000000000e+00, v5  }
0x20d: {  	s14 =	sor.u32 $0x400, s18;
	v18 =	vmul.f32 v22, v21;
	v21 =	vld [tilespmem:s30+$0x2180];
	v9 =	vmul.f32 $1.442695020e+00, v9;
	v4 =	vadd.f32 $1.000000000e+00, v4  }
0x20e: {  	v12 =	vld [tilespmem:s14+$0x2180];
	[tilespmem:s20+$0x30] =	vst v14;
	(erf) = vrcp.f32 v5;
	v5 =	vmul.f32 $1.442695020e+00, v11  }
0x20f: {  	s29 =	rddreg [dreg:$0x4];
	v22 =	vld [tilespmem:s22+$0x40];
	v11, _, _ =	vpop (xrf2);
	(erf) = vrcp.f32 v4;
	v4 =	vbroadcast v9, $0xF  }
0x210: {  	s20 =	sor.u32 $0x440, s26;
	s26 =	simm.s32 $0x6280;
	(xrf2) =	vadd.scan.msk.f32 $0xffff, v18;
	v18 =	vld [tilespmem:s29+$0x40];
	v14 =	vmul.f32 $1.442695020e+00, v11;
	v15 =	vmul.f32 v8, v15  }
0x211: {  	[tilespmem:s26+$0xFFFFFFD0] =	vst v16;
	v9 =	vld [tilespmem:s25+$0x40];
	v16, _, _ =	vpop (xrf2);
	v5 =	vbroadcast v5, $0xF;
	(erf) = vpow2.f32 v4  }
0x212: {  	v10 =	vld [tilespmem:s8+$0x2180];
	v4 =	vmul.f32 v23, v19;
	v19 =	vpop (erf);
	(xrf2) =	vadd.scan.msk.f32 $0xffff, v15;
	v15 =	vmul.f32 $1.442695020e+00, v16  }
0x213: {  	s8 =	sor.u32 $0x420, s2;
	s2 =	sor.u32 $0x420, s7;
	v24 =	vld [tilespmem:s6+$0x60];
	v14 =	vbroadcast v14, $0xF;
	(erf) = vpow2.f32 v5;
	v19 =	vadd.f32 $1.000000000e+00, v19  }
0x214: {  	v23 =	vld [tilespmem:s2+$0x2180];
	v16 =	vpop (erf)  }
0x215: {  	v11 =	vld [tilespmem:s8+$0x2180];
	v20 =	vmul.f32 v22, v20;
	v22 =	vpop (erf);
	(erf) = vpow2.f32 v14  }
0x216: {  	s30 =	sor.u32 $0x460, s11;
	v8 =	vld [tilespmem:s20+$0x2180];
	v14 =	vbroadcast v15, $0xF;
	v16 =	vadd.f32 $1.000000000e+00, v16;
	v9 =	vmul.f32 v18, v9;
	v15, _, _ =	vpop (xrf2)  }
0x217: {  	s8 =	sor.u32 $0x460, s12;
	v5 =	vld [tilespmem:s30+$0x2180];
	[tilespmem:s26+$0x50] =	vst v4;
	(erf) = vrcp.f32 v19;
	v15 =	vmul.f32 $1.442695020e+00, v15;
	v19 =	vpop (erf)  }
0x218: {  	s11 =	simm.s32 $0x280;
	v4 =	vld [tilespmem:s8+$0x2180];
	(erf) = vpow2.f32 v14;
	v14 =	vmul.f32 v22, v17;
	v17 =	vpop (erf)  }
0x219: {  	s14 =	smov.u32 s13;
	s13 =	simm.s32 $0x6480;
	v18 =	vld [tilespmem:s11+$0xFFFFFFE0];
	v17 =	vmul.f32 v17, v23  }
0x21a: {  	v25 =	vld [tilespmem:s3+$0x60];
	v15 =	vbroadcast v15, $0xF;
	(erf) = vrcp.f32 v16;
	v16, _, _ =	vpop (xrf2);
	[tilespmem:s13+$0xFFFFFF40] =	vst v14  }
0x21b: {  	(xrf2) =	vadd.scan.msk.f32 $0xffff, v20;
	v22 =	vld [tilespmem:s11+$0x60];
	v7 =	vmul.f32 v19, v7;
	v14 =	vmul.f32 $1.442695020e+00, v16;
	v16 =	vpop (erf);
	[tilespmem:s15+$0xA0] =	vst v17  }
0x21c: {  	s30 =	smov.u32 s7;
	s7 =	simm.s32 $0x6280;
	(xrf2) =	vadd.scan.msk.f32 $0xffff, v9;
	v19 =	vld [tilespmem:s25+$0xFFFFFF50];
	v16 =	vadd.f32 $1.000000000e+00, v16;
	v9 =	vpop (erf);
	[smem:$0x7D8] =	sst s24  }
0x21d: {  	(erf) = vpow2.f32 v15;
	v14 =	vbroadcast v14, $0xF;
	[tilespmem:s7+$0xFFFFFF60] =	vst v7;
	v7 =	vadd.f32 $1.000000000e+00, v9  }
0x21e: {  	(erf) = vrcp.f32 v16;
	v16 =	vmul.f32 v24, v18  }
0x21f: {  	v20, _, _ =	vpop (xrf2);
	s2 =	sld [smem:$0x7D4]  }
0x220: {  	v23 =	vpop (erf);
	v15 =	vld [tilespmem:s24+$0x50];
	(erf) = vpow2.f32 v14  }
0x221: {  	s15 =	simm.s32 $0xC;
	v17 =	vld [tilespmem:s19+$0xB0];
	(erf) = vrcp.f32 v7;
	v7 =	vpop (erf)  }
0x222: {  	s0 =	sand.u32 $0x7, s15;
	v14 =	vmul.f32 $1.442695020e+00, v20;
	v20 =	vadd.f32 $1.000000000e+00, v23;
	(xrf2) =	vadd.scan.msk.f32 $0xffff, v16;
	v18 =	vld [tilespmem:s2+$0x30];
	v16 =	vpop (erf)  }
0x223: {  	s0 =	sshll.u32 s0, $0x7;
	v16 =	vadd.f32 $1.000000000e+00, v16  }
0x224: {  	s0 =	sadd.s32 $0xC00, s0;
	v14 =	vbroadcast v14, $0xF  }
0x225: {  	s12 =	sor.u32 $0x450, s9;
	s9 =	sadd.s32 $0x180, s0;
	(erf) = vrcp.f32 v20;
	v7 =	vmul.f32 v7, v13;
	v13, _, _ =	vpop (xrf2)  }
0x226: {  	s20 =	sor.u32 $0x400, s9;
	(erf) = vpow2.f32 v14;
	v15 =	vmul.f32 v15, v19;
	v20 =	vpop (erf)  }
0x227: {  	s26 =	simm.s32 $0x6680;
	v14 =	vld [tilespmem:s20+$0x2180];
	(erf) = vrcp.f32 v16;
	v17 =	vmul.f32 v18, v17;
	v16 =	vpop (erf)  }
0x228: {  	v13 =	vmul.f32 $1.442695020e+00, v13;
	[tilespmem:s26+$0xFFFFFF20] =	vst v7;
	v16 =	vadd.f32 $1.000000000e+00, v16  }
0x229: {  	v19 =	vmul.f32 v20, v21;
	v18 =	vld [tilespmem:s19+$0xFFFFFF30];
	(xrf2) =	vadd.scan.msk.f32 $0xffff, v17;
	v7 =	vpop (erf)  }
0x22a: {  	v13 =	vbroadcast v13, $0xF;
	v20 =	vpop (erf);
	(erf) = vrcp.f32 v16;
	v16 =	vld [tilespmem:s16+$0x30]  }
0x22b: {  	v9 =	vld [tilespmem:s12+$0x2180];
	s12 =	sadd.s32 $0x80, s0;
	[tilespmem:s26+$0xFFFFFFA0] =	vst v19;
	(xrf2) =	vadd.scan.msk.f32 $0xffff, v15;
	v15 =	vpop (erf)  }
0x22c: {  	s0 =	sor.u32 $0x400, s12;
	s28 =	sld [smem:$0x7D9];
	v14 =	vmul.f32 v15, v14  }
0x22d: {  	v21 =	vld [tilespmem:s0+$0x2180];
	v19 =	vmul.f32 v25, v22;
	v17, _, _ =	vpop (xrf2)  }
0x22e: {  	s20 =	simm.s32 $0x6880;
	v22 =	vld [tilespmem:s19+$0xFFFFFFB0];
	v17 =	vmul.f32 $1.442695020e+00, v17;
	(erf) = vpow2.f32 v13;
	v13 =	vpop (erf)  }
0x22f: {  	v20 =	vadd.f32 $1.000000000e+00, v20;
	v23 =	vld [tilespmem:s28+$0x30];
	v12 =	vmul.f32 v13, v12;
	[tilespmem:s20+$0x80] =	vst v14;
	v13 =	vmul.f32 v16, v18  }
0x230: {  	v17 =	vbroadcast v17, $0xF;
	s26 =	sld [smem:$0x7DB];
	v14 =	vpop (erf)  }
0x231: {  	v15, _, _ =	vpop (xrf2);
	(erf) = vrcp.f32 v20;
	v14 =	vadd.f32 $1.000000000e+00, v14  }
0x232: {  	(xrf2) =	vadd.scan.msk.f32 $0xffff, v19;
	v15 =	vmul.f32 $1.442695020e+00, v15;
	v16 =	vld [tilespmem:s23+$0x90];
	(erf) = vpow2.f32 v17;
	v18 =	vpop (erf)  }
0x233: {  	[tilespmem:s20+$0xFFFFFF00] =	vst v12;
	v17 =	vld [tilespmem:s26+$0x10];
	v12 =	vmul.f32 v18, v21;
	(xrf2) =	vadd.scan.msk.f32 $0xffff, v13;
	(erf) = vrcp.f32 v14;
	v13, _, _ =	vpop (xrf2)  }
0x234: {  	v19 =	vld [tilespmem:s10+$0x10];
	v14 =	vmul.f32 v23, v22;
	v13 =	vmul.f32 $1.442695020e+00, v13  }
0x235: {  	v18 =	vld [tilespmem:s23+$0xFFFFFF10]  }
0x236: {  	v15 =	vbroadcast v15, $0xF;
	v13 =	vbroadcast v13, $0xF  }
0x237: {  	[tilespmem:s20+$0xFFFFFF80] =	vst v12;
	v12 =	vpop (erf)  }
0x238: {  	v20 =	vld [tilespmem:s23+$0xFFFFFF90];
	(xrf2) =	vadd.scan.msk.f32 $0xffff, v14;
	(erf) = vpow2.f32 v15;
	v14, _, _ =	vpop (xrf2);
	v15 =	vmul.f32 v17, v16  }
0x239: {  	v10 =	vmul.f32 v12, v10;
	v12 =	vld [tilespmem:s21+$0x10];
	v17 =	vpop (erf)  }
0x23a: {  	s3 =	sor.u32 $0x450, s17;
	[smem:$0x7DA] =	sst s17;
	(erf) = vpow2.f32 v13;
	(xrf2) =	vadd.scan.msk.f32 $0xffff, v15;
	v15 =	vmul.f32 v19, v18;
	v13 =	vpop (erf)  }
0x23b: {  	v16 =	vld [tilespmem:s3+$0x2180];
	[tilespmem:s20+$0x0] =	vst v10;
	v10 =	vmul.f32 $1.442695020e+00, v14;
	v14 =	vadd.f32 $1.000000000e+00, v17;
	v11 =	vmul.f32 v13, v11  }
0x23c: {  	s7 =	smov.u32 s5;
	v17 =	vld [tilespmem:s23+$0x10];
	v13, _, _ =	vpop (xrf2)  }
0x23d: {  	s8 =	simm.s32 $0x6680;
	v18 =	vld [tilespmem:s5+$0x10];
	[dreg:$0x5] =	wrdreg s7;
	v10 =	vbroadcast v10, $0xF;
	(erf) = vrcp.f32 v14;
	v19 =	vpop (erf)  }
0x23e: {  	v12 =	vmul.f32 v12, v20;
	(xrf2) =	vadd.scan.msk.f32 $0xffff, v15;
	v14 =	vadd.f32 $1.000000000e+00, v19;
	v15, _, _ =	vpop (xrf2);
	[tilespmem:s8+$0x20] =	vst v11  }
0x23f: {  	(erf) = vpow2.f32 v10;
	v15 =	vmul.f32 $1.442695020e+00, v15;
	v10 =	vld [tilespmem:s19+$0x30];
	v11 =	vpop (erf)  }
0x240: {  	v13 =	vmul.f32 $1.442695020e+00, v13;
	v11 =	vmul.f32 v11, v16;
	v16 =	vld [tilespmem:s4+$0x30];
	_ =	sdelay $0x1  }
0x241: {  	(xrf2) =	vadd.scan.msk.f32 $0xffff, v12;
	v13 =	vbroadcast v13, $0xF;
	(erf) = vrcp.f32 v14;
	v14 =	vpop (erf)  }
0x242: {  	v12 =	vbroadcast v15, $0xF;
	v15, _, _ =	vpop (xrf2);
	[tilespmem:s13+$0xD0] =	vst v11;
	v11 =	vmul.f32 v18, v17  }
0x243: {  	v17 =	vld [tilespmem:s25+$0xE0];
	(erf) = vpow2.f32 v13;
	v13 =	vmul.f32 $1.442695020e+00, v15;
	v15 =	vpop (erf)  }
0x244: {  	s5 =	sld [smem:$0x7C7];
	(xrf2) =	vadd.scan.msk.f32 $0xffff, v11;
	v11 =	vadd.f32 $1.000000000e+00, v15;
	(erf) = vpow2.f32 v12;
	v10 =	vmul.f32 v16, v10  }
0x245: {  	s13 =	simm.s32 $0x280;
	v18 =	vld [tilespmem:s14+$0x60];
	v15, _, _ =	vpop (xrf2);
	v13 =	vbroadcast v13, $0xF  }
0x246: {  	v16 =	vld [tilespmem:s13+$0xFFFFFF70];
	v15 =	vmul.f32 $1.442695020e+00, v15;
	(erf) = vrcp.f32 v11;
	v11 =	vadd.f32 $1.000000000e+00, v14;
	v14 =	vpop (erf)  }
0x247: {  	v12 =	vld [tilespmem:s5+$0x70];
	(erf) = vpow2.f32 v13;
	v6 =	vmul.f32 v14, v6;
	v14, _, _ =	vpop (xrf2)  }
0x248: {  	(xrf2) =	vadd.scan.msk.f32 $0xffff, v10;
	(erf) = vrcp.f32 v11;
	v11 =	vmul.f32 $1.442695020e+00, v14;
	v10 =	vpop (erf)  }
0x249: {  	v13 =	vbroadcast v15, $0xF;
	v10 =	vadd.f32 $1.000000000e+00, v10  }
0x24a: {  	s6 =	smov.u32 s14;
	s15 =	simm.s32 $0x6480;
	s14 =	sor.u32 $0x430, s30;
	v15 =	vmul.f32 v18, v17;
	v14 =	vpop (erf);
	v11 =	vbroadcast v11, $0xF  }
0x24b: {  	[tilespmem:s15+$0xFFFFFFC0] =	vst v6;
	(erf) = vpow2.f32 v13;
	v13 =	vld [tilespmem:s14+$0x2180];
	v6, _, _ =	vpop (xrf2)  }
0x24c: {  	(xrf2) =	vadd.scan.msk.f32 $0xffff, v15;
	v15 =	vld [tilespmem:s25+$0xFFFFFFD0];
	v12 =	vmul.f32 v12, v16;
	v16 =	vpop (erf);
	v6 =	vmul.f32 $1.442695020e+00, v6  }
0x24d: {  	v8 =	vmul.f32 v14, v8;
	(erf) = vrcp.f32 v10;
	v14 =	vadd.f32 $1.000000000e+00, v16;
	v16 =	vld [tilespmem:s22+$0x50];
	v10 =	vpop (erf)  }
0x24e: {  	(erf) = vpow2.f32 v11;
	v6 =	vbroadcast v6, $0xF;
	v11, _, _ =	vpop (xrf2)  }
0x24f: {  	[tilespmem:s15+$0x40] =	vst v8;
	v8 =	vadd.f32 $1.000000000e+00, v10;
	(erf) = vrcp.f32 v14;
	v10 =	vmul.f32 $1.442695020e+00, v11;
	v11 =	vpop (erf)  }
0x250: {  	(erf) = vpow2.f32 v6;
	v6 =	vmul.f32 v11, v13  }
0x251: {  	(xrf2) =	vadd.scan.msk.f32 $0xffff, v12;
	v12 =	vbroadcast v10, $0xF  }
0x252: {  	v14 =	vld [tilespmem:s25+$0x50];
	v11 =	vpop (erf);
	[tilespmem:s8+$0xB0] =	vst v6;
	v6 =	vmul.f32 v16, v15  }
0x253: {  	v13 =	vld [tilespmem:s29+$0x50];
	(erf) = vrcp.f32 v8;
	v8, _, _ =	vpop (xrf2)  }
0x254: {  	v10 =	vpop (erf);
	v15 =	vld [tilespmem:s19+$0xC0]  }
0x255: {  	v11 =	vadd.f32 $1.000000000e+00, v11;
	(erf) = vpow2.f32 v12;
	v16 =	vld [tilespmem:s2+$0x40];
	v12 =	vpop (erf)  }
0x256: {  	v8 =	vmul.f32 $1.442695020e+00, v8;
	(xrf2) =	vadd.scan.msk.f32 $0xffff, v6;
	v12 =	vadd.f32 $1.000000000e+00, v12;
	v6, _, _ =	vpop (xrf2)  }
0x257: {  	(erf) = vrcp.f32 v11;
	v6 =	vmul.f32 $1.442695020e+00, v6  }
0x258: {  	s3 =	smov.u32 s31;
	s31 =	sor.u32 $0x430, s31;
	v13 =	vmul.f32 v13, v14;
	v14 =	vpop (erf);
	(erf) = vrcp.f32 v12  }
0x259: {  	v11 =	vld [tilespmem:s31+$0x2180];
	v8 =	vbroadcast v8, $0xF;
	v9 =	vmul.f32 v14, v9  }
0x25a: {  	v14 =	vmul.f32 v16, v15;
	v12 =	vpop (erf)  }
0x25b: {  	s13 =	smov.u32 s22;
	(erf) = vpow2.f32 v8;
	v8 =	vbroadcast v6, $0xF;
	v6 =	vpop (erf)  }
0x25c: {  	s22 =	simm.s32 $0x6480;
	s29 =	smov.u32 s2;
	s2 =	sor.u32 $0x410, s9;
	(xrf2) =	vadd.scan.msk.f32 $0xffff, v13;
	v13 =	vpop (erf)  }
0x25d: {  	[tilespmem:s22+$0xFFFFFF50] =	vst v9;
	v12 =	vadd.f32 $1.000000000e+00, v12;
	(erf) = vpow2.f32 v8;
	v8 =	vld [tilespmem:s2+$0x2180];
	v9 =	vpop (erf)  }
0x25e: {  	v15, _, _ =	vpop (xrf2);
	v16 =	vld [tilespmem:s25+$0xFFFFFF60];
	v9 =	vmul.f32 v9, v11  }
0x25f: {  	(xrf2) =	vadd.scan.msk.f32 $0xffff, v14;
	(erf) = vrcp.f32 v12;
	v12 =	vadd.f32 $1.000000000e+00, v13;
	v13 =	vld [tilespmem:s24+$0x60];
	v14 =	vpop (erf)  }
0x260: {  	v11 =	vpop (erf);
	[tilespmem:s8+$0xFFFFFF30] =	vst v9  }
0x261: {  	v15 =	vmul.f32 $1.442695020e+00, v15;
	(erf) = vrcp.f32 v12;
	v9 =	vadd.f32 $1.000000000e+00, v14;
	v12 =	vld [tilespmem:s19+$0xFFFFFF40];
	v17 =	vpop (erf)  }
0x262: {  	s11 =	smov.u32 s21;
	v18 =	vld [tilespmem:s16+$0x40];
	v8 =	vmul.f32 v17, v8  }
0x263: {  	s21 =	smov.u32 s4;
	s4 =	sor.u32 $0x410, s18;
	v15 =	vbroadcast v15, $0xF;
	[dreg:$0x6] =	wrdreg s16  }
0x264: {  	v14, _, _ =	vpop (xrf2);
	v19 =	vld [tilespmem:s4+$0x2180];
	v13 =	vmul.f32 v13, v16  }
0x265: {  	(erf) = vrcp.f32 v9;
	v9 =	vpop (erf)  }
0x266: {  	s5 =	sor.u32 $0x410, s12;
	v14 =	vmul.f32 $1.442695020e+00, v14;
	[tilespmem:s20+$0x90] =	vst v8;
	v9 =	vadd.f32 $1.000000000e+00, v9;
	v8 =	vpop (erf)  }
0x267: {  	v16 =	vld [tilespmem:s5+$0x2180];
	(erf) = vpow2.f32 v15;
	v15, _, _ =	vpop (xrf2);
	v12 =	vmul.f32 v18, v12;
	v8 =	vadd.f32 $1.000000000e+00, v8  }
0x268: {  	(xrf2) =	vadd.scan.msk.f32 $0xffff, v13;
	v17 =	vld [tilespmem:s23+$0xA0];
	(erf) = vrcp.f32 v9;
	v9 =	vmul.f32 $1.442695020e+00, v15;
	v13 =	vpop (erf)  }
0x269: {  	v15 =	vld [tilespmem:s26+$0x20];
	v13 =	vmul.f32 v13, v19;
	(erf) = vrcp.f32 v8;
	_ =	sdelay $0x1  }
0x26a: {  	v14 =	vbroadcast v14, $0xF;
	(xrf2) =	vadd.scan.msk.f32 $0xffff, v12;
	[tilespmem:s20+$0xFFFFFF10] =	vst v13;
	v12 =	vpop (erf)  }
0x26b: {  	s22 =	smov.u32 s10;
	v18, _, _ =	vpop (xrf2);
	v9 =	vbroadcast v9, $0xF;
	v13 =	vld [tilespmem:s23+$0xFFFFFF20];
	v12 =	vmul.f32 v12, v16  }
0x26c: {  	s8 =	sor.u32 $0x460, s17;
	v8 =	vmul.f32 $1.442695020e+00, v18;
	(erf) = vpow2.f32 v14;
	v14 =	vld [tilespmem:s10+$0x20];
	[dreg:$0x8] =	wrdreg s22  }
0x26d: {  	(erf) = vpow2.f32 v9;
	v9 =	vmul.f32 v15, v17;
	v15 =	vld [tilespmem:s8+$0x2180]  }
0x26e: {  	v16 =	vpop (erf)  }
0x26f: {  	v8 =	vbroadcast v8, $0xF;
	[tilespmem:s20+$0xFFFFFF90] =	vst v12;
	v12 =	vpop (erf)  }
0x270: {  	v17 =	vpop (erf)  }
0x271: {  	s1 =	simm.s32 $0x6480;
	(erf) = vpow2.f32 v8;
	v8 =	vld [tilespmem:s23+$0xFFFFFFA0];
	v13 =	vmul.f32 v14, v13;
	v14 =	vpop (erf)  }
0x272: {  	s14 =	simm.s32 $0x1000;
	s10 =	simm.s32 $0x1000;
	(xrf2) =	vadd.scan.msk.f32 $0xffff, v9;
	v9 =	vld [tilespmem:s11+$0x20];
	[smem:$0x7DF] =	sst s11;
	v14 =	vmul.f32 v14, v15  }
0x273: {  	s17 =	simm.s32 $0x980;
	s15 =	sand.u32 $0x3800, s10;
	[smem:$0x7C8] =	sst s14  }
0x274: {  	s4 =	sand.u32 $0x380, s17;
	s0 =	sadd.s32 $0x2180, s15;
	v18, _, _ =	vpop (xrf2);
	s14 =	simm.s32 $0xA80;
	[tilespmem:s1+$0xE0] =	vst v14  }
0x275: {  	s31 =	sadd.s32 s4, s0;
	v19 =	vld [tilespmem:s14+$0x80];
	v20, _, _ =	vpop (xrf2);
	s15 =	sld [smem:$0x7DC]  }
0x276: {  	s24 =	simm.s32 $0x800;
	(xrf2) =	vadd.scan.msk.f32 $0xffff, v13;
	v13 =	vld [tilespmem:s31+$0x0];
	v15 =	vpop (erf)  }
0x277: {  	s5 =	smov.u32 s26;
	s8 =	sand.u32 $0x200, s24;
	v8 =	vmul.f32 v9, v8;
	v9 =	vmul.f32 $1.442695020e+00, v20;
	v15 =	vadd.f32 $1.000000000e+00, v15;
	v14 =	vld [tilespmem:s6+$0x70];
	s6 =	simm.s32 $0x800  }
0x278: {  	s10 =	sor.u32 s8, s0;
	v21 =	vld [tilespmem:s25+$0xF0];
	[smem:$0x7C9] =	sst s6;
	s26 =	sor.u32 $0x410, s15  }
0x279: {  	(xrf2) =	vadd.scan.msk.f32 $0xffff, v8;
	v8 =	vbroadcast v9, $0xF;
	(erf) = vrcp.f32 v15;
	v15 =	vld [tilespmem:s26+$0x2180];
	[smem:$0x7D3] =	sst s10  }
0x27a: {  	v20 =	vpop (erf);
	v22 =	vld [tilespmem:s10+$0x0]  }
0x27b: {  	v9 =	vpop (erf);
	(erf) = vpow2.f32 v8;
	v8 =	vld [tilespmem:s14+$0xFFFFFF00]  }
0x27c: {  	s17 =	simm.s32 $0x880;
	v18 =	vmul.f32 $1.442695020e+00, v18;
	v13 =	vmul.f32 v13, v19;
	v9 =	vadd.f32 $1.000000000e+00, v9;
	v19, _, _ =	vpop (xrf2)  }
0x27d: {  	s4 =	sand.u32 $0x280, s17;
	v20 =	vadd.f32 $1.000000000e+00, v20;
	v19 =	vmul.f32 $1.442695020e+00, v19  }
0x27e: {  	s6 =	sadd.s32 s4, s0;
	(erf) = vrcp.f32 v9;
	v9 =	vbroadcast v18, $0xF;
	s10 =	sld [smem:$0x7DD]  }
0x27f: {  	(xrf2) =	vadd.scan.msk.f32 $0xffff, v13;
	(erf) = vrcp.f32 v20;
	v13 =	vld [tilespmem:s6+$0x0];
	v18 =	vbroadcast v19, $0xF  }
0x280: {  	v19 =	vld [tilespmem:s14+$0xFFFFFF80];
	v15 =	vmul.f32 v16, v15;
	v16, _, _ =	vpop (xrf2);
	v8 =	vmul.f32 v22, v8  }
0x281: {  	s26 =	simm.s32 $0x900;
	v14 =	vmul.f32 v14, v21;
	s24 =	sor.u32 $0x430, s10;
	v16 =	vmul.f32 $1.442695020e+00, v16  }
0x282: {  	s1 =	sor.u32 $0x440, s30;
	s4 =	sand.u32 $0x300, s26;
	(erf) = vpow2.f32 v9;
	v23 =	vld [tilespmem:s24+$0x2180];
	[smem:$0x7EC] =	sst s30  }
0x283: {  	s26 =	sld [smem:$0x7CA];
	s4 =	sadd.s32 s4, s0;
	(xrf2) =	vadd.scan.msk.f32 $0xffff, v14;
	v9 =	vld [tilespmem:s1+$0x2180];
	[tilespmem:s20+$0x10] =	vst v15;
	v15 =	vbroadcast v16, $0xF  }
0x284: {  	(erf) = vpow2.f32 v18;
	v14 =	vld [tilespmem:s4+$0x0];
	(xrf2) =	vadd.scan.msk.f32 $0xffff, v8;
	v8, _, _ =	vpop (xrf2)  }
0x285: {  	v20 =	vpop (erf);
	v18 =	vld [tilespmem:s14+$0x0];
	v13 =	vmul.f32 v13, v19;
	v8 =	vmul.f32 $1.442695020e+00, v8  }
0x286: {  	s2 =	sor.u32 $0x430, s26;
	v19 =	vpop (erf);
	s8 =	sld [smem:$0x7CB]  }
0x287: {  	v21 =	vld [tilespmem:s2+$0x2180];
	(erf) = vpow2.f32 v15;
	(xrf2) =	vadd.scan.msk.f32 $0xffff, v13;
	v15 =	vpop (erf);
	v13 =	vbroadcast v8, $0xF  }
0x288: {  	v16 =	vld [tilespmem:s23+$0x20];
	s24 =	sld [smem:$0x7CC];
	v15 =	vmul.f32 v15, v9  }
0x289: {  	s17 =	smov.u32 s30;
	s30 =	simm.s32 $0x6680;
	v22 =	vld [tilespmem:s7+$0x20];
	s0 =	sor.u32 $0x470, s8  }
0x28a: {  	v14 =	vmul.f32 v14, v18;
	v18 =	vadd.f32 $1.000000000e+00, v19;
	v40 =	vpop (erf);
	v9 =	vld [tilespmem:s0+$0x2180];
	[tilespmem:s30+$0xC0] =	vst v15  }
0x28b: {  	s0 =	sor.u32 $0x470, s24;
	(erf) = vpow2.f32 v13;
	v15 =	vld [tilespmem:s19+$0xD0];
	s24 =	sld [smem:$0x7CD];
	v13 =	vpop (erf)  }
0x28c: {  	(erf) = vrcp.f32 v18;
	v18 =	vld [tilespmem:s29+$0x50];
	v13 =	vadd.f32 $1.000000000e+00, v13  }
0x28d: {  	v11 =	vmul.f32 v11, v23;
	v19, _, _ =	vpop (xrf2);
	(xrf2) =	vadd.scan.msk.f32 $0xffff, v14  }
0x28e: {  	v12 =	vadd.f32 $1.000000000e+00, v12;
	v17 =	vmul.f32 v17, v21;
	v16 =	vmul.f32 v22, v16;
	v21, _, _ =	vpop (xrf2);
	v8 =	vld [tilespmem:s0+$0x2180];
	s2 =	sor.u32 $0x450, s24  }
0x28f: {  	s8 =	simm.s32 $0x680;
	v21 =	vmul.f32 $1.442695020e+00, v21;
	v14 =	vpop (erf);
	v22 =	vld [tilespmem:s2+$0x2180];
	(erf) = vrcp.f32 v13;
	s2 =	sld [smem:$0x7CE];
	[tilespmem:s30+$0xFFFFFFB0] =	vst v11  }
0x290: {  	v14 =	vadd.f32 $1.000000000e+00, v14;
	v11 =	vmul.f32 $1.442695020e+00, v19;
	[tilespmem:s30+$0x30] =	vst v17;
	(erf) = vrcp.f32 v12;
	v12 =	vld [tilespmem:s8+$0xFFFFFFC0];
	v13, _, _ =	vpop (xrf2)  }
0x291: {  	v17 =	vld [tilespmem:s8+$0x40];
	v15 =	vmul.f32 v18, v15;
	s1 =	sld [smem:$0x7CF];
	v13 =	vmul.f32 $1.442695020e+00, v13  }
0x292: {  	s8 =	sor.u32 $0x420, s9;
	(xrf2) =	vadd.scan.msk.f32 $0xffff, v16;
	(erf) = vrcp.f32 v14;
	v14 =	vbroadcast v21, $0xF;
	v16 =	vld [tilespmem:s28+$0x40]  }
0x293: {  	(xrf2) =	vadd.scan.msk.f32 $0xffff, v15;
	v15 =	vld [tilespmem:s8+$0x2180];
	v13 =	vbroadcast v13, $0xF  }
0x294: {  	v11 =	vbroadcast v11, $0xF;
	(erf) = vpow2.f32 v14;
	v14 =	vld [tilespmem:s21+$0x40];
	s19 =	sor.u32 $0x460, s1  }
0x295: {  	v10 =	vmul.f32 v10, v5;
	v19 =	vpop (erf);
	v5 =	vld [tilespmem:s19+$0x2180];
	v20 =	vmul.f32 v20, v22;
	s19 =	sor.u32 $0x440, s3  }
0x296: {  	s28 =	smov.u32 s9;
	s7 =	sor.u32 $0x450, s2;
	v18, _, _ =	vpop (xrf2);
	(erf) = vpow2.f32 v11;
	v22 =	vld [tilespmem:s19+$0x2180];
	s19 =	simm.s32 $0x6480  }
0x297: {  	s9 =	smov.u32 s3;
	v23 =	vld [tilespmem:s7+$0x2180];
	v18 =	vmul.f32 $1.442695020e+00, v18;
	s3 =	sor.u32 $0x440, s10;
	s10 =	simm.s32 $0x8;
	(erf) = vpow2.f32 v13;
	[tilespmem:s19+$0xFFFFFFD0] =	vst v20;
	v13, _, _ =	vpop (xrf2)  }
0x298: {  	s29 =	simm.s32 $0x6280;
	v11 =	vpop (erf);
	v16 =	vmul.f32 v16, v12;
	v12 =	vld [tilespmem:s3+$0x2180];
	[smem:$0x7D0] =	sst s10;
	v20 =	vmul.f32 $1.442695020e+00, v13  }
0x299: {  	v19 =	vadd.f32 $1.000000000e+00, v19;
	s8 =	simm.s32 $0x8;
	v21 =	vpop (erf);
	[tilespmem:s29+$0xFFFFFFE0] =	vst v10  }
0x29a: {  	s8 =	sand.u32 $0x3, s8;
	v18 =	vbroadcast v18, $0xF;
	v14 =	vmul.f32 v14, v17;
	v17 =	vadd.f32 $1.000000000e+00, v11;
	v13 =	vpop (erf);
	s10 =	sld [smem:$0x7D1]  }
0x29b: {  	s0 =	sshll.u32 s8, $0x8;
	(erf) = vrcp.f32 v19;
	v41 =	vld [tilespmem:s25+$0xFFFFFFE0];
	v11 =	vpop (erf)  }
0x29c: {  	s0 =	sadd.s32 $0x1000, s0;
	v19 =	vld [tilespmem:s13+$0x60];
	(erf) = vpow2.f32 v18;
	v18 =	vbroadcast v20, $0xF;
	v20 =	vpop (erf)  }
0x29d: {  	s13 =	sor.u32 $0x420, s18;
	v10 =	vld [tilespmem:s10+$0x70];
	s10 =	sadd.s32 $0x100, s0;
	v15 =	vmul.f32 v20, v15  }
0x29e: {  	(erf) = vrcp.f32 v17;
	v17, _, _ =	vpop (xrf2);
	s3 =	sor.u32 $0x400, s10;
	v20 =	vld [tilespmem:s13+$0x2180]  }
0x29f: {  	(xrf2) =	vadd.scan.msk.f32 $0xffff, v16;
	(erf) = vpow2.f32 v18;
	v16 =	vmul.f32 $1.442695020e+00, v17;
	v17 =	vpop (erf);
	v18 =	vld [tilespmem:s3+$0x2180];
	[tilespmem:s20+$0xA0] =	vst v15  }
0x2a0: {  	p0 =	por !p0, !p0;
	s7 =	simm.s32 $0x6680;
	(xrf2) =	vadd.scan.msk.f32 $0xffff, v14;
	v14 =	vadd.f32 $1.000000000e+00, v17;
	v15 =	vmul.f32 v21, v22;
	v22 =	vld [tilespmem:s5+$0x30];
	s5 =	simm.s32 $0x10  }
0x2a1: {  	s0 =	simm.s32 $0x1;
	s13 =	simm.s32 $0x10;
	v17 =	vpop (erf);
	v16 =	vbroadcast v16, $0xF;
	v21 =	vld [tilespmem:s23+$0xB0];
	[smem:$0x7D2] =	sst s5  }
0x2a2: {  	s30 =	simm.s32 $0x680;
	s0 =	simm.s32 @!p0 $0x0;
	v19 =	vmul.f32 v19, v41;
	v42, _, _ =	vpop (xrf2);
	s13 =	sand.u32 $0x7, s13;
	v17 =	vadd.f32 $1.000000000e+00, v17;
	(erf) = vrcp.f32 v14;
	[tilespmem:s7+$0xFFFFFF40] =	vst v15  }
0x2a3: {  	s0 =	sshll.u32 s0, $0x9;
	(erf) = vpow2.f32 v16;
	v16 =	vmul.f32 $1.442695020e+00, v42;
	s7 =	sshll.u32 s13, $0x7;
	v43 =	vld [tilespmem:s30+$0xFFFFFF50]  }
0x2a4: {  	(xrf2) =	vadd.scan.msk.f32 $0xffff, v19;
	s13 =	sadd.s32 $0x1000, s0;
	(erf) = vrcp.f32 v17;
	v17 =	vmul.f32 v40, v23;
	v15 =	vpop (erf);
	s0 =	sadd.s32 $0x1000, s7;
	v19 =	vld [tilespmem:s16+$0x50]  }
0x2a5: {  	s8 =	sor.u32 $0x420, s12;
	v15 =	vadd.f32 $1.000000000e+00, v15;
	v23 =	vpop (erf);
	s3 =	sadd.s32 $0x180, s0  }
0x2a6: {  	v14 =	vld [tilespmem:s8+$0x2180];
	v16 =	vbroadcast v16, $0xF;
	[tilespmem:s19+$0x50] =	vst v17;
	v26 =	vpop (erf);
	s30 =	sor.u32 $0x400, s3  }
0x2a7: {  	v20 =	vmul.f32 v23, v20;
	s7 =	rddreg [dreg:$0x4];
	(erf) = vrcp.f32 v15;
	v15 =	vld [tilespmem:s30+$0x2180];
	v17 =	vadd.f32 $1.000000000e+00, v26;
	v45 =	vpop (erf)  }
0x2a8: {  	v21 =	vmul.f32 v22, v21;
	v23 =	vld [tilespmem:s7+$0x60];
	(erf) = vpow2.f32 v16;
	v22 =	vpop (erf)  }
0x2a9: {  	v27, _, _ =	vpop (xrf2);
	v16 =	vld [tilespmem:s25+$0x60];
	[tilespmem:s20+$0xFFFFFF20] =	vst v20;
	(erf) = vrcp.f32 v17;
	v17 =	vadd.f32 $1.000000000e+00, v22;
	v19 =	vmul.f32 v19, v43  }
0x2aa: {  	v47 =	vmul.f32 $1.442695020e+00, v27;
	(xrf2) =	vadd.scan.msk.f32 $0xffff, v21;
	v22, _, _ =	vpop (xrf2);
	v46 =	vld [tilespmem:s23+$0xFFFFFF30]  }
0x2ab: {  	v20 =	vmul.f32 v45, v14;
	v14 =	vpop (erf);
	(erf) = vrcp.f32 v17;
	v17 =	vld [tilespmem:s22+$0x30]  }
0x2ac: {  	s16 =	sor.u32 $0x400, s13;
	v48 =	vpop (erf)  }
0x2ad: {  	v44 =	vld [tilespmem:s16+$0x2180];
	s30 =	sadd.s32 $0x80, s0;
	[tilespmem:s20+$0xFFFFFFA0] =	vst v20;
	v20 =	vmul.f32 $1.442695020e+00, v22;
	v22 =	vbroadcast v47, $0xF;
	(xrf2) =	vadd.scan.msk.f32 $0xffff, v19;
	v19 =	vpop (erf)  }
0x2ae: {  	s0 =	sor.u32 $0x400, s30;
	v15 =	vmul.f32 v19, v15  }
0x2af: {  	v28 =	vld [tilespmem:s0+$0x2180]  }
0x2b0: {  	v49 =	vadd.f32 $1.000000000e+00, v48;
	v16 =	vmul.f32 v23, v16;
	v19, _, _ =	vpop (xrf2);
	v17 =	vmul.f32 v17, v46  }
0x2b1: {  	s0 =	simm.s32 $0x6A80;
	(erf) = vpow2.f32 v22;
	v22 =	vpop (erf)  }
0x2b2: {  	v50 =	vld [tilespmem:s11+$0x30];
	(erf) = vrcp.f32 v49;
	(xrf2) =	vadd.scan.msk.f32 $0xffff, v16;
	[tilespmem:s0+$0x80] =	vst v15;
	v16 =	vmul.f32 v22, v44;
	v15 =	vpop (erf)  }
0x2b3: {  	s11 =	sor.u32 $0x440, s26;
	v23 =	vld [tilespmem:s23+$0xFFFFFFB0];
	v52 =	vpop (erf)  }
0x2b4: {  	v20 =	vbroadcast v20, $0xF;
	v29 =	vld [tilespmem:s11+$0x2180];
	(xrf2) =	vadd.scan.msk.f32 $0xffff, v17;
	[tilespmem:s0+$0xFFFFFF00] =	vst v16;
	v16 =	vmul.f32 v52, v28;
	v17, _, _ =	vpop (xrf2)  }
0x2b5: {  	v19 =	vmul.f32 $1.442695020e+00, v19;
	v22 =	vld [tilespmem:s14+$0x90];
	v51 =	vadd.f32 $1.000000000e+00, v15;
	v54 =	vpop (erf);
	v17 =	vmul.f32 $1.442695020e+00, v17  }
0x2b6: {  	s7 =	sor.u32 $0x420, s15;
	(erf) = vpow2.f32 v20;
	v20 =	vld [tilespmem:s31+$0x10];
	s11 =	sld [smem:$0x7D3];
	[tilespmem:s0+$0xFFFFFF80] =	vst v16;
	v16 =	vmul.f32 v54, v18  }
0x2b7: {  	v21 =	vld [tilespmem:s7+$0x2180];
	(erf) = vrcp.f32 v51;
	v17 =	vbroadcast v17, $0xF  }
0x2b8: {  	v19 =	vbroadcast v19, $0xF;
	v23 =	vmul.f32 v50, v23;
	v53 =	vld [tilespmem:s14+$0xFFFFFF10]  }
0x2b9: {  	v55 =	vld [tilespmem:s11+$0x10]  }
0x2ba: {  	(erf) = vpow2.f32 v19;
	v18 =	vld [tilespmem:s14+$0xFFFFFF90];
	[tilespmem:s0+$0x0] =	vst v16;
	v16 =	vpop (erf)  }
0x2bb: {  	s16 =	sor.u32 $0x450, s17;
	v19 =	vld [tilespmem:s6+$0x10];
	v20 =	vmul.f32 v20, v22;
	(erf) = vpow2.f32 v17;
	v17 =	vpop (erf)  }
0x2bc: {  	(xrf2) =	vadd.scan.msk.f32 $0xffff, v23;
	v23, _, _ =	vpop (xrf2);
	v22 =	vld [tilespmem:s16+$0x2180];
	v17 =	vmul.f32 v17, v21  }
0x2bd: {  	v4 =	vmul.f32 v6, v4;
	v6 =	vmul.f32 $1.442695020e+00, v23;
	(xrf2) =	vadd.scan.msk.f32 $0xffff, v20;
	v20 =	vadd.f32 $1.000000000e+00, v16  }
0x2be: {  	s22 =	simm.s32 $0x280;
	v24 =	vmul.f32 v55, v53;
	v21, _, _ =	vpop (xrf2)  }
0x2bf: {  	v58 =	vld [tilespmem:s22+$0xFFFFFFF0];
	v6 =	vbroadcast v6, $0xF;
	v57 =	vpop (erf)  }
0x2c0: {  	v23 =	vld [tilespmem:s14+$0x10];
	v18 =	vmul.f32 v19, v18;
	(erf) = vrcp.f32 v20;
	[tilespmem:s20+$0x20] =	vst v17;
	(xrf2) =	vadd.scan.msk.f32 $0xffff, v24;
	v17 =	vpop (erf)  }
0x2c1: {  	[tilespmem:s29+$0x60] =	vst v4;
	v56 =	vld [tilespmem:s4+$0x10];
	v21 =	vmul.f32 $1.442695020e+00, v21;
	v19 =	vadd.f32 $1.000000000e+00, v57;
	v20, _, _ =	vpop (xrf2);
	v22 =	vmul.f32 v17, v22  }
0x2c2: {  	s19 =	smov.u32 s6;
	s6 =	simm.s32 $0x6680;
	s25 =	rddreg [dreg:$0x5];
	(erf) = vpow2.f32 v6;
	v6 =	vld [tilespmem:s23+$0x30];
	v20 =	vmul.f32 $1.442695020e+00, v20  }
0x2c3: {  	s15 =	sor.u32 $0x460, s24;
	v4 =	vbroadcast v21, $0xF;
	v21 =	vld [tilespmem:s25+$0x30];
	(erf) = vrcp.f32 v19;
	[tilespmem:s6+$0xD0] =	vst v22  }
0x2c4: {  	s17 =	sor.u32 $0x460, s2;
	v15 =	vld [tilespmem:s15+$0x2180];
	s16 =	smov.u32 s2;
	(xrf2) =	vadd.scan.msk.f32 $0xffff, v18;
	v18 =	vbroadcast v20, $0xF;
	s2 =	sld [smem:$0x7D4]  }
0x2c5: {  	s5 =	simm.s32 $0x680;
	v16 =	vld [tilespmem:s17+$0x2180];
	v19 =	vpop (erf);
	(erf) = vpow2.f32 v4;
	s7 =	sld [smem:$0x7D5]  }
0x2c6: {  	v23 =	vmul.f32 v56, v23;
	v20, _, _ =	vpop (xrf2);
	v22 =	vld [tilespmem:s5+$0xE0]  }
0x2c7: {  	v13 =	vmul.f32 v13, v5;
	v4 =	vpop (erf);
	s8 =	sld [smem:$0x7D6];
	v20 =	vmul.f32 $1.442695020e+00, v20;
	v59 =	vld [tilespmem:s2+$0x60]  }
0x2c8: {  	(xrf2) =	vadd.scan.msk.f32 $0xffff, v23;
	v60 =	vadd.f32 $1.000000000e+00, v4;
	(erf) = vpow2.f32 v18;
	s25 =	sld [smem:$0x7D7];
	v6 =	vmul.f32 v21, v6;
	v18, _, _ =	vpop (xrf2);
	v23 =	vld [tilespmem:s7+$0x70];
	s7 =	simm.s32 $0x6480  }
0x2c9: {  	v17 =	vld [tilespmem:s22+$0x70];
	s6 =	sor.u32 $0x450, s9;
	v20 =	vbroadcast v20, $0xF;
	v18 =	vmul.f32 $1.442695020e+00, v18;
	[tilespmem:s7+$0xFFFFFF60] =	vst v13;
	v13 =	vadd.f32 $1.000000000e+00, v19;
	v19 =	vpop (erf)  }
0x2ca: {  	s15 =	smov.u32 s4;
	s4 =	smov.u32 s28;
	v21 =	vld [tilespmem:s6+$0x2180];
	(erf) = vrcp.f32 v60;
	s17 =	sor.u32 $0x470, s8;
	v61, _, _ =	vpop (xrf2);
	v12 =	vmul.f32 v19, v12  }
0x2cb: {  	s22 =	simm.s32 $0x480;
	s5 =	sor.u32 $0x470, s25;
	s8 =	sor.u32 $0x470, s1;
	v4 =	vld [tilespmem:s17+$0x2180];
	(erf) = vpow2.f32 v20;
	v18 =	vbroadcast v18, $0xF;
	v62 =	vpop (erf)  }
0x2cc: {  	s25 =	smov.u32 s9;
	s9 =	smov.u32 s2;
	(xrf2) =	vadd.scan.msk.f32 $0xffff, v6;
	s2 =	sld [smem:$0x7D8];
	v6 =	vld [tilespmem:s8+$0x2180];
	v25 =	vmul.f32 $1.442695020e+00, v61;
	v19 =	vpop (erf);
	v22 =	vmul.f32 v59, v22  }
0x2cd: {  	s7 =	sor.u32 $0x430, s4;
	s6 =	sld [smem:$0x7D9];
	v37 =	vld [tilespmem:s22+$0xFFFFFF70];
	s8 =	simm.s32 $0x6680;
	(erf) = vrcp.f32 v13;
	v13 =	vadd.f32 $1.000000000e+00, v62;
	v19 =	vmul.f32 v19, v29  }
0x2ce: {  	s17 =	sld [smem:$0x7DA];
	(erf) = vpow2.f32 v18;
	v18 =	vld [tilespmem:s7+$0x2180];
	[tilespmem:s8+$0xFFFFFFC0] =	vst v12;
	v12 =	vpop (erf);
	(xrf2) =	vadd.scan.msk.f32 $0xffff, v22;
	v22 =	vbroadcast v25, $0xF  }
0x2cf: {  	v36, _, _ =	vpop (xrf2);
	s22 =	simm.s32 $0x680;
	v20 =	vld [tilespmem:s2+$0x70];
	v12 =	vadd.f32 $1.000000000e+00, v12  }
0x2d0: {  	v24 =	vmul.f32 $1.442695020e+00, v36;
	(erf) = vrcp.f32 v13;
	v13 =	vld [tilespmem:s22+$0xFFFFFFD0]  }
0x2d1: {  	v38 =	vld [tilespmem:s6+$0x50];
	[tilespmem:s8+$0x40] =	vst v19;
	v19 =	vpop (erf)  }
0x2d2: {  	v5 =	vld [tilespmem:s5+$0x2180];
	s2 =	sor.u32 $0x470, s17;
	v24 =	vbroadcast v24, $0xF;
	(erf) = vpow2.f32 v22;
	v22, _, _ =	vpop (xrf2)  }
0x2d3: {  	s17 =	smov.u32 s4;
	s4 =	sor.u32 $0x430, s12;
	v63 =	vld [tilespmem:s2+$0x2180];
	(erf) = vrcp.f32 v12;
	v12 =	vpop (erf);
	v22 =	vmul.f32 $1.442695020e+00, v22  }
0x2d4: {  	v42 =	vld [tilespmem:s4+$0x2180];
	v19 =	vadd.f32 $1.000000000e+00, v19;
	v20 =	vmul.f32 v20, v37;
	v12 =	vmul.f32 v12, v18  }
0x2d5: {  	v39 =	vld [tilespmem:s22+$0x50];
	(erf) = vpow2.f32 v24;
	v22 =	vbroadcast v22, $0xF  }
0x2d6: {  	s29 =	smov.u32 s21;
	v40 =	vld [tilespmem:s21+$0x50];
	s21 =	sor.u32 $0x410, s13;
	v13 =	vmul.f32 v38, v13;
	v41 =	vpop (erf);
	(erf) = vrcp.f32 v19;
	[tilespmem:s20+$0xB0] =	vst v12  }
0x2d7: {  	v10 =	vmul.f32 v10, v58;
	s2 =	sor.u32 $0x430, s18;
	v18, _, _ =	vpop (xrf2);
	v24 =	vadd.f32 $1.000000000e+00, v41;
	(erf) = vpow2.f32 v22;
	v22 =	vld [tilespmem:s21+$0x2180];
	s21 =	sld [smem:$0x7DC]  }
0x2d8: {  	v30 =	vld [tilespmem:s2+$0x2180];
	s22 =	sor.u32 $0x410, s30;
	(xrf2) =	vadd.scan.msk.f32 $0xffff, v20;
	v20 =	vpop (erf)  }
0x2d9: {  	s1 =	sor.u32 $0x410, s10;
	v19 =	vld [tilespmem:s22+$0x2180];
	(xrf2) =	vadd.scan.msk.f32 $0xffff, v10;
	v43 =	vpop (erf);
	(erf) = vrcp.f32 v24  }
0x2da: {  	v10 =	vmul.f32 $1.442695020e+00, v18;
	v18 =	vld [tilespmem:s1+$0x2180];
	(xrf2) =	vadd.scan.msk.f32 $0xffff, v13;
	s1 =	sld [smem:$0x7DB];
	v13, _, _ =	vpop (xrf2);
	s2 =	sor.u32 $0x430, s21  }
0x2db: {  	v24 =	vadd.f32 $1.000000000e+00, v43;
	v45 =	vmul.f32 $1.442695020e+00, v13;
	v13 =	vld [tilespmem:s2+$0x2180];
	s2 =	sld [smem:$0x7DD]  }
0x2dc: {  	v12 =	vmul.f32 v40, v39;
	v44 =	vld [tilespmem:s23+$0xC0];
	v10 =	vbroadcast v10, $0xF;
	v46 =	vpop (erf)  }
0x2dd: {  	s22 =	sor.u32 $0x450, s26;
	v21 =	vmul.f32 v46, v21;
	v31 =	vld [tilespmem:s1+$0x40];
	v32 =	vpop (erf);
	(erf) = vrcp.f32 v24  }
0x2de: {  	s7 =	simm.s32 $0x6680;
	v48 =	vpop (erf);
	(erf) = vpow2.f32 v10;
	v10 =	vld [tilespmem:s22+$0x2180];
	s20 =	sor.u32 $0x450, s2  }
0x2df: {  	(xrf2) =	vadd.scan.msk.f32 $0xffff, v12;
	s4 =	smov.u32 s1;
	s1 =	sor.u32 $0x410, s3;
	v50 =	vpop (erf);
	v12 =	vld [tilespmem:s20+$0x2180];
	[smem:$0x7DE] =	sst s3  }
0x2e0: {  	v33 =	vmul.f32 v7, v8;
	v7 =	vpop (erf);
	s3 =	sor.u32 $0x460, s25;
	v51 =	vld [tilespmem:s1+$0x2180];
	[tilespmem:s7+$0xFFFFFF50] =	vst v21  }
0x2e1: {  	s8 =	simm.s32 $0x680;
	v7 =	vmul.f32 v7, v30;
	v21 =	vpop (erf);
	v8 =	vld [tilespmem:s3+$0x2180]  }
0x2e2: {  	s20 =	simm.s32 $0x6880;
	v52 =	vpop (erf);
	v54 =	vld [tilespmem:s8+$0xFFFFFF60];
	s7 =	rddreg [dreg:$0x6]  }
0x2e3: {  	s1 =	sor.u32 $0x470, s16;
	[tilespmem:s20+$0xFFFFFF30] =	vst v7;
	s8 =	sor.u32 $0x440, s18;
	v25 =	vmul.f32 v52, v42;
	v55 =	vld [tilespmem:s7+$0x60]  }
0x2e4: {  	v9 =	vmul.f32 v11, v9;
	v11 =	vld [tilespmem:s8+$0x2180];
	[dreg:$0xa] =	wrdreg s1  }
0x2e5: {  	s3 =	sor.u32 $0x440, s12;
	s7 =	sor.u32 $0x470, s24;
	[tilespmem:s20+$0xFFFFFFB0] =	vst v25  }
0x2e6: {  	s8 =	sor.u32 $0x460, s26;
	v7 =	vld [tilespmem:s3+$0x2180];
	[dreg:$0xd] =	wrdreg s7  }
0x2e7: {  	s16 =	sor.u32 $0x470, s26;
	[dreg:$0x1b] =	wrdreg s8  }
0x2e8: {  	v17 =	vmul.f32 v23, v17;
	v23 =	vmul.f32 v31, v44;
	s26 =	sor.u32 $0x470, s25;
	[dreg:$0x9] =	wrdreg s16  }
0x2e9: {  	s1 =	sor.u32 $0x460, s2;
	[dreg:$0x10] =	wrdreg s26  }
0x2ea: {  	v15 =	vmul.f32 v20, v15;
	[dreg:$0x1e] =	wrdreg s1;
	s7 =	sor.u32 $0x470, s2  }
0x2eb: {  	s28 =	simm.s32 $0x6480;
	v53, _, _ =	vpop (xrf2);
	[dreg:$0xc] =	wrdreg s7  }
0x2ec: {  	v47 =	vbroadcast v45, $0xF;
	(xrf2) =	vadd.scan.msk.f32 $0xffff, v23;
	v23, _, _ =	vpop (xrf2);
	s5 =	sld [smem:$0x7DF];
	s8 =	sor.u32 $0x450, s18;
	[tilespmem:s28+$0xFFFFFFE0] =	vst v15  }
0x2ed: {  	v57 =	vmul.f32 v48, v16;
	v16 =	vadd.f32 $1.000000000e+00, v21;
	v21 =	vmul.f32 $1.442695020e+00, v23;
	s16 =	sor.u32 $0x460, s18;
	v23 =	vld [tilespmem:s23+$0xFFFFFF40];
	[smem:$0x7E0] =	sst s8  }
0x2ee: {  	s25 =	sor.u32 $0x470, s18;
	[dreg:$0x1d] =	wrdreg s16  }
0x2ef: {  	v49 =	vadd.f32 $1.000000000e+00, v32;
	(erf) = vpow2.f32 v47;
	[dreg:$0xf] =	wrdreg s25  }
0x2f0: {  	v26 =	vmul.f32 v14, v63;
	v14 =	vadd.f32 $1.000000000e+00, v50;
	s2 =	sld [smem:$0x7E1]  }
0x2f1: {  	(erf) = vrcp.f32 v49;
	s26 =	rddreg [dreg:$0x8]  }
0x2f2: {  	s3 =	sor.u32 $0x440, s21;
	v15 =	vld [tilespmem:s26+$0x40]  }
0x2f3: {  	(xrf2) =	vadd.scan.msk.f32 $0xffff, v17;
	s7 =	sor.u32 $0x450, s21;
	v17 =	vld [tilespmem:s2+$0x70];
	[smem:$0x7E2] =	sst s3  }
0x2f4: {  	v20 =	vmul.f32 $1.442695020e+00, v53;
	(erf) = vrcp.f32 v14;
	v14 =	vpop (erf);
	s8 =	sor.u32 $0x470, s21;
	[smem:$0x7E3] =	sst s7  }
0x2f5: {  	v14 =	vmul.f32 v14, v51;
	s16 =	sor.u32 $0x460, s21;
	[dreg:$0xb] =	wrdreg s8  }
0x2f6: {  	v20 =	vbroadcast v20, $0xF;
	[dreg:$0x14] =	wrdreg s16  }
0x2f7: {  	(erf) = vrcp.f32 v16;
	v58 =	vpop (erf);
	s18 =	sor.u32 $0x450, s12;
	[tilespmem:s0+$0x90] =	vst v14  }
0x2f8: {  	v60 =	vpop (erf);
	(erf) = vpow2.f32 v20;
	v20 =	vld [tilespmem:s23+$0xFFFFFFC0];
	s23 =	sor.u32 $0x460, s12;
	[smem:$0x7E4] =	sst s18  }
0x2f9: {  	s25 =	sor.u32 $0x470, s12;
	[dreg:$0x15] =	wrdreg s23  }
0x2fa: {  	s26 =	sor.u32 $0x420, s10;
	v14 =	vpop (erf);
	[dreg:$0xe] =	wrdreg s25  }
0x2fb: {  	s2 =	sor.u32 $0x430, s10;
	v14 =	vmul.f32 v14, v22;
	v22 =	vld [tilespmem:s5+$0x40];
	[smem:$0x7E5] =	sst s26  }
0x2fc: {  	s3 =	sor.u32 $0x440, s10;
	[smem:$0x7E6] =	sst s2  }
0x2fd: {  	s7 =	sor.u32 $0x450, s10;
	v61 =	vld [tilespmem:s14+$0xA0];
	[dreg:$0x1f] =	wrdreg s3  }
0x2fe: {  	s8 =	sor.u32 $0x460, s10;
	[dreg:$0x19] =	wrdreg s7  }
0x2ff: {  	s12 =	sor.u32 $0x470, s10;
	[dreg:$0x13] =	wrdreg s8  }
0x300: {  	[dreg:$0x11] =	wrdreg s12  }
0x301: {  	s18 =	sor.u32 $0x430, s13;
	[tilespmem:s0+$0xFFFFFF10] =	vst v14  }
0x302: {  	s23 =	simm.s32 $0x6280;
	v62 =	vld [tilespmem:s31+$0x20];
	[smem:$0x7E7] =	sst s18  }
0x303: {  	s16 =	sor.u32 $0x420, s13;
	s25 =	sor.u32 $0x440, s13;
	[tilespmem:s23+$0xF0] =	vst v33  }
0x304: {  	s26 =	sor.u32 $0x450, s13;
	v14 =	vld [tilespmem:s16+$0x2180];
	[smem:$0x7E8] =	sst s25  }
0x305: {  	s12 =	smov.u32 s31;
	s31 =	sor.u32 $0x460, s13;
	[dreg:$0x1c] =	wrdreg s26  }
0x306: {  	s2 =	sor.u32 $0x470, s13;
	[dreg:$0x17] =	wrdreg s31  }
0x307: {  	s8 =	simm.s32 $0x6280;
	[dreg:$0x12] =	wrdreg s2  }
0x308: {  	[dreg:$0x7] =	wrdreg s8  }
0x309: {  	v56, _, _ =	vpop (xrf2);
	s10 =	sor.u32 $0x420, s30;
	[tilespmem:s23+$0xFFFFFF70] =	vst v9  }
0x30a: {  	v16, _, _ =	vpop (xrf2);
	s13 =	sor.u32 $0x430, s30;
	[smem:$0x7E9] =	sst s10  }
0x30b: {  	v16 =	vmul.f32 $1.442695020e+00, v16;
	s7 =	simm.s32 $0x6480;
	[smem:$0x7EA] =	sst s13  }
0x30c: {  	v29 =	vmul.f32 $1.442695020e+00, v56;
	s18 =	sor.u32 $0x450, s30;
	s16 =	simm.s32 $0x480;
	[tilespmem:s7+$0xF0] =	vst v26  }
0x30d: {  	v21 =	vbroadcast v21, $0xF;
	v63 =	vbroadcast v16, $0xF;
	s23 =	sor.u32 $0x460, s30;
	v16 =	vld [tilespmem:s16+$0xFFFFFFF0];
	[dreg:$0x1a] =	wrdreg s18  }
0x30e: {  	v28 =	vadd.f32 $1.000000000e+00, v58;
	v29 =	vbroadcast v29, $0xF;
	s26 =	sor.u32 $0x470, s30;
	v9 =	vpop (erf);
	[smem:$0x7EB] =	sst s23  }
0x30f: {  	(erf) = vpow2.f32 v21;
	v21 =	vadd.f32 $1.000000000e+00, v60;
	v9 =	vmul.f32 v9, v19;
	[dreg:$0x18] =	wrdreg s26  }
0x310: {  	(erf) = vrcp.f32 v28;
	v23 =	vmul.f32 v15, v23;
	v15, _, _ =	vpop (xrf2);
	[tilespmem:s7+$0x60] =	vst v57  }
0x311: {  	p0 =	por !p0, !p0;
	s22 =	simm.s32 $0x6680;
	(erf) = vrcp.f32 v21;
	v21 =	vmul.f32 $1.442695020e+00, v15;
	[tilespmem:s0+$0xFFFFFF90] =	vst v9  }
0x312: {  	s24 =	simm.s32 $0x680;
	v59 =	vmul.f32 v55, v54;
	s13 =	sor.u32 $0x440, s30;
	s30 =	sld [smem:$0x7EC]  }
0x313: {  	s28 =	simm.s32 $0x6A80;
	s21 =	simm.s32 $0x880;
	v21 =	vbroadcast v21, $0xF;
	s25 =	simm.s32 $0x480;
	(erf) = vpow2.f32 v29  }
0x314: {  	(xrf2) =	vadd.scan.msk.f32 $0xffff, v59;
	v15 =	vmul.f32 v22, v20;
	s31 =	simm.s32 $0xA80;
	v22 =	vpop (erf);
	(erf) = vpow2.f32 v63;
	s10 =	simm.s32 $0x10;
	s16 =	smov.u32 s11;
	v20 =	vld [tilespmem:s14+$0xFFFFFF20]  }
0x315: {  	(xrf2) =	vadd.scan.msk.f32 $0xffff, v23;
	v19 =	vld [tilespmem:s11+$0x20];
	v9 =	vmul.f32 v22, v18;
	v18 =	vmul.f32 v62, v61;
	v22, _, _ =	vpop (xrf2);
	[dreg:$0x16] =	wrdreg s31;
	s23 =	smov.u32 s30;
	s1 =	sor.u32 $0x460, s30  }
.LBB2_5:
0x316: {  	[smem:$0x7EC] =	sst s23  }
0x317: {  	[smem:$0x7B7] =	sst s7  }
0x318: {  	[smem:$0x7BD] =	sst s28  }
0x319: {  	[smem:$0x7DF] =	sst s5  }
0x31a: {  	[smem:$0x7C3] =	sst s13  }
0x31b: {  	s3 =	sld [smem:$0x7D0]  }
0x31c: {  	s2 =	simm.s32 $0x1;
	s11 =	sld [smem:$0x7C8]  }
0x31d: {  	s18 =	smov.u32 s19;
	s8 =	sld [smem:$0x7C9];
	s26 =	smov.u32 s6  }
0x31e: {  	[smem:$0x7D9] =	sst s6;
	s30 =	smov.u32 s17;
	s2 =	simm.s32 @!p0 $0x0  }
0x31f: {  	s31 =	smov.u32 s15;
	s2 =	sshll.u32 s2, $0x9;
	s3 =	sadd.s32 $0x2, s3  }
0x320: {  	s11 =	sadd.s32 $0x400, s11;
	[smem:$0x7D0] =	sst s3;
	s7 =	sand.u32 $0x3, s3  }
0x321: {  	[tilespmem:s0+$0x10] =	vst v9;
	v9 =	vmul.f32 v17, v16;
	v17 =	vld [tilespmem:s19+$0x20];
	s19 =	sadd.s32 $0x200, s8;
	s13 =	sand.u32 $0x3800, s11;
	s2 =	sadd.s32 s2, s11  }
0x322: {  	(erf) = vpow2.f32 v21;
	v21 =	vld [tilespmem:s1+$0x2180];
	[smem:$0x7C8] =	sst s11;
	s1 =	sshll.u32 s7, $0x8;
	s23 =	sadd.s32 $0x80, s19  }
0x323: {  	s8 =	sadd.s32 $0x180, s19;
	s3 =	sadd.s32 $0x2180, s13;
	s5 =	sadd.s32 $0x100, s19  }
0x324: {  	[smem:$0x7C9] =	sst s19;
	s6 =	sand.u32 $0x200, s19;
	s8 =	sand.u32 $0x380, s8  }
0x325: {  	v45 =	vld [tilespmem:s15+$0x20];
	s7 =	sand.u32 $0x280, s23;
	s15 =	sand.u32 $0x300, s5;
	s23 =	sor.u32 $0x430, s2  }
0x326: {  	s17 =	sor.u32 s6, s3;
	s28 =	sadd.s32 s8, s3;
	[smem:$0x7B9] =	sst s23  }
0x327: {  	v23 =	vpop (erf);
	s7 =	sadd.s32 s7, s3;
	s15 =	sadd.s32 s15, s3;
	s8 =	rddreg [dreg:$0x7]  }
0x328: {  	v26 =	vmul.f32 $1.442695020e+00, v22;
	v24 =	vld [tilespmem:s14+$0xFFFFFFA0];
	v16 =	vpop (erf);
	s3 =	smov.u32 s16;
	s16 =	sor.u32 $0x410, s2;
	[smem:$0x7BB] =	sst s7  }
0x329: {  	v19 =	vmul.f32 v19, v20;
	v20 =	vld [tilespmem:s14+$0x20];
	s14 =	sadd.s32 $0x200, s14;
	v25 =	vpop (erf);
	[smem:$0x7BC] =	sst s16  }
0x32a: {  	(xrf2) =	vadd.scan.msk.f32 $0xffff, v18;
	v18 =	vadd.f32 $1.000000000e+00, v16;
	v16 =	vbroadcast v26, $0xF;
	v13 =	vmul.f32 v25, v13;
	v46 =	vpop (erf);
	s1 =	sadd.s32 s11, s1;
	s23 =	sor.u32 $0x460, s2;
	[dreg:$0x7] =	wrdreg s8  }
0x32b: {  	v28 =	vmul.f32 v46, v21;
	v27 =	vld [tilespmem:s7+$0x0];
	s7 =	sadd.s32 $0x100, s1;
	s16 =	sor.u32 $0x440, s2;
	[smem:$0x7C1] =	sst s23  }
0x32c: {  	v22, _, _ =	vpop (xrf2);
	(erf) = vpow2.f32 v16;
	v16 =	vld [tilespmem:s14+$0x80];
	[tilespmem:s20+$0x30] =	vst v13;
	s1 =	sor.u32 $0x410, s7;
	[smem:$0x7C2] =	sst s16  }
0x32d: {  	s19 =	smov.u32 s22;
	v13 =	vmul.f32 $1.442695020e+00, v22;
	v22 =	vld [tilespmem:s28+$0x0];
	[tilespmem:s22+$0xE0] =	vst v28;
	s22 =	sor.u32 $0x420, s2;
	[smem:$0x7BE] =	sst s1  }
0x32e: {  	v21 =	vpop (erf);
	s13 =	sor.u32 $0x430, s7;
	[smem:$0x7C4] =	sst s22  }
0x32f: {  	v47, _, _ =	vpop (xrf2);
	v21 =	vadd.f32 $1.000000000e+00, v21;
	s16 =	sor.u32 $0x440, s30;
	[smem:$0x7BF] =	sst s13  }
0x330: {  	s6 =	sor.u32 $0x400, s2;
	v17 =	vmul.f32 v17, v24;
	v48 =	vmul.f32 $1.442695020e+00, v47;
	s22 =	sor.u32 $0x450, s7;
	v53 =	vld [tilespmem:s16+$0x2180];
	s16 =	rddreg [dreg:$0x1f]  }
0x331: {  	(xrf2) =	vadd.scan.msk.f32 $0xffff, v19;
	v19 =	vpop (erf);
	v51 =	vld [tilespmem:s15+$0x0];
	(erf) = vrcp.f32 v21;
	s1 =	smov.u32 s4;
	s4 =	smov.u32 s15;
	s15 =	rddreg [dreg:$0xa]  }
0x332: {  	v25 =	vmul.f32 v45, v20;
	v20 =	vpop (erf);
	s13 =	sor.u32 $0x450, s2;
	s2 =	sor.u32 $0x470, s2;
	(xrf2) =	vadd.scan.msk.f32 $0xffff, v17;
	v17 =	vbroadcast v48, $0xF;
	[smem:$0x7C0] =	sst s22  }
0x333: {  	v49 =	vbroadcast v13, $0xF;
	v13 =	vadd.f32 $1.000000000e+00, v19;
	v19 =	vld [tilespmem:s24+$0xF0];
	v20 =	vadd.f32 $1.000000000e+00, v20;
	[smem:$0x7B8] =	sst s2  }
0x334: {  	v21 =	vld [tilespmem:s9+$0x70];
	s22 =	smov.u32 s12;
	s2 =	sld [smem:$0x7E9];
	(erf) = vpow2.f32 v17  }
0x335: {  	s12 =	smov.u32 s28;
	s28 =	smov.u32 s31;
	s31 =	rddreg [dreg:$0xc];
	(erf) = vrcp.f32 v20  }
0x336: {  	s5 =	sor.u32 $0x400, s7;
	[smem:$0x7BA] =	sst s12  }
0x337: {  	v50 =	vld [tilespmem:s17+$0x0];
	s8 =	sor.u32 $0x440, s7;
	s12 =	sadd.s32 $0x4, s10;
	s10 =	sld [smem:$0x7E2];
	v16 =	vmul.f32 v22, v16;
	v22, _, _ =	vpop (xrf2)  }
0x338: {  	s9 =	sor.u32 $0x420, s7;
	v22 =	vmul.f32 $1.442695020e+00, v22;
	v20 =	vld [tilespmem:s5+$0x2180];
	s5 =	sld [smem:$0x7E5]  }
0x339: {  	(erf) = vrcp.f32 v13;
	v19 =	vmul.f32 v21, v19;
	v21 =	vld [tilespmem:s6+$0x2180];
	s6 =	smov.u32 s9;
	s9 =	smov.u32 s8;
	s8 =	rddreg [dreg:$0x16];
	v13 =	vpop (erf)  }
0x33a: {  	v17 =	vld [tilespmem:s14+$0xFFFFFF00];
	v22 =	vbroadcast v22, $0xF;
	[smem:$0x7E5] =	sst s6;
	v54 =	vpop (erf)  }
0x33b: {  	v29 =	vld [tilespmem:s14+$0xFFFFFF80];
	(xrf2) =	vadd.scan.msk.f32 $0xffff, v16;
	(erf) = vpow2.f32 v49;
	s6 =	rddreg [dreg:$0x5];
	v12 =	vmul.f32 v54, v12  }
0x33c: {  	v16 =	vld [tilespmem:s14+$0x0];
	v30, _, _ =	vpop (xrf2);
	[dreg:$0x1f] =	wrdreg s9  }
0x33d: {  	s9 =	rddreg [dreg:$0x1b];
	(erf) = vpow2.f32 v22;
	v22 =	vld [tilespmem:s2+$0x2180];
	v56 =	vpop (erf);
	[tilespmem:s19+$0xFFFFFFD0] =	vst v12  }
0x33e: {  	v59 =	vpop (erf);
	v63 =	vld [tilespmem:s26+$0x60];
	s26 =	sld [smem:$0x7EB]  }
0x33f: {  	v55 =	vld [tilespmem:s21+$0x40];
	v31 =	vmul.f32 v50, v17;
	s2 =	smov.u32 s16;
	s16 =	rddreg [dreg:$0x15];
	v17, _, _ =	vpop (xrf2);
	v24 =	vmul.f32 v59, v53  }
0x340: {  	v52 =	vmul.f32 $1.442695020e+00, v30;
	(xrf2) =	vadd.scan.msk.f32 $0xffff, v19;
	v19 =	vld [tilespmem:s5+$0x2180];
	[smem:$0x7E2] =	sst s2;
	v17 =	vmul.f32 $1.442695020e+00, v17  }
0x341: {  	v12 =	vld [tilespmem:s10+$0x2180];
	s10 =	rddreg [dreg:$0x1e];
	[tilespmem:s20+$0xC0] =	vst v24;
	s2 =	smov.u32 s26  }
0x342: {  	s5 =	smov.u32 s21;
	v26 =	vbroadcast v52, $0xF;
	v16 =	vmul.f32 v51, v16;
	v39 =	vld [tilespmem:s21+$0xD0];
	s21 =	smov.u32 s16;
	[dreg:$0x15] =	wrdreg s2  }
0x343: {  	s23 =	sor.u32 $0x460, s7;
	v27 =	vmul.f32 v27, v29;
	v32 =	vbroadcast v17, $0xF;
	v60 =	vpop (erf);
	[dreg:$0x1e] =	wrdreg s21  }
0x344: {  	(xrf2) =	vadd.scan.msk.f32 $0xffff, v31;
	(erf) = vpow2.f32 v26;
	v57 =	vadd.f32 $1.000000000e+00, v56;
	v17 =	vpop (erf);
	s2 =	smov.u32 s23;
	s21 =	rddreg [dreg:$0x13]  }
0x345: {  	v58 =	vld [tilespmem:s6+$0x40];
	(xrf2) =	vadd.scan.msk.f32 $0xffff, v27;
	v61, _, _ =	vpop (xrf2);
	v10 =	vmul.f32 v60, v10;
	(erf) = vpow2.f32 v32;
	v17 =	vadd.f32 $1.000000000e+00, v17;
	[dreg:$0x13] =	wrdreg s2  }
0x346: {  	v62 =	vld [tilespmem:s24+$0xFFFFFFE0];
	(xrf2) =	vadd.scan.msk.f32 $0xffff, v16;
	v16 =	vpop (erf);
	(erf) = vrcp.f32 v57;
	s2 =	smov.u32 s31;
	s31 =	rddreg [dreg:$0xb]  }
0x347: {  	[tilespmem:s19+$0x50] =	vst v10;
	(erf) = vrcp.f32 v17;
	v17 =	vld [tilespmem:s10+$0x2180];
	s10 =	rddreg [dreg:$0x14];
	s26 =	smov.u32 s21  }
0x348: {  	v42 =	vld [tilespmem:s24+$0x60];
	s21 =	smov.u32 s24;
	s24 =	smov.u32 s5;
	s5 =	rddreg [dreg:$0xe]  }
0x349: {  	[dreg:$0x14] =	wrdreg s26  }
0x34a: {  	s26 =	rddreg [dreg:$0xd]  }
0x34b: {  	v23 =	vadd.f32 $1.000000000e+00, v23;
	[dreg:$0xd] =	wrdreg s2  }
0x34c: {  	v16 =	vadd.f32 $1.000000000e+00, v16;
	s16 =	smov.u32 s10;
	s2 =	smov.u32 s31;
	s31 =	rddreg [dreg:$0x1c]  }
0x34d: {  	(erf) = vrcp.f32 v23;
	[dreg:$0x1b] =	wrdreg s16  }
0x34e: {  	s10 =	smov.u32 s14;
	(erf) = vrcp.f32 v16;
	v16 =	vld [tilespmem:s9+$0x2180];
	s9 =	rddreg [dreg:$0x4]  }
0x34f: {  	s23 =	smov.u32 s8;
	[dreg:$0x16] =	wrdreg s10  }
0x350: {  	v43 =	vld [tilespmem:s29+$0x60];
	s8 =	smov.u32 s5;
	s16 =	smov.u32 s29;
	s29 =	sld [smem:$0x7DE]  }
0x351: {  	v10 =	vld [tilespmem:s1+$0x50];
	v41, _, _ =	vpop (xrf2);
	[dreg:$0xc] =	wrdreg s8  }
0x352: {  	v28 =	vmul.f32 $1.442695020e+00, v41;
	s8 =	rddreg [dreg:$0x11]  }
0x353: {  	v33 =	vmul.f32 $1.442695020e+00, v61;
	v48 =	vld [tilespmem:s9+$0x70];
	s9 =	rddreg [dreg:$0x18]  }
0x354: {  	v23, _, _ =	vpop (xrf2);
	(xrf2) =	vadd.scan.msk.f32 $0xffff, v25;
	v44 =	vbroadcast v28, $0xF;
	[dreg:$0x4] =	wrdreg s16;
	s10 =	smov.u32 s9  }
0x355: {  	v45 =	vbroadcast v33, $0xF;
	v34 =	vmul.f32 $1.442695020e+00, v23;
	s9 =	smov.u32 s8;
	s8 =	smov.u32 s13;
	s13 =	rddreg [dreg:$0x6]  }
0x356: {  	v46 =	vpop (erf);
	v10 =	vmul.f32 v10, v39;
	(erf) = vpow2.f32 v44;
	[dreg:$0xe] =	wrdreg s10  }
0x357: {  	v47 =	vld [tilespmem:s25+$0x70];
	v23, _, _ =	vpop (xrf2);
	[dreg:$0xb] =	wrdreg s9  }
0x358: {  	v37 =	vbroadcast v34, $0xF;
	(erf) = vpow2.f32 v45;
	s25 =	sor.u32 $0x420, s29;
	(xrf2) =	vadd.scan.msk.f32 $0xffff, v10;
	v10 =	vld [tilespmem:s15+$0x2180];
	s15 =	sld [smem:$0x7D2];
	v50 =	vpop (erf)  }
0x359: {  	s7 =	sor.u32 $0x470, s7;
	v40 =	vmul.f32 v58, v55;
	v49 =	vmul.f32 $1.442695020e+00, v23;
	[dreg:$0x1c] =	wrdreg s8;
	v35 =	vld [tilespmem:s25+$0x2180];
	v53, _, _ =	vpop (xrf2)  }
0x35a: {  	v31 =	vmul.f32 v63, v62;
	v30 =	vadd.f32 $1.000000000e+00, v46;
	s10 =	smov.u32 s7;
	s7 =	rddreg [dreg:$0xf];
	v36 =	vpop (erf);
	(erf) = vpow2.f32 v37  }
0x35b: {  	v52 =	vbroadcast v49, $0xF;
	s25 =	rddreg [dreg:$0x9];
	v27 =	vmul.f32 $1.442695020e+00, v53;
	v54 =	vpop (erf)  }
0x35c: {  	[dreg:$0x11] =	wrdreg s10;
	v51 =	vadd.f32 $1.000000000e+00, v50;
	(erf) = vrcp.f32 v30;
	v55 =	vmul.f32 v36, v11;
	v56 =	vpop (erf)  }
0x35d: {  	v23 =	vld [tilespmem:s26+$0x2180];
	(xrf2) =	vadd.scan.msk.f32 $0xffff, v15;
	s10 =	sld [smem:$0x7B7];
	s26 =	smov.u32 s25;
	(erf) = vpow2.f32 v52;
	v27 =	vbroadcast v27, $0xF;
	v57 =	vpop (erf)  }
0x35e: {  	[dreg:$0xa] =	wrdreg s26;
	(erf) = vrcp.f32 v51;
	[tilespmem:s20+$0xFFFFFF40] =	vst v55;
	v58, _, _ =	vpop (xrf2);
	v15 =	vmul.f32 v57, v35  }
0x35f: {  	s16 =	smov.u32 s6;
	s26 =	rddreg [dreg:$0x8];
	s6 =	sadd.s32 $0x4, s15;
	v8 =	vmul.f32 v54, v8;
	v60 =	vld [tilespmem:s24+$0xFFFFFF50];
	v59 =	vmul.f32 $1.442695020e+00, v58;
	v11 =	vpop (erf)  }
0x360: {  	s25 =	sld [smem:$0x7E0];
	s9 =	sand.u32 $0x7, s6;
	(erf) = vpow2.f32 v27;
	(xrf2) =	vadd.scan.msk.f32 $0xffff, v40;
	v61 =	vadd.f32 $1.000000000e+00, v11;
	[tilespmem:s0+$0xA0] =	vst v15;
	v15 =	vld [tilespmem:s26+$0x50]  }
0x361: {  	[dreg:$0x9] =	wrdreg s2;
	s2 =	smov.u32 s31;
	s5 =	sshll.u32 s9, $0x7;
	v6 =	vmul.f32 v56, v6;
	v62 =	vpop (erf);
	v27 =	vbroadcast v59, $0xF;
	v63 =	vld [tilespmem:s23+$0xB0]  }
0x362: {  	[smem:$0x7E0] =	sst s2;
	s5 =	sadd.s32 s11, s5;
	[tilespmem:s19+$0xFFFFFF60] =	vst v8;
	v36 =	vadd.f32 $1.000000000e+00, v62;
	v37 =	vld [tilespmem:s22+$0x30];
	v38, _, _ =	vpop (xrf2);
	(erf) = vrcp.f32 v61  }
0x363: {  	v24 =	vmul.f32 v43, v42;
	s2 =	smov.u32 s17;
	s17 =	rddreg [dreg:$0x12];
	s8 =	sadd.s32 $0x80, s5;
	v8 =	vld [tilespmem:s25+$0x2180];
	[tilespmem:s10+$0xFFFFFF70] =	vst v6;
	v39 =	vpop (erf);
	(erf) = vpow2.f32 v27  }
0x364: {  	s5 =	sadd.s32 $0x180, s5;
	s25 =	smov.u32 s26;
	s26 =	sld [smem:$0x7EC];
	v40 =	vmul.f32 $1.442695020e+00, v38;
	v42 =	vld [tilespmem:s21+$0xFFFFFF70];
	(erf) = vrcp.f32 v36  }
0x365: {  	s15 =	rddreg [dreg:$0x10];
	v11 =	vmul.f32 v48, v47;
	(xrf2) =	vadd.scan.msk.f32 $0xffff, v31;
	v45 =	vld [tilespmem:s13+$0x70];
	s13 =	sor.u32 $0x400, s5;
	v6 =	vadd.f32 $1.000000000e+00, v39;
	v41 =	vpop (erf)  }
0x366: {  	[smem:$0x7D2] =	sst s6;
	s6 =	sor.u32 $0x460, s8;
	v51 =	vld [tilespmem:s13+$0x2180];
	v43 =	vpop (erf);
	v14 =	vmul.f32 v41, v14;
	v44 =	vbroadcast v40, $0xF  }
0x367: {  	s31 =	smov.u32 s3;
	[smem:$0x7EB] =	sst s6;
	v47, _, _ =	vpop (xrf2);
	s3 =	sor.u32 $0x470, s26;
	v31 =	vadd.f32 $1.000000000e+00, v43;
	(erf) = vrcp.f32 v6;
	v15 =	vmul.f32 v15, v60;
	v6 =	vld [tilespmem:s15+$0x2180]  }
0x368: {  	s9 =	smov.u32 s7;
	s6 =	sld [smem:$0x7E7];
	v46 =	vpop (erf);
	v48 =	vld [tilespmem:s3+$0x2180];
	[tilespmem:s0+$0xFFFFFF20] =	vst v14;
	v14 =	vmul.f32 v37, v63;
	(erf) = vpow2.f32 v44  }
0x369: {  	s11 =	sor.u32 $0x400, s8;
	s26 =	smov.u32 s17;
	s17 =	sld [smem:$0x7B8];
	v49 =	vpop (erf);
	v22 =	vmul.f32 v46, v22;
	(erf) = vrcp.f32 v31;
	v50 =	vld [tilespmem:s23+$0xFFFFFF30]  }
0x36a: {  	s7 =	sor.u32 $0x410, s8;
	s13 =	sor.u32 $0x450, s8;
	[dreg:$0xf] =	wrdreg s26;
	v29 =	vadd.f32 $1.000000000e+00, v49;
	v52, _, _ =	vpop (xrf2);
	v53 =	vld [tilespmem:s31+$0x30];
	(xrf2) =	vadd.scan.msk.f32 $0xffff, v14;
	(erf) = vrcp.f32 v18  }
0x36b: {  	s15 =	sor.u32 $0x420, s8;
	s3 =	smov.u32 s5;
	s5 =	sld [smem:$0x7EA];
	v14 =	vmul.f32 $1.442695020e+00, v47;
	v18 =	vld [tilespmem:s11+$0x2180];
	[tilespmem:s0+$0xFFFFFFA0] =	vst v22;
	v55 =	vpop (erf)  }
0x36c: {  	[smem:$0x7E9] =	sst s15;
	s15 =	sor.u32 $0x430, s8;
	s26 =	smov.u32 s17;
	(erf) = vrcp.f32 v29;
	v56 =	vld [tilespmem:s23+$0xFFFFFFB0];
	v57 =	vpop (erf)  }
0x36d: {  	s17 =	sld [smem:$0x7B9];
	s11 =	sor.u32 $0x440, s8;
	s8 =	sor.u32 $0x470, s8;
	(xrf2) =	vadd.scan.msk.f32 $0xffff, v15;
	v59 =	vld [tilespmem:s18+$0x30];
	v14 =	vbroadcast v14, $0xF;
	v58 =	vmul.f32 v55, v48;
	v15 =	vpop (erf)  }
0x36e: {  	v54 =	vmul.f32 $1.442695020e+00, v52;
	[dreg:$0x18] =	wrdreg s8;
	v60 =	vmul.f32 v15, v51;
	v15 =	vld [tilespmem:s6+$0x2180];
	s6 =	smov.u32 s15  }
0x36f: {  	v22 =	vmul.f32 v45, v42;
	s0 =	sadd.s32 $0x200, s0;
	v61, _, _ =	vpop (xrf2);
	v32 =	vadd.f32 $1.000000000e+00, v57;
	(erf) = vpow2.f32 v14;
	[tilespmem:s19+$0xF0] =	vst v58;
	[smem:$0x7EA] =	sst s6  }
0x370: {  	s8 =	smov.u32 s30;
	v27 =	vbroadcast v54, $0xF;
	v14 =	vld [tilespmem:s5+$0x2180];
	v25 =	vmul.f32 $1.442695020e+00, v61;
	v62 =	vpop (erf);
	s6 =	sld [smem:$0x7BA];
	[tilespmem:s0+$0x80] =	vst v60  }
0x371: {  	[dreg:$0x12] =	wrdreg s26;
	s26 =	smov.u32 s17;
	s17 =	sor.u32 $0x450, s8;
	(xrf2) =	vadd.scan.msk.f32 $0xffff, v24;
	(erf) = vrcp.f32 v32;
	v21 =	vmul.f32 v62, v21;
	v36 =	vpop (erf);
	v37 =	vld [tilespmem:s14+$0x90]  }
0x372: {  	v63 =	vmul.f32 v53, v50;
	v25 =	vbroadcast v25, $0xF;
	v38 =	vpop (erf);
	v26 =	vadd.f32 $1.000000000e+00, v36;
	v49 =	vld [tilespmem:s17+$0x2180]  }
0x373: {  	s15 =	sld [smem:$0x7BC];
	v39 =	vmul.f32 v59, v56;
	(erf) = vpow2.f32 v27;
	[tilespmem:s0+$0xFFFFFF00] =	vst v21;
	v21 =	vld [tilespmem:s6+$0x10];
	v40 =	vpop (erf)  }
0x374: {  	v13 =	vadd.f32 $1.000000000e+00, v13;
	[smem:$0x7E7] =	sst s26;
	v31 =	vmul.f32 v38, v18;
	v41 =	vld [tilespmem:s14+$0xFFFFFF10];
	v42, _, _ =	vpop (xrf2);
	(erf) = vrcp.f32 v26  }
0x375: {  	s26 =	sld [smem:$0x7BB];
	(xrf2) =	vadd.scan.msk.f32 $0xffff, v63;
	v43 =	vmul.f32 v40, v4;
	v4 =	vmov v23;
	v23 =	vld [tilespmem:s2+$0x10];
	v18 =	vpop (erf);
	v24 =	vmul.f32 $1.442695020e+00, v42  }
0x376: {  	s5 =	rddreg [dreg:$0x7];
	[tilespmem:s0+$0xFFFFFF80] =	vst v31;
	v18 =	vmul.f32 v18, v20;
	(erf) = vpow2.f32 v25;
	v20 =	vld [tilespmem:s15+$0x2180]  }
0x377: {  	(xrf2) =	vadd.scan.msk.f32 $0xffff, v39;
	v46, _, _ =	vpop (xrf2);
	v44 =	vld [tilespmem:s14+$0xFFFFFF90];
	[tilespmem:s5+$0xFFFFFFF0] =	vst v43;
	(erf) = vrcp.f32 v13  }
0x378: {  	v45 =	vld [tilespmem:s26+$0x10];
	v24 =	vbroadcast v24, $0xF;
	[tilespmem:s0+$0x0] =	vst v18;
	v13 =	vmul.f32 v21, v37;
	v21 =	vpop (erf)  }
0x379: {  	v47 =	vmul.f32 $1.442695020e+00, v46;
	v50 =	vld [tilespmem:s14+$0x10];
	v21 =	vadd.f32 $1.000000000e+00, v21  }
0x37a: {  	s15 =	smov.u32 s4;
	v51 =	vld [tilespmem:s4+$0x10];
	s4 =	sld [smem:$0x7BD];
	v48 =	vpop (erf);
	(erf) = vpow2.f32 v24;
	v23 =	vmul.f32 v23, v41;
	(xrf2) =	vadd.scan.msk.f32 $0xffff, v13  }
0x37b: {  	v52 =	vbroadcast v47, $0xF;
	v13 =	vmul.f32 v48, v19;
	v19, _, _ =	vpop (xrf2)  }
0x37c: {  	v18 =	vpop (erf);
	v53 =	vmul.f32 $1.442695020e+00, v19;
	(erf) = vrcp.f32 v21;
	(xrf2) =	vadd.scan.msk.f32 $0xffff, v23  }
0x37d: {  	v25 =	vmul.f32 v45, v44;
	[tilespmem:s4+$0x20] =	vst v13;
	v13 =	vadd.f32 $1.000000000e+00, v18;
	(erf) = vpow2.f32 v52;
	v21 =	vpop (erf)  }
0x37e: {  	v23 =	vbroadcast v53, $0xF;
	v56 =	vmul.f32 v21, v49  }
0x37f: {  	v55, _, _ =	vpop (xrf2);
	v54 =	vld [tilespmem:s23+$0x30];
	v26 =	vmul.f32 v51, v50;
	(erf) = vrcp.f32 v13  }
0x380: {  	v57 =	vmul.f32 $1.442695020e+00, v55;
	v58 =	vld [tilespmem:s28+$0x30];
	v59 =	vpop (erf);
	(xrf2) =	vadd.scan.msk.f32 $0xffff, v25;
	(erf) = vpow2.f32 v23;
	[tilespmem:s20+$0xD0] =	vst v56  }
0x381: {  	[dreg:$0x10] =	wrdreg s9;
	s9 =	smov.u32 s1;
	v60, _, _ =	vpop (xrf2);
	(xrf2) =	vadd.scan.msk.f32 $0xffff, v26;
	v61 =	vld [tilespmem:s24+$0xE0]  }
0x382: {  	v21 =	vpop (erf);
	v23 =	vbroadcast v57, $0xF;
	v24 =	vmul.f32 $1.442695020e+00, v60;
	v31 =	vld [tilespmem:s9+$0x60]  }
0x383: {  	v19 =	vld [tilespmem:s7+$0x2180];
	s7 =	sld [smem:$0x7BE];
	v63 =	vmul.f32 v21, v5;
	v36 =	vpop (erf)  }
0x384: {  	s17 =	sld [smem:$0x7E6];
	v38 =	vbroadcast v24, $0xF;
	(erf) = vpow2.f32 v23;
	v37 =	vadd.f32 $1.000000000e+00, v36;
	v21, _, _ =	vpop (xrf2)  }
0x385: {  	v5 =	vmov v10;
	v39 =	vmul.f32 v58, v54;
	v10 =	vpop (erf);
	v21 =	vmul.f32 $1.442695020e+00, v21  }
0x386: {  	s30 =	smov.u32 s29;
	v18 =	vld [tilespmem:s7+$0x2180];
	v62 =	vadd.f32 $1.000000000e+00, v59;
	(erf) = vrcp.f32 v37;
	v40 =	vmul.f32 v10, v7;
	v10 =	vpop (erf)  }
0x387: {  	v13 =	vld [tilespmem:s17+$0x2180];
	[tilespmem:s5+$0x70] =	vst v63;
	s5 =	sor.u32 $0x430, s30;
	(xrf2) =	vadd.scan.msk.f32 $0xffff, v39;
	v23, _, _ =	vpop (xrf2);
	(erf) = vpow2.f32 v38;
	v25 =	vmul.f32 v31, v61  }
0x388: {  	v43 =	vld [tilespmem:s5+$0x2180];
	s5 =	sld [smem:$0x7DF];
	v23 =	vmul.f32 $1.442695020e+00, v23;
	v21 =	vbroadcast v21, $0xF;
	v7 =	vpop (erf)  }
0x389: {  	s7 =	smov.u32 s19;
	s19 =	smov.u32 s20;
	(erf) = vrcp.f32 v62;
	v41 =	vmul.f32 v7, v12;
	v12 =	vpop (erf)  }
0x38a: {  	v10 =	vadd.f32 $1.000000000e+00, v10;
	[tilespmem:s19+$0xFFFFFFC0] =	vst v40;
	(xrf2) =	vadd.scan.msk.f32 $0xffff, v25;
	v42, _, _ =	vpop (xrf2);
	(erf) = vpow2.f32 v21  }
0x38b: {  	v23 =	vbroadcast v23, $0xF;
	v26 =	vld [tilespmem:s5+$0x50];
	v44 =	vmul.f32 $1.442695020e+00, v42;
	v45, _, _ =	vpop (xrf2)  }
0x38c: {  	v21 =	vld [tilespmem:s24+$0xFFFFFFD0];
	v12 =	vadd.f32 $1.000000000e+00, v12;
	(xrf2) =	vadd.scan.msk.f32 $0xffff, v22;
	(erf) = vrcp.f32 v10;
	v22 =	vmul.f32 $1.442695020e+00, v45  }
0x38d: {  	s1 =	sld [smem:$0x7BF];
	[tilespmem:s19+$0x40] =	vst v41;
	(erf) = vpow2.f32 v23;
	v7 =	vpop (erf);
	v10 =	vbroadcast v44, $0xF  }
0x38e: {  	[dreg:$0x5] =	wrdreg s28;
	v23 =	vld [tilespmem:s24+$0x50];
	v46 =	vadd.f32 $1.000000000e+00, v7;
	(erf) = vrcp.f32 v12  }
0x38f: {  	[dreg:$0x8] =	wrdreg s31;
	v27 =	vld [tilespmem:s16+$0x50];
	v49 =	vbroadcast v22, $0xF;
	v47 =	vpop (erf);
	(erf) = vpow2.f32 v10  }
0x390: {  	[dreg:$0x6] =	wrdreg s25;
	s17 =	smov.u32 s1;
	v24 =	vmul.f32 v47, v43;
	v48 =	vpop (erf);
	(erf) = vrcp.f32 v46  }
0x391: {  	p1 =	slt.u32 s12, $0x3C;
	[smem:$0x7E6] =	sst s17;
	s20 =	smov.u32 s4;
	v7, _, _ =	vpop (xrf2);
	v50 =	vmul.f32 v26, v21;
	v25 =	vadd.f32 $1.000000000e+00, v48  }
0x392: {  	s17 =	smov.u32 s10;
	s10 =	smov.u32 s12;
	s12 =	sld [smem:$0x7E4];
	v7 =	vmul.f32 $1.442695020e+00, v7;
	v21 =	vpop (erf);
	(erf) = vpow2.f32 v49;
	[tilespmem:s20+$0xB0] =	vst v24  }
0x393: {  	[dreg:$0x7] =	wrdreg s17;
	(xrf2) =	vadd.scan.msk.f32 $0xffff, v9;
	v22 =	vpop (erf);
	v24 =	vld [tilespmem:s23+$0xC0];
	(erf) = vrcp.f32 v25  }
0x394: {  	s29 =	smov.u32 s16;
	s16 =	rddreg [dreg:$0x1a];
	v23 =	vmul.f32 v27, v23;
	(xrf2) =	vadd.scan.msk.f32 $0xffff, v50;
	v7 =	vbroadcast v7, $0xF;
	v51 =	vld [tilespmem:s22+$0x40];
	v9, _, _ =	vpop (xrf2);
	v22 =	vadd.f32 $1.000000000e+00, v22  }
0x395: {  	v12 =	vld [tilespmem:s12+$0x2180];
	s12 =	smov.u32 s13;
	s13 =	sld [smem:$0x7E3];
	v17 =	vmul.f32 v21, v17;
	v52 =	vmul.f32 $1.442695020e+00, v9;
	v53 =	vpop (erf)  }
0x396: {  	s17 =	smov.u32 s30;
	s30 =	smov.u32 s16;
	s16 =	rddreg [dreg:$0x19];
	(xrf2) =	vadd.scan.msk.f32 $0xffff, v23;
	v21 =	vpop (erf);
	v8 =	vmul.f32 v53, v8;
	(erf) = vrcp.f32 v22  }
0x397: {  	[smem:$0x7E4] =	sst s30;
	v9 =	vpop (erf);
	(erf) = vpow2.f32 v7;
	v7 =	vbroadcast v52, $0xF  }
0x398: {  	[dreg:$0x1a] =	wrdreg s12;
	v10 =	vld [tilespmem:s13+$0x2180];
	v21 =	vadd.f32 $1.000000000e+00, v21;
	[tilespmem:s19+$0xFFFFFF50] =	vst v8;
	v8 =	vmul.f32 v9, v16;
	v16 =	vpop (erf)  }
0x399: {  	s30 =	smov.u32 s16;
	s12 =	sld [smem:$0x7C0];
	v24 =	vmul.f32 v51, v24;
	v23 =	vld [tilespmem:s24+$0xFFFFFF60];
	(erf) = vpow2.f32 v7;
	v54 =	vadd.f32 $1.000000000e+00, v16;
	v16 =	vpop (erf)  }
0x39a: {  	s16 =	sor.u32 $0x410, s3;
	[smem:$0x7E3] =	sst s30;
	[tilespmem:s7+$0xFFFFFFE0] =	vst v17;
	v9, _, _ =	vpop (xrf2);
	v17 =	vld [tilespmem:s25+$0x60];
	(erf) = vrcp.f32 v21;
	v15 =	vmul.f32 v16, v15  }
0x39b: {  	s4 =	smov.u32 s22;
	s22 =	smov.u32 s19;
	s19 =	rddreg [dreg:$0x1d];
	[tilespmem:s7+$0x60] =	vst v8;
	v21 =	vld [tilespmem:s16+$0x2180];
	(xrf2) =	vadd.scan.msk.f32 $0xffff, v24;
	v22 =	vpop (erf)  }
0x39c: {  	s13 =	smov.u32 s12;
	s12 =	sld [smem:$0x7C1];
	v9 =	vmul.f32 $1.442695020e+00, v9;
	v8 =	vld [tilespmem:s19+$0x2180];
	[tilespmem:s20+$0xFFFFFF30] =	vst v15;
	v7 =	vpop (erf)  }
0x39d: {  	s19 =	sld [smem:$0x7C2];
	v16, _, _ =	vpop (xrf2);
	v56 =	vadd.f32 $1.000000000e+00, v22;
	(erf) = vrcp.f32 v54;
	v15 =	vld [tilespmem:s23+$0xFFFFFF40];
	v57 =	vmul.f32 v7, v14  }
0x39e: {  	s25 =	rddreg [dreg:$0x17];
	v9 =	vbroadcast v9, $0xF;
	v55 =	vmul.f32 $1.442695020e+00, v16;
	v14, _, _ =	vpop (xrf2);
	v58 =	vld [tilespmem:s31+$0x40]  }
0x39f: {  	s30 =	smov.u32 s25;
	s16 =	sld [smem:$0x7E8];
	v16 =	vld [tilespmem:s21+$0xFFFFFFF0];
	(erf) = vrcp.f32 v56;
	(xrf2) =	vadd.scan.msk.f32 $0xffff, v11;
	v17 =	vmul.f32 v17, v23;
	v22 =	vpop (erf);
	[tilespmem:s20+$0xFFFFFFB0] =	vst v57  }
0x3a0: {  	s25 =	smov.u32 s21;
	[dreg:$0x1d] =	wrdreg s30;
	s21 =	smov.u32 s19;
	v14 =	vmul.f32 $1.442695020e+00, v14;
	v23, _, _ =	vpop (xrf2);
	v21 =	vmul.f32 v22, v21;
	v22 =	vld [tilespmem:s23+$0xFFFFFFC0]  }
0x3a1: {  	v24 =	vbroadcast v55, $0xF;
	[smem:$0x7E8] =	sst s21;
	v7 =	vpop (erf);
	(erf) = vpow2.f32 v9;
	v9 =	vld [tilespmem:s18+$0x40]  }
0x3a2: {  	v11 =	vld [tilespmem:s16+$0x2180];
	s21 =	smov.u32 s23;
	v14 =	vbroadcast v14, $0xF;
	s23 =	sld [smem:$0x7C3];
	v7 =	vadd.f32 $1.000000000e+00, v7;
	[tilespmem:s0+$0x90] =	vst v21;
	v21 =	vmul.f32 $1.442695020e+00, v23;
	v23 =	vpop (erf)  }
0x3a3: {  	s30 =	sld [smem:$0x7D9];
	(erf) = vpow2.f32 v24;
	v15 =	vmul.f32 v58, v15;
	v59 =	vld [tilespmem:s14+$0xA0];
	v60 =	vpop (erf);
	v23 =	vadd.f32 $1.000000000e+00, v23  }
0x3a4: {  	[smem:$0x7DE] =	sst s3;
	(xrf2) =	vadd.scan.msk.f32 $0xffff, v17;
	(erf) = vrcp.f32 v7;
	v61 =	vld [tilespmem:s6+$0x20];
	v17 =	vmul.f32 v60, v20  }
.Ltmp1:
0x3a5: {  	p0 =	por !p0, !p0;
	[dreg:$0x19] =	wrdreg s13;
	v7 =	vld [tilespmem:s23+$0x2180];
	v20, _, _ =	vpop (xrf2);
	v62 =	vbroadcast v21, $0xF;
	(erf) = vrcp.f32 v23;
	(pc) =	sbr.rel @p1 .LBB2_5-.Ltmp1, $4  }
0x3a6: {  	s28 =	smov.u32 s0;
	s13 =	smov.u32 s12;
	s31 =	sld [smem:$0x7C4];
	(xrf2) =	vadd.scan.msk.f32 $0xffff, v15;
	v23 =	vmul.f32 $1.442695020e+00, v20;
	v15 =	vmul.f32 v9, v22;
	[tilespmem:s0+$0xFFFFFF10] =	vst v17;
	v21 =	vpop (erf);
	v17 =	vld [tilespmem:s30+$0x70]  }
0x3a7: {  	s1 =	sor.u32 $0x460, s8;
	s12 =	smov.u32 s6;
	[dreg:$0x17] =	wrdreg s13;
	(erf) = vpow2.f32 v14;
	v20 =	vld [tilespmem:s14+$0xFFFFFF20];
	v63 =	vmul.f32 v21, v19  }
0x3a8: {  	s13 =	smov.u32 s11;
	s19 =	smov.u32 s26;
	s16 =	smov.u32 s2;
	v19 =	vld [tilespmem:s2+$0x20];
	v9 =	vpop (erf);
	v21 =	vbroadcast v23, $0xF;
	(erf) = vpow2.f32 v62  }
0x3a9: {  	s6 =	smov.u32 s5;
	s5 =	smov.u32 s18;
	s23 =	smov.u32 s8;
	v14 =	vld [tilespmem:s31+$0x2180];
	v22, _, _ =	vpop (xrf2);
	v9 =	vmul.f32 v9, v18;
	v18 =	vmul.f32 v61, v59;
	[tilespmem:s0+$0xFFFFFF90] =	vst v63  }
0x3aa: {  	(erf) = vpow2.f32 v21;
	v24 =	vld [tilespmem:s14+$0xFFFFFFA0]  }
0x3ab: {  	v63 =	vpop (erf);
	v25 =	vld [tilespmem:s19+$0x20]  }
0x3ac: {  	v23 =	vld [tilespmem:s1+$0x2180];
	v22 =	vmul.f32 $1.442695020e+00, v22;
	(xrf2) =	vadd.scan.msk.f32 $0xffff, v18;
	v18 =	vpop (erf)  }
0x3ad: {  	v26 =	vpop (erf)  }
0x3ae: {  	v22 =	vbroadcast v22, $0xF;
	v27, _, _ =	vpop (xrf2)  }
0x3af: {  	v19 =	vmul.f32 v19, v20;
	v28 =	vpop (erf)  }
0x3b0: {  	(erf) = vpow2.f32 v22;
	v36 =	vmul.f32 v25, v24;
	v34, _, _ =	vpop (xrf2)  }
0x3b1: {  	v33 =	vmul.f32 v28, v23;
	(xrf2) =	vadd.scan.msk.f32 $0xffff, v19;
	v32 =	vpop (erf);
	v23 =	vmul.f32 $1.442695020e+00, v34  }
0x3b2: {  	v35 =	vadd.f32 $1.000000000e+00, v32;
	v38 =	vpop (erf);
	(xrf2) =	vadd.scan.msk.f32 $0xffff, v36  }
0x3b3: {  	[tilespmem:s22+$0xE0] =	vst v33;
	v40 =	vbroadcast v23, $0xF;
	v41 =	vpop (erf)  }
0x3b4: {  	v37 =	vmul.f32 $1.442695020e+00, v27;
	v39 =	vld [tilespmem:s9+$0x70];
	(erf) = vrcp.f32 v35;
	v20 =	vadd.f32 $1.000000000e+00, v41  }
0x3b5: {  	v42 =	vld [tilespmem:s24+$0xF0];
	v22 =	vadd.f32 $1.000000000e+00, v38;
	(erf) = vpow2.f32 v40  }
0x3b6: {  	v24 =	vbroadcast v37, $0xF;
	(erf) = vrcp.f32 v20  }
0x3b7: {  	v43, _, _ =	vpop (xrf2);
	(erf) = vrcp.f32 v22  }
0x3b8: {  	v44 =	vmul.f32 $1.442695020e+00, v43;
	(erf) = vpow2.f32 v24;
	_ =	sdelay $0x1  }
0x3b9: {  	s11 =	sor.u32 $0x440, s17;
	v46 =	vmul.f32 v39, v42;
	v19 =	vpop (erf);
	v45 =	vbroadcast v44, $0xF  }
0x3ba: {  	v47 =	vld [tilespmem:s11+$0x2180];
	v48, _, _ =	vpop (xrf2)  }
0x3bb: {  	(xrf2) =	vadd.scan.msk.f32 $0xffff, v46;
	(erf) = vpow2.f32 v45;
	v50, _, _ =	vpop (xrf2)  }
0x3bc: {  	v23 =	vmul.f32 $1.442695020e+00, v48;
	v49 =	vpop (erf)  }
0x3bd: {  	v51 =	vmul.f32 $1.442695020e+00, v50;
	v52 =	vpop (erf)  }
0x3be: {  	[tilespmem:s0+$0x10] =	vst v9;
	v23 =	vbroadcast v23, $0xF;
	v54 =	vpop (erf)  }
0x3bf: {  	v53 =	vld [tilespmem:s14+$0x20];
	v9 =	vbroadcast v51, $0xF;
	v20 =	vmul.f32 v54, v47;
	v56 =	vpop (erf)  }
0x3c0: {  	v55 =	vld [tilespmem:s15+$0x20];
	(erf) = vpow2.f32 v23;
	v58 =	vpop (erf)  }
0x3c1: {  	(erf) = vpow2.f32 v9;
	[tilespmem:s20+$0xC0] =	vst v20  }
0x3c2: {  	v57 =	vadd.f32 $1.000000000e+00, v52;
	v62 =	vld [tilespmem:s21+$0xD0]  }
0x3c3: {  	v60 =	vadd.f32 $1.000000000e+00, v63;
	v59 =	vadd.f32 $1.000000000e+00, v58;
	v63 =	vld [tilespmem:s4+$0x50]  }
0x3c4: {  	v61 =	vpop (erf);
	(erf) = vrcp.f32 v57  }
0x3c5: {  	v28 =	vmul.f32 v55, v53;
	v29, _, _ =	vpop (xrf2);
	v21 =	vadd.f32 $1.000000000e+00, v61;
	(erf) = vrcp.f32 v59  }
0x3c6: {  	v30 =	vmul.f32 $1.442695020e+00, v29;
	(erf) = vrcp.f32 v60  }
0x3c7: {  	v13 =	vmul.f32 v26, v13;
	(erf) = vrcp.f32 v21  }
0x3c8: {  	(xrf2) =	vadd.scan.msk.f32 $0xffff, v28;
	s2 =	sld [smem:$0x7DE];
	v31 =	vbroadcast v30, $0xF;
	v32 =	vmul.f32 v63, v62;
	_ =	sdelay $0x1  }
0x3c9: {  	[tilespmem:s20+$0x30] =	vst v13;
	v33 =	vpop (erf);
	(erf) = vpow2.f32 v31;
	(xrf2) =	vadd.scan.msk.f32 $0xffff, v32  }
0x3ca: {  	v13 =	vld [tilespmem:s21+$0x40];
	s18 =	sor.u32 $0x420, s2  }
0x3cb: {  	s1 =	rddreg [dreg:$0x5];
	v34 =	vld [tilespmem:s18+$0x2180];
	v36 =	vpop (erf)  }
0x3cc: {  	v35 =	vmul.f32 v49, v12;
	v38 =	vld [tilespmem:s1+$0x40];
	v37 =	vpop (erf)  }
0x3cd: {  	v21 =	vadd.f32 $1.000000000e+00, v33;
	v24 =	vpop (erf)  }
0x3ce: {  	[tilespmem:s22+$0xFFFFFFD0] =	vst v35;
	v9 =	vpop (erf)  }
0x3cf: {  	v39 =	vld [tilespmem:s24+$0xFFFFFFE0];
	(erf) = vrcp.f32 v21;
	v41 =	vpop (erf)  }
0x3d0: {  	v40 =	vld [tilespmem:s6+$0x60];
	v23 =	vmul.f32 v41, v34  }
0x3d1: {  	v13 =	vmul.f32 v38, v13;
	v12 =	vadd.f32 $1.000000000e+00, v36;
	v42, _, _ =	vpop (xrf2);
	(xrf2) =	vadd.scan.msk.f32 $0xffff, v15  }
0x3d2: {  	v43 =	vmul.f32 $1.442695020e+00, v42;
	v44 =	vpop (erf);
	[tilespmem:s0+$0xA0] =	vst v23  }
0x3d3: {  	v11 =	vmul.f32 v37, v11;
	(xrf2) =	vadd.scan.msk.f32 $0xffff, v13;
	(erf) = vrcp.f32 v12;
	v47 =	vadd.f32 $1.000000000e+00, v44;
	s9 =	rddreg [dreg:$0x16];
	v48 =	vld [tilespmem:s12+$0x30];
	v49, _, _ =	vpop (xrf2)  }
0x3d4: {  	v12 =	vbroadcast v43, $0xF;
	v45 =	vld [tilespmem:s9+$0xB0];
	v50 =	vmul.f32 $1.442695020e+00, v49  }
0x3d5: {  	v46 =	vmul.f32 v40, v39;
	[tilespmem:s20+$0xFFFFFF40] =	vst v11;
	(erf) = vrcp.f32 v47  }
0x3d6: {  	v11 =	vld [tilespmem:s21+$0xFFFFFF50];
	s31 =	rddreg [dreg:$0x8];
	(erf) = vpow2.f32 v12;
	v51 =	vbroadcast v50, $0xF  }
0x3d7: {  	v52 =	vld [tilespmem:s31+$0x50]  }
0x3d8: {  	v10 =	vmul.f32 v56, v10;
	(xrf2) =	vadd.scan.msk.f32 $0xffff, v46;
	v54 =	vpop (erf);
	(erf) = vpow2.f32 v51  }
0x3d9: {  	s10 =	sld [smem:$0x7E9];
	v15 =	vmul.f32 v48, v45  }
0x3da: {  	[tilespmem:s22+$0x50] =	vst v10;
	v10 =	vmul.f32 v54, v14  }
0x3db: {  	v55 =	vld [tilespmem:s24+$0x60];
	v58, _, _ =	vpop (xrf2);
	(xrf2) =	vadd.scan.msk.f32 $0xffff, v15  }
0x3dc: {  	v53 =	vld [tilespmem:s10+$0x2180];
	v57 =	vpop (erf);
	v11 =	vmul.f32 v52, v11  }
0x3dd: {  	v56 =	vld [tilespmem:s29+$0x60];
	v60 =	vmul.f32 $1.442695020e+00, v58;
	v61, _, _ =	vpop (xrf2);
	[tilespmem:s0+$0xFFFFFF20] =	vst v10  }
0x3de: {  	v18 =	vadd.f32 $1.000000000e+00, v18;
	v22 =	vmul.f32 $1.442695020e+00, v61;
	v59 =	vld [tilespmem:s9+$0xFFFFFF30];
	(xrf2) =	vadd.scan.msk.f32 $0xffff, v11;
	v10 =	vpop (erf)  }
0x3df: {  	v21 =	vbroadcast v60, $0xF;
	v62 =	vld [tilespmem:s16+$0x30];
	v63 =	vpop (erf)  }
0x3e0: {  	(erf) = vrcp.f32 v18;
	v28 =	vbroadcast v22, $0xF;
	v27 =	vadd.f32 $1.000000000e+00, v63  }
0x3e1: {  	v26 =	vmul.f32 v57, v53;
	(erf) = vpow2.f32 v21;
	v31 =	vpop (erf)  }
0x3e2: {  	v29, _, _ =	vpop (xrf2);
	v25 =	vmul.f32 v56, v55;
	(erf) = vrcp.f32 v27;
	v11 =	vadd.f32 $1.000000000e+00, v31  }
0x3e3: {  	v30 =	vmul.f32 $1.442695020e+00, v29;
	[tilespmem:s0+$0xFFFFFFA0] =	vst v26;
	(erf) = vpow2.f32 v28  }
0x3e4: {  	v32 =	vld [tilespmem:s9+$0xFFFFFFB0];
	v13 =	vmul.f32 v62, v59;
	(erf) = vrcp.f32 v11  }
0x3e5: {  	(xrf2) =	vadd.scan.msk.f32 $0xffff, v25;
	v33 =	vld [tilespmem:s19+$0x30];
	v34, _, _ =	vpop (xrf2)  }
0x3e6: {  	v12 =	vbroadcast v30, $0xF;
	s0 =	sld [smem:$0x7E5];
	(xrf2) =	vadd.scan.msk.f32 $0xffff, v13;
	v35 =	vmul.f32 $1.442695020e+00, v34  }
0x3e7: {  	s26 =	sor.u32 $0x450, s17;
	v36 =	vadd.f32 $1.000000000e+00, v19  }
0x3e8: {  	v41 =	vld [tilespmem:s26+$0x2180];
	(erf) = vpow2.f32 v12;
	v40, _, _ =	vpop (xrf2);
	v37 =	vbroadcast v35, $0xF  }
0x3e9: {  	v38 =	vld [tilespmem:s0+$0x2180];
	v11 =	vpop (erf);
	(erf) = vrcp.f32 v36  }
0x3ea: {  	v39 =	vmul.f32 v33, v32;
	v42 =	vpop (erf);
	(erf) = vpow2.f32 v37  }
0x3eb: {  	v43 =	vpop (erf)  }
0x3ec: {  	(xrf2) =	vadd.scan.msk.f32 $0xffff, v39;
	v45 =	vpop (erf)  }
0x3ed: {  	v14 =	vmul.f32 $1.442695020e+00, v40;
	v46 =	vpop (erf)  }
0x3ee: {  	v13 =	vmul.f32 v43, v38;
	v12 =	vmul.f32 v46, v41  }
0x3ef: {  	v44, _, _ =	vpop (xrf2);
	v18 =	vadd.f32 $1.000000000e+00, v42  }
0x3f0: {  	v19 =	vmul.f32 $1.442695020e+00, v44;
	v14 =	vbroadcast v14, $0xF;
	[tilespmem:s28+$0x20] =	vst v13;
	v47, _, _ =	vpop (xrf2)  }
0x3f1: {  	(erf) = vrcp.f32 v18;
	v15 =	vadd.f32 $1.000000000e+00, v45;
	v48 =	vld [tilespmem:s9+$0x30];
	v49 =	vpop (erf);
	v13 =	vmul.f32 $1.442695020e+00, v47  }
0x3f2: {  	v50 =	vbroadcast v19, $0xF;
	(erf) = vpow2.f32 v14;
	v51 =	vld [tilespmem:s15+$0x30];
	[tilespmem:s20+$0xD0] =	vst v12;
	v12 =	vpop (erf)  }
0x3f3: {  	(erf) = vrcp.f32 v15;
	v13 =	vbroadcast v13, $0xF;
	v52 =	vld [tilespmem:s21+$0xE0];
	v53 =	vpop (erf)  }
0x3f4: {  	(erf) = vpow2.f32 v50;
	v54 =	vld [tilespmem:s4+$0x60];
	v21 =	vadd.f32 $1.000000000e+00, v53  }
0x3f5: {  	v8 =	vmul.f32 v24, v8;
	(erf) = vpow2.f32 v13  }
0x3f6: {  	v55, _, _ =	vpop (xrf2);
	s30 =	sld [smem:$0x7E2];
	(erf) = vrcp.f32 v21  }
0x3f7: {  	[tilespmem:s22+$0xFFFFFF60] =	vst v8;
	v18 =	vmul.f32 v51, v48;
	v13 =	vmul.f32 $1.442695020e+00, v55  }
0x3f8: {  	v63 =	vld [tilespmem:s24+$0xFFFFFF70]  }
0x3f9: {  	s3 =	rddreg [dreg:$0x6];
	v56 =	vld [tilespmem:s30+$0x2180];
	(xrf2) =	vadd.scan.msk.f32 $0xffff, v18;
	v57 =	vbroadcast v13, $0xF;
	v58 =	vmul.f32 v54, v52  }
0x3fa: {  	s8 =	sor.u32 $0x430, s2;
	v59 =	vld [tilespmem:s3+$0x70];
	v60 =	vpop (erf)  }
0x3fb: {  	v61 =	vld [tilespmem:s8+$0x2180];
	v20 =	vadd.f32 $1.000000000e+00, v49;
	v62 =	vpop (erf);
	v7 =	vmul.f32 v60, v7;
	(erf) = vpow2.f32 v57;
	(xrf2) =	vadd.scan.msk.f32 $0xffff, v58  }
0x3fc: {  	v24 =	vpop (erf);
	v8 =	vadd.f32 $1.000000000e+00, v62  }
0x3fd: {  	s10 =	sld [smem:$0x7E0];
	v25 =	vpop (erf);
	[tilespmem:s20+$0xFFFFFFC0] =	vst v7;
	(erf) = vrcp.f32 v20  }
0x3fe: {  	v28 =	vadd.f32 $1.000000000e+00, v25;
	v30 =	vld [tilespmem:s21+$0xFFFFFFD0];
	v27 =	vmul.f32 v24, v56;
	(erf) = vrcp.f32 v8;
	v29 =	vpop (erf)  }
0x3ff: {  	v33 =	vld [tilespmem:s5+$0x50];
	v13 =	vmul.f32 v59, v63;
	v31 =	vadd.f32 $1.000000000e+00, v29;
	v32 =	vpop (erf)  }
0x400: {  	v26 =	vld [tilespmem:s10+$0x2180];
	[tilespmem:s20+$0x40] =	vst v27;
	(erf) = vrcp.f32 v28;
	v34 =	vmul.f32 v32, v61  }
0x401: {  	v36 =	vmul.f32 v17, v16;
	v35 =	vld [tilespmem:s21+$0x50];
	(erf) = vrcp.f32 v31  }
0x402: {  	(xrf2) =	vadd.scan.msk.f32 $0xffff, v13;
	v37 =	vld [tilespmem:s1+$0x50];
	[tilespmem:s28+$0xB0] =	vst v34  }
0x403: {  	(xrf2) =	vadd.scan.msk.f32 $0xffff, v36;
	v38, _, _ =	vpop (xrf2);
	v39 =	vld [tilespmem:s9+$0xC0];
	s11 =	sld [smem:$0x7E7]  }
0x404: {  	v43 =	vmul.f32 v33, v30;
	v7 =	vmul.f32 $1.442695020e+00, v38;
	v40 =	vpop (erf);
	v41 =	vld [tilespmem:s12+$0x40]  }
0x405: {  	v42 =	vadd.f32 $1.000000000e+00, v40;
	v44, _, _ =	vpop (xrf2)  }
0x406: {  	(xrf2) =	vadd.scan.msk.f32 $0xffff, v43;
	v7 =	vbroadcast v7, $0xF;
	v14 =	vpop (erf);
	v46 =	vmul.f32 $1.442695020e+00, v44;
	v45 =	vld [tilespmem:s11+$0x2180]  }
0x407: {  	v16 =	vmul.f32 v37, v35;
	v48 =	vpop (erf);
	(erf) = vrcp.f32 v42  }
0x408: {  	v51 =	vmul.f32 v48, v26;
	v49 =	vbroadcast v46, $0xF  }
0x409: {  	v47 =	vld [tilespmem:s25+$0x70];
	s14 =	rddreg [dreg:$0x4];
	(erf) = vpow2.f32 v7;
	v15 =	vpop (erf);
	v8 =	vmul.f32 v41, v39  }
0x40a: {  	(xrf2) =	vadd.scan.msk.f32 $0xffff, v16;
	v50 =	vld [tilespmem:s14+$0x70];
	[tilespmem:s20+$0xFFFFFF50] =	vst v51;
	(erf) = vpow2.f32 v49;
	v52 =	vpop (erf)  }
0x40b: {  	v53 =	vld [tilespmem:s21+$0xFFFFFF60];
	(xrf2) =	vadd.scan.msk.f32 $0xffff, v8;
	v7 =	vmul.f32 v52, v45  }
0x40c: {  	v54, _, _ =	vpop (xrf2);
	v55 =	vld [tilespmem:s31+$0x60]  }
0x40d: {  	v13 =	vmul.f32 $1.442695020e+00, v54;
	v57, _, _ =	vpop (xrf2);
	[tilespmem:s28+$0xFFFFFF30] =	vst v7  }
0x40e: {  	v17 =	vmul.f32 $1.442695020e+00, v57;
	v58 =	vld [tilespmem:s9+$0xFFFFFF40]  }
0x40f: {  	v13 =	vbroadcast v13, $0xF;
	v56 =	vmul.f32 v50, v47;
	v59 =	vld [tilespmem:s16+$0x40]  }
0x410: {  	v61 =	vbroadcast v17, $0xF;
	v63, _, _ =	vpop (xrf2)  }
0x411: {  	(erf) = vpow2.f32 v13;
	(xrf2) =	vadd.scan.msk.f32 $0xffff, v56;
	v8 =	vmul.f32 v55, v53;
	v60 =	vpop (erf)  }
0x412: {  	v24 =	vmul.f32 $1.442695020e+00, v63;
	v62 =	vpop (erf)  }
0x413: {  	(erf) = vpow2.f32 v61;
	(xrf2) =	vadd.scan.msk.f32 $0xffff, v8;
	v23 =	vadd.f32 $1.000000000e+00, v62;
	v25 =	vpop (erf)  }
0x414: {  	v13 =	vbroadcast v24, $0xF;
	v26, _, _ =	vpop (xrf2);
	v27 =	vadd.f32 $1.000000000e+00, v25;
	v28 =	vmul.f32 v59, v58  }
0x415: {  	v7 =	vmul.f32 $1.442695020e+00, v26;
	(erf) = vrcp.f32 v23;
	v29, _, _ =	vpop (xrf2)  }
0x416: {  	(erf) = vrcp.f32 v27;
	v30 =	vmul.f32 $1.442695020e+00, v29;
	(xrf2) =	vadd.scan.msk.f32 $0xffff, v28  }
0x417: {  	v7 =	vbroadcast v7, $0xF  }
0x418: {  	(erf) = vpow2.f32 v13;
	v31 =	vbroadcast v30, $0xF  }
0x419: {  	(erf) = vpow2.f32 v7  }
0x41a: {  	v33 =	vpop (erf);
	(erf) = vpow2.f32 v31  }
0x41b: {  	s18 =	sor.u32 $0x460, s17;
	v32, _, _ =	vpop (xrf2)  }
0x41c: {  	v35 =	vld [tilespmem:s18+$0x2180];
	v13 =	vpop (erf)  }
0x41d: {  	v36, _, _ =	vpop (xrf2)  }
0x41e: {  	v7 =	vmul.f32 $1.442695020e+00, v32;
	v34 =	vpop (erf)  }
0x41f: {  	v37 =	vpop (erf)  }
0x420: {  	v7 =	vbroadcast v7, $0xF;
	v38, _, _ =	vpop (xrf2)  }
0x421: {  	v39 =	vpop (erf);
	v17 =	vmul.f32 v37, v35;
	v21 =	vmul.f32 $1.442695020e+00, v38  }
0x422: {  	v40 =	vadd.f32 $1.000000000e+00, v39;
	v41 =	vpop (erf)  }
0x423: {  	(erf) = vpow2.f32 v7;
	[tilespmem:s20+$0xE0] =	vst v17;
	v42 =	vbroadcast v21, $0xF;
	v43 =	vpop (erf)  }
0x424: {  	(erf) = vrcp.f32 v40;
	v17 =	vld [tilespmem:s4+$0x70];
	v44 =	vadd.f32 $1.000000000e+00, v43  }
0x425: {  	v45 =	vld [tilespmem:s21+$0xF0];
	(erf) = vpow2.f32 v42  }
0x426: {  	(erf) = vrcp.f32 v44;
	_ =	sdelay $0x3  }
0x427: {  	s25 =	sor.u32 $0x440, s2;
	v18 =	vmul.f32 $1.442695020e+00, v36;
	v47 =	vadd.f32 $1.000000000e+00, v41;
	v7 =	vmul.f32 v17, v45  }
0x428: {  	v46 =	vld [tilespmem:s25+$0x2180]  }
0x429: {  	v18 =	vbroadcast v18, $0xF;
	v22 =	vpop (erf);
	(erf) = vrcp.f32 v47;
	(xrf2) =	vadd.scan.msk.f32 $0xffff, v7  }
0x42a: {  	v48 =	vpop (erf)  }
0x42b: {  	(erf) = vpow2.f32 v18;
	v49 =	vpop (erf)  }
0x42c: {  	s26 =	sld [smem:$0x7EA];
	v50 =	vpop (erf)  }
0x42d: {  	v18 =	vmul.f32 v50, v46;
	_ =	sdelay $0x1  }
0x42e: {  	v51 =	vld [tilespmem:s26+$0x2180];
	[tilespmem:s28+$0xC0] =	vst v18  }
0x42f: {  	v18 =	vld [tilespmem:s9+$0xD0];
	s30 =	sld [smem:$0x7E6]  }
0x430: {  	v52 =	vld [tilespmem:s12+$0x50]  }
0x431: {  	v54 =	vpop (erf)  }
0x432: {  	v57, _, _ =	vpop (xrf2);
	v53 =	vld [tilespmem:s30+$0x2180]  }
0x433: {  	v7 =	vadd.f32 $1.000000000e+00, v49;
	v55 =	vpop (erf)  }
0x434: {  	v19 =	vmul.f32 v60, v51;
	v20 =	vmul.f32 $1.442695020e+00, v57;
	v56 =	vadd.f32 $1.000000000e+00, v55  }
0x435: {  	v8 =	vadd.f32 $1.000000000e+00, v33;
	(erf) = vrcp.f32 v7;
	v18 =	vmul.f32 v52, v18  }
0x436: {  	[tilespmem:s28+$0xFFFFFFB0] =	vst v19;
	v58 =	vbroadcast v20, $0xF;
	(erf) = vrcp.f32 v56  }
0x437: {  	v59 =	vld [tilespmem:s9+$0xFFFFFFC0];
	(erf) = vrcp.f32 v8;
	(xrf2) =	vadd.scan.msk.f32 $0xffff, v18;
	v16 =	vmul.f32 v34, v53  }
0x438: {  	v60 =	vld [tilespmem:s19+$0x40]  }
0x439: {  	(erf) = vpow2.f32 v58;
	[tilespmem:s28+$0x30] =	vst v16  }
0x43a: {  	v61 =	vld [tilespmem:s9+$0x40]  }
0x43b: {  	v16 =	vld [tilespmem:s15+$0x40]  }
0x43c: {  	s3 =	sld [smem:$0x7E4]  }
0x43d: {  	v8 =	vmul.f32 v60, v59  }
0x43e: {  	v63 =	vpop (erf)  }
0x43f: {  	(xrf2) =	vadd.scan.msk.f32 $0xffff, v8;
	v25 =	vpop (erf);
	v62 =	vld [tilespmem:s3+$0x2180]  }
0x440: {  	s4 =	sld [smem:$0x7E8];
	v7 =	vpop (erf);
	v16 =	vmul.f32 v16, v61  }
0x441: {  	v26, _, _ =	vpop (xrf2)  }
0x442: {  	v27 =	vpop (erf);
	(xrf2) =	vadd.scan.msk.f32 $0xffff, v16;
	v8 =	vmul.f32 $1.442695020e+00, v26  }
0x443: {  	v28 =	vld [tilespmem:s4+$0x2180];
	v19 =	vadd.f32 $1.000000000e+00, v27  }
0x444: {  	v17 =	vmul.f32 v48, v62;
	v8 =	vbroadcast v8, $0xF  }
0x445: {  	(erf) = vrcp.f32 v19  }
0x446: {  	[tilespmem:s20+$0xFFFFFFD0] =	vst v17;
	(erf) = vpow2.f32 v8  }
0x447: {  	v17 =	vld [tilespmem:s21+$0xFFFFFFE0];
	s8 =	sld [smem:$0x7E3]  }
0x448: {  	v30 =	vmul.f32 v63, v28;
	v29 =	vld [tilespmem:s5+$0x60]  }
0x449: {  	v34, _, _ =	vpop (xrf2)  }
0x44a: {  	v13 =	vadd.f32 $1.000000000e+00, v13;
	v19 =	vmul.f32 $1.442695020e+00, v34;
	[tilespmem:s28+$0xFFFFFF40] =	vst v30;
	v31 =	vld [tilespmem:s8+$0x2180]  }
0x44b: {  	v33 =	vld [tilespmem:s9+$0xFFFFFF50]  }
0x44c: {  	v19 =	vbroadcast v19, $0xF;
	v35 =	vld [tilespmem:s16+$0x50];
	(erf) = vrcp.f32 v13;
	v36, _, _ =	vpop (xrf2)  }
0x44d: {  	v32 =	vmul.f32 v29, v17;
	v21 =	vmul.f32 $1.442695020e+00, v36  }
0x44e: {  	(erf) = vpow2.f32 v19;
	v8 =	vpop (erf)  }
0x44f: {  	(xrf2) =	vadd.scan.msk.f32 $0xffff, v32;
	v16 =	vmul.f32 v54, v31;
	v37 =	vbroadcast v21, $0xF;
	v38 =	vpop (erf)  }
0x450: {  	v39 =	vadd.f32 $1.000000000e+00, v38  }
0x451: {  	v40 =	vmul.f32 v35, v33;
	[tilespmem:s20+$0x50] =	vst v16;
	(erf) = vpow2.f32 v37  }
0x452: {  	v41 =	vld [tilespmem:s21+$0x60];
	(erf) = vrcp.f32 v39  }
0x453: {  	(xrf2) =	vadd.scan.msk.f32 $0xffff, v40;
	v42 =	vld [tilespmem:s1+$0x60];
	_ =	sdelay $0x2  }
0x454: {  	s10 =	sor.u32 $0x450, s2  }
0x455: {  	v43 =	vld [tilespmem:s10+$0x2180];
	v13 =	vpop (erf)  }
0x456: {  	v45 =	vpop (erf);
	v17 =	vmul.f32 v42, v41  }
0x457: {  	v44, _, _ =	vpop (xrf2)  }
0x458: {  	(xrf2) =	vadd.scan.msk.f32 $0xffff, v17;
	v19 =	vmul.f32 $1.442695020e+00, v44;
	v46 =	vpop (erf)  }
0x459: {  	v47 =	vpop (erf)  }
0x45a: {  	v19 =	vbroadcast v19, $0xF;
	v16 =	vmul.f32 v47, v43  }
0x45b: {  	v22 =	vadd.f32 $1.000000000e+00, v22;
	s11 =	rddreg [dreg:$0x1e];
	v48, _, _ =	vpop (xrf2)  }
0x45c: {  	v49 =	vld [tilespmem:s11+$0x2180];
	v50 =	vadd.f32 $1.000000000e+00, v45;
	v21 =	vmul.f32 $1.442695020e+00, v48;
	(erf) = vpow2.f32 v19;
	[tilespmem:s28+$0xD0] =	vst v16  }
0x45d: {  	(erf) = vrcp.f32 v22;
	v51 =	vld [tilespmem:s9+$0xE0]  }
0x45e: {  	v52 =	vbroadcast v21, $0xF;
	(erf) = vrcp.f32 v50;
	v53 =	vld [tilespmem:s12+$0x60]  }
0x45f: {  	v17 =	vadd.f32 $1.000000000e+00, v46;
	s14 =	rddreg [dreg:$0x1d]  }
0x460: {  	(erf) = vpow2.f32 v52;
	v54 =	vld [tilespmem:s14+$0x2180]  }
0x461: {  	(erf) = vrcp.f32 v17  }
0x462: {  	v14 =	vmul.f32 v14, v49;
	v55, _, _ =	vpop (xrf2)  }
0x463: {  	v57 =	vld [tilespmem:s13+$0x2180];
	v16 =	vmul.f32 $1.442695020e+00, v55;
	v56 =	vmul.f32 v53, v51  }
0x464: {  	[tilespmem:s22+$0xFFFFFFE0] =	vst v14  }
0x465: {  	s18 =	rddreg [dreg:$0x1f];
	v58 =	vmul.f32 v25, v54;
	v16 =	vbroadcast v16, $0xF;
	v61 =	vpop (erf);
	(xrf2) =	vadd.scan.msk.f32 $0xffff, v56  }
0x466: {  	v60 =	vld [tilespmem:s18+$0x2180];
	v14 =	vpop (erf)  }
0x467: {  	v59 =	vld [tilespmem:s6+$0x70];
	[tilespmem:s20+$0xFFFFFF60] =	vst v58;
	(erf) = vpow2.f32 v16;
	v28 =	vpop (erf)  }
0x468: {  	v62 =	vld [tilespmem:s31+$0x70];
	v19 =	vmul.f32 v28, v57  }
0x469: {  	v63 =	vld [tilespmem:s21+$0xFFFFFF70];
	v30 =	vpop (erf)  }
0x46a: {  	v29 =	vld [tilespmem:s24+$0xFFFFFFF0];
	s25 =	rddreg [dreg:$0x1b];
	v31 =	vpop (erf);
	[tilespmem:s28+$0xFFFFFFC0] =	vst v19  }
0x46b: {  	v17 =	vmul.f32 v31, v60;
	v34 =	vld [tilespmem:s9+$0xFFFFFFD0]  }
0x46c: {  	v36 =	vld [tilespmem:s19+$0x50]  }
0x46d: {  	v33 =	vadd.f32 $1.000000000e+00, v61;
	v32 =	vld [tilespmem:s25+$0x2180];
	[tilespmem:s28+$0x40] =	vst v17  }
0x46e: {  	v35 =	vadd.f32 $1.000000000e+00, v30;
	v16 =	vmul.f32 v62, v63;
	v38 =	vld [tilespmem:s9+$0x50]  }
0x46f: {  	v37 =	vmul.f32 v59, v29;
	(erf) = vrcp.f32 v33;
	v39 =	vld [tilespmem:s15+$0x50];
	v40, _, _ =	vpop (xrf2)  }
0x470: {  	(erf) = vrcp.f32 v35;
	(xrf2) =	vadd.scan.msk.f32 $0xffff, v16;
	v41 =	vpop (erf)  }
0x471: {  	(xrf2) =	vadd.scan.msk.f32 $0xffff, v37;
	v20 =	vmul.f32 v36, v34;
	v16 =	vmul.f32 $1.442695020e+00, v40;
	v42 =	vadd.f32 $1.000000000e+00, v41  }
0x472: {  	v15 =	vmul.f32 v15, v32  }
0x473: {  	(xrf2) =	vadd.scan.msk.f32 $0xffff, v20;
	v16 =	vbroadcast v16, $0xF;
	(erf) = vrcp.f32 v42  }
0x474: {  	[tilespmem:s22+$0x60] =	vst v15;
	v43 =	vmul.f32 v39, v38  }
0x475: {  	v15 =	vld [tilespmem:s24+$0x70];
	(erf) = vpow2.f32 v16  }
0x476: {  	v44 =	vld [tilespmem:s29+$0x70];
	s26 =	rddreg [dreg:$0x1c];
	(xrf2) =	vadd.scan.msk.f32 $0xffff, v43  }
0x477: {  	v45 =	vld [tilespmem:s26+$0x2180]  }
0x478: {  	v17 =	vpop (erf)  }
0x479: {  	v46 =	vpop (erf)  }
0x47a: {  	v47, _, _ =	vpop (xrf2)  }
0x47b: {  	v15 =	vmul.f32 v44, v15;
	v48 =	vmul.f32 $1.442695020e+00, v47;
	v49, _, _ =	vpop (xrf2)  }
0x47c: {  	v18 =	vmul.f32 v46, v45;
	v50 =	vmul.f32 $1.442695020e+00, v49;
	v20 =	vpop (erf)  }
0x47d: {  	(xrf2) =	vadd.scan.msk.f32 $0xffff, v15;
	v16 =	vbroadcast v48, $0xF;
	v54, _, _ =	vpop (xrf2)  }
0x47e: {  	[tilespmem:s28+$0xFFFFFF50] =	vst v18;
	v51 =	vbroadcast v50, $0xF;
	v21 =	vmul.f32 $1.442695020e+00, v54;
	v52 =	vpop (erf)  }
0x47f: {  	v53 =	vld [tilespmem:s9+$0xFFFFFF60];
	(erf) = vpow2.f32 v16;
	v55 =	vadd.f32 $1.000000000e+00, v52  }
0x480: {  	v56 =	vld [tilespmem:s16+$0x60];
	v57, _, _ =	vpop (xrf2);
	(erf) = vpow2.f32 v51;
	v58 =	vbroadcast v21, $0xF  }
0x481: {  	v15 =	vmul.f32 $1.442695020e+00, v57;
	(erf) = vrcp.f32 v55  }
0x482: {  	(erf) = vpow2.f32 v58  }
0x483: {  	v15 =	vbroadcast v15, $0xF;
	_ =	sdelay $0x1  }
0x484: {  	s29 =	sor.u32 $0x460, s2;
	v59 =	vmul.f32 v56, v53;
	(erf) = vpow2.f32 v15  }
0x485: {  	v60 =	vld [tilespmem:s29+$0x2180]  }
0x486: {  	(xrf2) =	vadd.scan.msk.f32 $0xffff, v59;
	v61, _, _ =	vpop (xrf2)  }
0x487: {  	v62 =	vpop (erf)  }
0x488: {  	v15 =	vmul.f32 $1.442695020e+00, v61;
	v63 =	vpop (erf)  }
0x489: {  	v25 =	vpop (erf)  }
0x48a: {  	v15 =	vbroadcast v15, $0xF;
	v18 =	vmul.f32 v25, v60;
	v26 =	vpop (erf)  }
0x48b: {  	v21 =	vadd.f32 $1.000000000e+00, v26  }
0x48c: {  	(erf) = vpow2.f32 v15;
	[tilespmem:s28+$0xE0] =	vst v18  }
0x48d: {  	v27 =	vpop (erf);
	v18 =	vld [tilespmem:s12+$0x70];
	(erf) = vrcp.f32 v21  }
0x48e: {  	v15 =	vadd.f32 $1.000000000e+00, v27;
	v28 =	vld [tilespmem:s9+$0xF0];
	_ =	sdelay $0x1  }
0x48f: {  	v29, _, _ =	vpop (xrf2);
	(erf) = vrcp.f32 v15  }
0x490: {  	v21 =	vmul.f32 $1.442695020e+00, v29;
	s30 =	rddreg [dreg:$0x1a]  }
0x491: {  	v31 =	vld [tilespmem:s30+$0x2180]  }
0x492: {  	v30 =	vbroadcast v21, $0xF;
	v18 =	vmul.f32 v18, v28  }
0x493: {  	s31 =	rddreg [dreg:$0x19]  }
0x494: {  	v32 =	vld [tilespmem:s31+$0x2180];
	v33 =	vpop (erf);
	(erf) = vpow2.f32 v30;
	(xrf2) =	vadd.scan.msk.f32 $0xffff, v18  }
0x495: {  	v34 =	vpop (erf)  }
0x496: {  	v21 =	vmul.f32 v34, v31;
	_ =	sdelay $0x1  }
0x497: {  	v35 =	vpop (erf);
	[tilespmem:s28+$0xFFFFFFD0] =	vst v21  }
0x498: {  	v15 =	vmul.f32 v35, v32;
	v21 =	vld [tilespmem:s9+$0xFFFFFFE0]  }
0x499: {  	v36 =	vld [tilespmem:s19+$0x60]  }
0x49a: {  	[tilespmem:s28+$0x50] =	vst v15  }
0x49b: {  	v38 =	vld [tilespmem:s9+$0x60]  }
0x49c: {  	v37 =	vpop (erf);
	v40 =	vld [tilespmem:s15+$0x60]  }
0x49d: {  	v15 =	vadd.f32 $1.000000000e+00, v37;
	v39, _, _ =	vpop (xrf2)  }
0x49e: {  	v16 =	vadd.f32 $1.000000000e+00, v62;
	v24 =	vmul.f32 $1.442695020e+00, v39;
	v21 =	vmul.f32 v36, v21  }
0x49f: {  	(erf) = vrcp.f32 v15  }
0x4a0: {  	(erf) = vrcp.f32 v16;
	v41 =	vbroadcast v24, $0xF;
	(xrf2) =	vadd.scan.msk.f32 $0xffff, v21  }
0x4a1: {  	v42 =	vmul.f32 v40, v38  }
0x4a2: {  	(erf) = vpow2.f32 v41  }
0x4a3: {  	(xrf2) =	vadd.scan.msk.f32 $0xffff, v42;
	_ =	sdelay $0x4  }
0x4a4: {  	v43 =	vpop (erf)  }
0x4a5: {  	v15 =	vpop (erf)  }
0x4a6: {  	v45, _, _ =	vpop (xrf2)  }
0x4a7: {  	v44 =	vpop (erf);
	v22 =	vmul.f32 $1.442695020e+00, v45  }
0x4a8: {  	v21 =	vadd.f32 $1.000000000e+00, v44  }
0x4a9: {  	v19 =	vadd.f32 $1.000000000e+00, v63;
	s4 =	rddreg [dreg:$0x17];
	v46, _, _ =	vpop (xrf2);
	v22 =	vbroadcast v22, $0xF  }
0x4aa: {  	s3 =	rddreg [dreg:$0x15];
	v48 =	vld [tilespmem:s4+$0x2180];
	(erf) = vrcp.f32 v21;
	v21 =	vmul.f32 $1.442695020e+00, v46  }
0x4ab: {  	v18 =	vadd.f32 $1.000000000e+00, v33;
	v47 =	vld [tilespmem:s3+$0x2180];
	(erf) = vrcp.f32 v19  }
0x4ac: {  	(erf) = vpow2.f32 v22;
	v21 =	vbroadcast v21, $0xF  }
0x4ad: {  	(erf) = vrcp.f32 v18  }
0x4ae: {  	s6 =	rddreg [dreg:$0x14];
	(erf) = vpow2.f32 v21  }
0x4af: {  	v49 =	vld [tilespmem:s6+$0x2180];
	v16 =	vmul.f32 v43, v48  }
0x4b0: {  	v17 =	vmul.f32 v17, v47;
	_ =	sdelay $0x1  }
0x4b1: {  	[tilespmem:s20+$0xFFFFFFE0] =	vst v17  }
0x4b2: {  	v17 =	vld [tilespmem:s5+$0x70];
	[tilespmem:s28+$0xFFFFFF60] =	vst v16;
	v16 =	vpop (erf)  }
0x4b3: {  	v50 =	vld [tilespmem:s16+$0x70];
	v18 =	vmul.f32 v20, v49;
	v20 =	vpop (erf)  }
0x4b4: {  	v51 =	vld [tilespmem:s9+$0xFFFFFF70];
	v22 =	vpop (erf)  }
0x4b5: {  	v52 =	vld [tilespmem:s21+$0xFFFFFFF0];
	[tilespmem:s20+$0x60] =	vst v18;
	v23 =	vpop (erf);
	v22 =	vadd.f32 $1.000000000e+00, v22  }
0x4b6: {  	v53 =	vld [tilespmem:s21+$0x70];
	v54 =	vpop (erf)  }
0x4b7: {  	v55 =	vld [tilespmem:s1+$0x70];
	(erf) = vrcp.f32 v22;
	v56 =	vadd.f32 $1.000000000e+00, v54;
	_ =	sdelay $0x1  }
0x4b8: {  	v19 =	vmul.f32 v50, v51;
	s8 =	sld [smem:$0x7EB];
	(erf) = vrcp.f32 v56;
	_ =	sdelay $0x1  }
0x4b9: {  	v17 =	vmul.f32 v17, v52;
	(xrf2) =	vadd.scan.msk.f32 $0xffff, v19  }
0x4ba: {  	v57 =	vld [tilespmem:s8+$0x2180];
	v58 =	vmul.f32 v55, v53  }
0x4bb: {  	(xrf2) =	vadd.scan.msk.f32 $0xffff, v17;
	s10 =	rddreg [dreg:$0x13]  }
0x4bc: {  	v59 =	vld [tilespmem:s10+$0x2180];
	(xrf2) =	vadd.scan.msk.f32 $0xffff, v58;
	_ =	sdelay $0x1  }
0x4bd: {  	v60 =	vpop (erf)  }
0x4be: {  	v18 =	vmul.f32 v60, v57  }
0x4bf: {  	v61 =	vpop (erf)  }
0x4c0: {  	v17 =	vmul.f32 v61, v59;
	[tilespmem:s28+$0xFFFFFFE0] =	vst v18  }
0x4c1: {  	v18 =	vld [tilespmem:s19+$0x70]  }
0x4c2: {  	v62, _, _ =	vpop (xrf2);
	v63 =	vld [tilespmem:s9+$0xFFFFFFF0];
	[tilespmem:s28+$0x60] =	vst v17  }
0x4c3: {  	v19 =	vmul.f32 $1.442695020e+00, v62;
	v28 =	vld [tilespmem:s9+$0x70]  }
0x4c4: {  	v30, _, _ =	vpop (xrf2);
	v29 =	vld [tilespmem:s15+$0x70]  }
0x4c5: {  	v24 =	vmul.f32 $1.442695020e+00, v30;
	v19 =	vbroadcast v19, $0xF;
	v31, _, _ =	vpop (xrf2)  }
0x4c6: {  	v25 =	vmul.f32 $1.442695020e+00, v31  }
0x4c7: {  	v24 =	vbroadcast v24, $0xF;
	(erf) = vpow2.f32 v19  }
0x4c8: {  	v32 =	vbroadcast v25, $0xF;
	v17 =	vmul.f32 v18, v63  }
0x4c9: {  	(erf) = vpow2.f32 v24;
	v33 =	vmul.f32 v29, v28  }
0x4ca: {  	(erf) = vpow2.f32 v32;
	(xrf2) =	vadd.scan.msk.f32 $0xffff, v17  }
0x4cb: {  	(xrf2) =	vadd.scan.msk.f32 $0xffff, v33;
	_ =	sdelay $0x5  }
0x4cc: {  	v34 =	vpop (erf)  }
0x4cd: {  	v35 =	vpop (erf)  }
0x4ce: {  	v36 =	vpop (erf)  }
0x4cf: {  	v17 =	vadd.f32 $1.000000000e+00, v34;
	v37, _, _ =	vpop (xrf2)  }
0x4d0: {  	v18 =	vadd.f32 $1.000000000e+00, v35;
	v21 =	vmul.f32 $1.442695020e+00, v37;
	v38, _, _ =	vpop (xrf2)  }
0x4d1: {  	(erf) = vrcp.f32 v17;
	v19 =	vadd.f32 $1.000000000e+00, v36;
	v39 =	vmul.f32 $1.442695020e+00, v38  }
0x4d2: {  	(erf) = vrcp.f32 v18;
	v40 =	vbroadcast v21, $0xF  }
0x4d3: {  	(erf) = vrcp.f32 v19;
	v17 =	vbroadcast v39, $0xF  }
0x4d4: {  	(erf) = vpow2.f32 v40  }
0x4d5: {  	s11 =	rddreg [dreg:$0xd];
	(erf) = vpow2.f32 v17  }
0x4d6: {  	s12 =	rddreg [dreg:$0xa];
	v41 =	vld [tilespmem:s11+$0x2180]  }
0x4d7: {  	v4 =	vmul.f32 v11, v4;
	s14 =	rddreg [dreg:$0x10];
	v42 =	vld [tilespmem:s12+$0x2180]  }
0x4d8: {  	v5 =	vmul.f32 v12, v5;
	s13 =	sor.u32 $0x470, s23;
	s16 =	rddreg [dreg:$0x7]  }
0x4d9: {  	v44 =	vld [tilespmem:s13+$0x2180];
	s15 =	rddreg [dreg:$0xc];
	[tilespmem:s16+$0xFFFFFFF0] =	vst v4  }
0x4da: {  	v6 =	vmul.f32 v9, v6;
	v46 =	vld [tilespmem:s14+$0x2180];
	[tilespmem:s16+$0x70] =	vst v5;
	v43 =	vpop (erf)  }
0x4db: {  	v48 =	vld [tilespmem:s15+$0x2180];
	s0 =	rddreg [dreg:$0x9];
	v49 =	vmul.f32 v13, v41;
	v45 =	vpop (erf)  }
0x4dc: {  	[tilespmem:s7+$0xFFFFFF70] =	vst v6;
	v5 =	vld [tilespmem:s0+$0x2180];
	v52 =	vmul.f32 v14, v42;
	v47 =	vpop (erf)  }
0x4dd: {  	s18 =	rddreg [dreg:$0xf];
	[tilespmem:s7+$0xFFFFFFF0] =	vst v49;
	v4 =	vpop (erf)  }
0x4de: {  	s17 =	sor.u32 $0x470, s17;
	v10 =	vmul.f32 v10, v44;
	[tilespmem:s7+$0x70] =	vst v52;
	v4 =	vadd.f32 $1.000000000e+00, v4;
	v50 =	vpop (erf)  }
0x4df: {  	v51 =	vld [tilespmem:s17+$0x2180];
	v54 =	vmul.f32 v7, v46;
	s19 =	rddreg [dreg:$0xe];
	v13 =	vadd.f32 $1.000000000e+00, v50  }
0x4e0: {  	s23 =	sor.u32 $0x470, s2;
	v53 =	vld [tilespmem:s18+$0x2180];
	v56 =	vmul.f32 v20, v48;
	s21 =	rddreg [dreg:$0xb];
	[tilespmem:s22+$0xF0] =	vst v10;
	(erf) = vrcp.f32 v4  }
0x4e1: {  	v57 =	vld [tilespmem:s23+$0x2180];
	v5 =	vmul.f32 v23, v5;
	[tilespmem:s22+$0xFFFFFF70] =	vst v54;
	(erf) = vrcp.f32 v13  }
0x4e2: {  	s24 =	rddreg [dreg:$0x12];
	[tilespmem:s22+$0xFFFFFFF0] =	vst v56;
	v4 =	vld [tilespmem:s19+$0x2180]  }
0x4e3: {  	v55 =	vld [tilespmem:s21+$0x2180];
	[tilespmem:s22+$0x70] =	vst v5  }
0x4e4: {  	v8 =	vmul.f32 v8, v51;
	v58 =	vld [tilespmem:s24+$0x2180];
	s25 =	rddreg [dreg:$0x18]  }
0x4e5: {  	v59 =	vmul.f32 v15, v53;
	s26 =	rddreg [dreg:$0x11];
	v5 =	vld [tilespmem:s25+$0x2180]  }
0x4e6: {  	v61 =	vmul.f32 v16, v57;
	[tilespmem:s20+$0xF0] =	vst v8;
	v60 =	vld [tilespmem:s26+$0x2180]  }
0x4e7: {  	[tilespmem:s20+$0xFFFFFF70] =	vst v59;
	v4 =	vmul.f32 v45, v4  }
0x4e8: {  	[tilespmem:s28+$0xF0] =	vst v61;
	v7 =	vmul.f32 v47, v55  }
0x4e9: {  	[tilespmem:s20+$0xFFFFFFF0] =	vst v4;
	v4 =	vmul.f32 v43, v58;
	v62 =	vpop (erf)  }
0x4ea: {  	[tilespmem:s20+$0x70] =	vst v7;
	v5 =	vmul.f32 v62, v5;
	v63 =	vpop (erf)  }
0x4eb: {  	[tilespmem:s28+$0xFFFFFF70] =	vst v4;
	v4 =	vmul.f32 v63, v60  }
0x4ec: {  	s29 =	simm.s32 $0x6180;
	s6 =	simm.s32 $0x80;
	[tilespmem:s28+$0xFFFFFFF0] =	vst v5  }
0x4ed: {  	s3 =	simm.s32 $0x3;
	s5 =	simm.s32 $0x40;
	[tilespmem:s28+$0x70] =	vst v4;
	s28 =	rddreg [dreg:$0x2]  }
0x4ee: {  	[spmem:s28] =	stream.indirect.scatter.add.f32 [tilespmem:s29], [sflag:$0x3], $0x80, s6, s5, $0xb8;
	[tilespmem:$0x1C180] =	vst v63  }
0x4ef: {  	_ =	swait.ge [sflag:s3], $0x2000  }
0x4f0: {  	s30 =	sld [smem:$0x7C5]  }
0x4f1: {  	s31 =	sld [smem:$0x7F9];
	_ =	sdelay $0x1  }
0x4f2: {  	s1 =	sadd.s32 $0x1, s30  }
0x4f3: {  	p0 =	sne.s32 s1, s31  }
.Ltmp2:
0x4f4: {  	_ = 	snop;
	(pc) =	sbr.rel @p0 .LBB2_4-.Ltmp2, $3  }
0x4f5: {  	_ =	sdelay $0x1  }
0x4f6: {  	[sflag:s3] =	ssyncset.done $0x0  }
0x4f7: {  	[sflag:s3] =	ssyncadd.s32 $0xFFFFE000  }
0x4f8: {  	[bflag:$0x0] =	sbarrier.arrive $0xFFFF  }
0x4f9: {  	s4 =	sld [smem:$0x7FD]  }
0x4fa: {  	s0 =	stileid.u32;
	s2 =	sld [smem:$0x7FB]  }
0x4fb: {  	s0 =	sshll.u32 s0, $0x6  }
0x4fc: {  	s0 =	sor.u32 $0x1C03, s0;
	s1 =	sshrl.u32 s4, $0x3  }
0x4fd: {  	[hbm:s2], [sflag:s0] =	dma.local [spmem:s1], $0x2800  }
0x4fe: {  	_ =	swait.ge [sflag:s3], $0x2800  }
0x4ff: {  	s7 =	sld [smem:$0x7ED]  }
0x500: {  	s31 =	sld [smem:$0x7FC];
	_ =	sdelay $0x1  }
0x501: {  	s7 =	sadd.s32 $0x1, s7  }
0x502: {  	p0 =	sne.s32 s7, s31  }
.Ltmp3:
0x503: {  	_ = 	snop;
	(pc) =	sbr.rel @p0 .LBB2_1-.Ltmp3, $3  }
0x504: {  	_ =	sdelay $0x1  }
0x505: {  	[sflag:s3] =	ssyncset.done $0x0  }
0x506: {  	[sflag:s3] =	ssyncadd.s32 $0xFFFFD800  }
0x507: {  	_ =	sfence.sel $0x180000  }
0x508: {  	[bflag:$0x0] =	sbarrier.arrive $0xFFFF  }
0x509: {  	_ =	strace $0x90000047  }
0x50a: {  	s0 =	stileid.u32;
	[bflag:$0x2] =	sbarrier.arrive $0xFFFF  }
0x50b: {  	p0 =	sne.s32 s0, $0x0;
	s0 =	rddreg [dreg:$0x3]  }
0x50c: {  	s0 =	sadd.s32 @!p0 $0x100000, s0  }
0x50d: {  	[sflag:s0] =	ssyncadd.tile.s32 @!p0 $0x1;
	_ =	shalt  }
.Lfunc_end2:
_tile_overlayer_lowered:
.L_overlay_start_2:
0x50e: {  	(tag) =	ssettag $0x2  }
0x50f: {  	s0 =	rddreg [dreg:$0x0];
	s2 =	stileid.u32  }
0x510: {  	s1 =	rddreg [dreg:$0x1];
	p0 =	sne.s32 s2, $0x0  }
0x511: {  	s3 =	rddreg [dreg:$0x2];
	[bflag:$0x3] =	sbarrier.arrive $0xFFFF;
	s2 =	simm.s32 @!p0 $0x1C03  }
0x512: {  	[timem:s3], [sflag:s2] =	dma.local @!p0 [hbm:s0], s1  }
0x513: {  	s0 =	simm.s32 @!p0 $0x3  }
0x514: {  	_ =	swait.ge @!p0 [sflag:s0], s1  }
0x515: {  	s1 =	ssub.s32 @!p0 $0x0, s1;
	[sflag:s0] =	ssyncset.done @!p0 $0x0  }
0x516: {  	[sflag:s0] =	ssyncadd.s32 @!p0 s1  }
0x517: {  	[bflag:$0x3] =	sbarrier.arrive $0xFFFF  }
0x518: {  	_ =	shalt  }

</sc_bundles>
